<compile_context>
chip_gen: v7x
topology: tpu7x:2x2x1
jax: 0.10.2.dev20260603
libtpu: 0.0.44.dev20260713+nightly
codegen_flags: <defaults>
</compile_context>

<pallas_src>
import functools

import jax
import jax.numpy as jnp
from jax import lax
from jax.experimental import pallas as pl
from jax.experimental.pallas import tpu as pltpu
from jax.experimental.pallas import tpu_sc as plsc

N_NODES = 10000
N_EDGES = 320000
D_FEAT = 128
HID = 16
NG = 64

NODES_P = 10240
EDGES_P = 327680
NCORE = 2
NSUB = 16
NW = NCORE * NSUB
CHUNK = 128
NCHUNK = EDGES_P // (NW * CHUNK)
RPT = NODES_P // NSUB
KBUF = 4
RB = 1280
GRID = NODES_P // RB


def _seg_sum16(y_hbm, src2d, dst2d):
    mesh = plsc.VectorSubcoreMesh(core_axis_name="c", subcore_axis_name="s")

    @functools.partial(
        pl.kernel,
        out_type=jax.ShapeDtypeStruct((NCORE, NODES_P, HID), jnp.float32),
        mesh=mesh,
        compiler_params=pltpu.CompilerParams(use_tc_tiling_on_sc=False),
        scratch_types=[
            pltpu.VMEM((NCHUNK, CHUNK), jnp.int32),
            pltpu.VMEM((NCHUNK, CHUNK), jnp.int32),
            pltpu.VMEM((2, KBUF, CHUNK, HID), jnp.float32),
            pltpu.VMEM((RPT, HID), jnp.float32),
            pltpu.VMEM_SHARED((NODES_P, HID), jnp.float32),
            pltpu.SemaphoreType.DMA,
            pltpu.SemaphoreType.DMA,
            pltpu.SemaphoreType.DMA,
        ],
    )
    def k(y_ref, src_ref, dst_ref, out_ref, src_v, dst_v, rows_v, stage_v,
          acc_sh, gsem, ssem0, ssem1):
        cid = lax.axis_index("c")
        sid = lax.axis_index("s")
        wid = cid * NSUB + sid

        def zrow(i, carry):
            stage_v[i, :] = jnp.zeros((HID,), jnp.float32)
            return carry
        lax.fori_loop(0, RPT, zrow, 0)
        pltpu.sync_copy(stage_v, acc_sh.at[pl.ds(sid * RPT, RPT)])

        pltpu.sync_copy(src_ref.at[pl.ds(wid * NCHUNK, NCHUNK)], src_v)
        pltpu.sync_copy(dst_ref.at[pl.ds(wid * NCHUNK, NCHUNK)], dst_v)

        plsc.subcore_barrier()

        def fire_gathers(g, h):
            for b in range(KBUF):
                pltpu.async_copy(
                    y_ref.at[src_v.at[g * KBUF + b]], rows_v.at[h, b], gsem)

        def wait_gathers(g, h):
            for b in range(KBUF):
                pltpu.make_async_copy(
                    y_ref.at[src_v.at[g * KBUF + b]], rows_v.at[h, b],
                    gsem).wait()

        def fire_scatters(g, h):
            sem = ssem0 if h == 0 else ssem1
            for b in range(KBUF):
                pltpu.async_copy(
                    rows_v.at[h, b], acc_sh.at[dst_v.at[g * KBUF + b]],
                    sem, add=True)

        def wait_scatters(g, h):
            sem = ssem0 if h == 0 else ssem1
            for b in range(KBUF):
                pltpu.make_async_copy(
                    rows_v.at[h, b], acc_sh.at[dst_v.at[g * KBUF + b]],
                    sem).wait()

        npairs = NCHUNK // (2 * KBUF)
        fire_gathers(0, 0)

        def pair(t, carry):
            ga = 2 * t
            gb = 2 * t + 1
            wait_gathers(ga, 0)
            fire_scatters(ga, 0)

            @pl.when(t >= 1)
            def _():
                wait_scatters(gb - 2, 1)
            fire_gathers(gb, 1)
            wait_gathers(gb, 1)
            fire_scatters(gb, 1)
            wait_scatters(ga, 0)

            @pl.when(t + 1 < npairs)
            def _():
                fire_gathers(ga + 2, 0)
            return carry
        lax.fori_loop(0, npairs, pair, 0)
        wait_scatters(NCHUNK // KBUF - 1, 1)

        plsc.subcore_barrier()

        pltpu.sync_copy(acc_sh.at[pl.ds(sid * RPT, RPT)], stage_v)
        pltpu.sync_copy(stage_v, out_ref.at[cid, pl.ds(sid * RPT, RPT)])

    return k(y_hbm, src2d, dst2d)


def _proj0(x_pad, w1):
    def body(x_ref, w_ref, o_ref):
        o_ref[...] = jnp.dot(x_ref[...], w_ref[...],
                             preferred_element_type=jnp.float32)

    return pl.pallas_call(
        body,
        grid=(GRID,),
        in_specs=[
            pl.BlockSpec((RB, D_FEAT), lambda i: (i, 0)),
            pl.BlockSpec((D_FEAT, HID), lambda i: (0, 0)),
        ],
        out_specs=pl.BlockSpec((RB, HID), lambda i: (i, 0)),
        out_shape=jax.ShapeDtypeStruct((NODES_P, HID), jnp.float32),
    )(x_pad, w1)


def _mid(segp0, y0, b1_0, w2_0, b2_0, w1_1):
    def body(sp_ref, y_ref, b1_ref, w2_ref, b2_ref, w11_ref, o_ref):
        seg = sp_ref[0] + sp_ref[1]
        t = jnp.maximum(seg + y_ref[...] + b1_ref[...], 0.0)
        t = jnp.dot(t, w2_ref[...], preferred_element_type=jnp.float32)
        t = jnp.maximum(t + b2_ref[...], 0.0)
        o_ref[...] = jnp.dot(t, w11_ref[...],
                             preferred_element_type=jnp.float32)

    return pl.pallas_call(
        body,
        grid=(GRID,),
        in_specs=[
            pl.BlockSpec((NCORE, RB, HID), lambda i: (0, i, 0)),
            pl.BlockSpec((RB, HID), lambda i: (i, 0)),
            pl.BlockSpec((1, HID), lambda i: (0, 0)),
            pl.BlockSpec((HID, HID), lambda i: (0, 0)),
            pl.BlockSpec((1, HID), lambda i: (0, 0)),
            pl.BlockSpec((HID, HID), lambda i: (0, 0)),
        ],
        out_specs=pl.BlockSpec((RB, HID), lambda i: (i, 0)),
        out_shape=jax.ShapeDtypeStruct((NODES_P, HID), jnp.float32),
    )(segp0, y0, b1_0, w2_0, b2_0, w1_1)


def _head(segp1, y1, b1_1, w2_1, b2_1, batch_r, w_out, b_out):
    def body(sp_ref, y_ref, b1_ref, w2_ref, b2_ref, bt_ref, wo_ref, bo_ref,
             o_ref, sums, cnts):
        i = pl.program_id(0)

        @pl.when(i == 0)
        def _init():
            sums[...] = jnp.zeros_like(sums)
            cnts[...] = jnp.zeros_like(cnts)

        seg = sp_ref[0] + sp_ref[1]
        t = jnp.maximum(seg + y_ref[...] + b1_ref[...], 0.0)
        h2 = jnp.dot(t, w2_ref[...], preferred_element_type=jnp.float32)
        h2 = h2 + b2_ref[...]

        bvals = bt_ref[0]
        gids = lax.broadcasted_iota(jnp.int32, (NG, RB), 0)
        onehot = (bvals == gids).astype(jnp.float32)
        sums[...] += jnp.dot(onehot, h2, preferred_element_type=jnp.float32)
        cnts[...] += jnp.dot(onehot, jnp.ones((RB, HID), jnp.float32),
                             preferred_element_type=jnp.float32)

        @pl.when(i == GRID - 1)
        def _final():
            pooled = sums[...] / jnp.maximum(cnts[...], 1.0)
            g = jnp.maximum(pooled, 0.0)
            o_ref[...] = jnp.dot(g, wo_ref[...],
                                 preferred_element_type=jnp.float32)
            o_ref[...] += bo_ref[...]

    return pl.pallas_call(
        body,
        grid=(GRID,),
        in_specs=[
            pl.BlockSpec((NCORE, RB, HID), lambda i: (0, i, 0)),
            pl.BlockSpec((RB, HID), lambda i: (i, 0)),
            pl.BlockSpec((1, HID), lambda i: (0, 0)),
            pl.BlockSpec((HID, HID), lambda i: (0, 0)),
            pl.BlockSpec((1, HID), lambda i: (0, 0)),
            pl.BlockSpec((1, 1, RB), lambda i: (i, 0, 0)),
            pl.BlockSpec((HID, 1), lambda i: (0, 0)),
            pl.BlockSpec((1, 1), lambda i: (0, 0)),
        ],
        out_specs=pl.BlockSpec((NG, 1), lambda i: (0, 0)),
        out_shape=jax.ShapeDtypeStruct((NG, 1), jnp.float32),
        scratch_shapes=[
            pltpu.VMEM((NG, HID), jnp.float32),
            pltpu.VMEM((NG, HID), jnp.float32),
        ],
    )(segp1, y1, b1_1, w2_1, b2_1, batch_r, w_out, b_out)


def kernel(x, edge_index, batch, W1_0, b1_0, W2_0, b2_0, W1_1, b1_1, W2_1,
           b2_1, W_out, b_out):
    x_pad = jnp.pad(x, ((0, NODES_P - N_NODES), (0, 0)))
    src = edge_index[0]
    dst = edge_index[1]
    pad_e = EDGES_P - N_EDGES
    pad_iota = jnp.arange(pad_e, dtype=jnp.int32)
    src2d = jnp.concatenate(
        [src, pad_iota % N_NODES]).reshape(EDGES_P // CHUNK, CHUNK)
    dst2d = jnp.concatenate(
        [dst, N_NODES + pad_iota % (NODES_P - N_NODES)]).reshape(
            EDGES_P // CHUNK, CHUNK)
    batch_r = jnp.concatenate(
        [batch, jnp.full((NODES_P - N_NODES,), NG, jnp.int32)]).reshape(
            GRID, 1, RB)

    y0 = _proj0(x_pad, W1_0)
    segp0 = _seg_sum16(y0, src2d, dst2d)
    y1 = _mid(segp0, y0, b1_0.reshape(1, HID), W2_0, b2_0.reshape(1, HID),
              W1_1)
    segp1 = _seg_sum16(y1, src2d, dst2d)
    out = _head(segp1, y1, b1_1.reshape(1, HID), W2_1, b2_1.reshape(1, HID),
                batch_r, W_out, b_out.reshape(1, 1))
    return jnp.reshape(out, (-1,))

# --- scband reference (transcript-rebuilt; emitter-appended) ---
"""Pipeline reference for scband-ginmodel-58746562675252 (READ-ONLY COPY).

The authoritative reference and input builder live on the scoring server;
editing this copy changes nothing except your own understanding.
"""

import jax, jax.numpy as jnp
import numpy as np

N_NODES = 10000
N_EDGES = 320000
D_FEAT = 128
N_HIDDEN = 16
N_GRAPHS = 64


def setup_inputs(seed: int = 0) -> dict:
    key = jax.random.key(seed)
    ks = jax.random.split(key, 16)
    x = jax.random.normal(ks[0], (N_NODES, D_FEAT), dtype=jnp.float32)
    edge_index = jax.random.randint(ks[1], (2, N_EDGES), 0, N_NODES, dtype=jnp.int32)
    batch = jnp.sort(jax.random.randint(ks[2], (N_NODES,), 0, N_GRAPHS, dtype=jnp.int32))

    def lin(k, fi, fo):
        return (jax.random.normal(k, (fi, fo), dtype=jnp.float32) / np.sqrt(fi)).astype(jnp.float32)

    params = {
        'W1_0': lin(ks[3], D_FEAT, N_HIDDEN), 'b1_0': jnp.zeros((N_HIDDEN,), jnp.float32),
        'W2_0': lin(ks[4], N_HIDDEN, N_HIDDEN), 'b2_0': jnp.zeros((N_HIDDEN,), jnp.float32),
        'W1_1': lin(ks[5], N_HIDDEN, N_HIDDEN), 'b1_1': jnp.zeros((N_HIDDEN,), jnp.float32),
        'W2_1': lin(ks[6], N_HIDDEN, N_HIDDEN), 'b2_1': jnp.zeros((N_HIDDEN,), jnp.float32),
        'W_out': lin(ks[7], N_HIDDEN, 1), 'b_out': jnp.zeros((1,), jnp.float32),
    }
    return {'x': x, 'edge_index': edge_index, 'batch': batch, **params}


def _gin_conv(x, src, dst, W1, b1, W2, b2):
    # GINConv: nn((1+eps)*x + sum_{j in N(i)} x_j), eps=0, nn = MLP([in, hid, hid]) = Lin->ReLU->Lin
    agg = jax.ops.segment_sum(x[src], dst, num_segments=N_NODES)
    h = agg + x
    h = jnp.maximum(h @ W1 + b1, 0.0)
    h = h @ W2 + b2
    return h


def reference(x, edge_index, batch, W1_0, b1_0, W2_0, b2_0, W1_1, b1_1, W2_1, b2_1, W_out, b_out):
    src = edge_index[0]
    dst = edge_index[1]
    # PyG BasicGNN(GIN): conv -> ReLU -> dropout(eval: identity) between layers; no act after last conv
    h = _gin_conv(x, src, dst, W1_0, b1_0, W2_0, b2_0)
    h = jnp.maximum(h, 0.0)
    h = _gin_conv(h, src, dst, W1_1, b1_1, W2_1, b2_1)
    # global_mean_pool over graph ids
    sums = jax.ops.segment_sum(h, batch, num_segments=N_GRAPHS)
    cnts = jax.ops.segment_sum(jnp.ones((N_NODES,), jnp.float32), batch, num_segments=N_GRAPHS)
    pooled = sums / jnp.maximum(cnts, 1.0)[:, None]
    g = jnp.maximum(pooled, 0.0)  # F.relu; dropout inactive in eval; n_lin=0 -> no hidden lins
    out = g @ W_out + b_out
    return jnp.reshape(out, (-1,))

if __name__ == "__main__":
    import jax
    _d = setup_inputs()
    print(jax.jit(kernel)(*tuple(_d.values())))

</pallas_src>

<mosaic_0001>
#map = affine_map<(d0, d1) -> (0, 0)>
#map1 = affine_map<(d0, d1) -> (0, 0, 0)>
module attributes {stable_mosaic.version = 14 : i64} {
  func.func @k(%arg0: i32, %arg1: i32, %arg2: memref<10240x16xf32, #tpu.memory_space<hbm>>, %arg3: memref<2560x128xi32, #tpu.memory_space<hbm>>, %arg4: memref<2560x128xi32, #tpu.memory_space<hbm>>, %arg5: memref<2x10240x16xf32, #tpu.memory_space<hbm>>, %arg6: memref<80x128xi32, #tpu.memory_space<vmem>>, %arg7: memref<80x128xi32, #tpu.memory_space<vmem>>, %arg8: memref<2x4x128x16xf32, #tpu.memory_space<vmem>>, %arg9: memref<640x16xf32, #tpu.memory_space<vmem>>, %arg10: memref<10240x16xf32, #tpu.memory_space<vmem_shared>>, %arg11: memref<!tpu.dma_semaphore, #tpu.memory_space<semaphore_mem>>, %arg12: memref<!tpu.dma_semaphore, #tpu.memory_space<semaphore_mem>>, %arg13: memref<!tpu.dma_semaphore, #tpu.memory_space<semaphore_mem>>) attributes {dimension_semantics = [#tpu.dimension_semantics<core_parallel>, #tpu.dimension_semantics<subcore_parallel>], iteration_bounds = array<i64: 2, 16>, scalar_prefetch = 0 : i64, scratch_operands = 8 : i64, tpu.core_type = #tpu.core_type<sc_vector_subcore>, window_params = [{transform_indices = #map}, {transform_indices = #map}, {transform_indices = #map}, {transform_indices = #map1}]} {
    %mul3A = arith.constant 16 : i32
    %mul3A_0 = arith.muli %arg0, %mul3A : i32
    %add3A = arith.addi %mul3A_0, %arg1 : i32
    %scan3A = arith.constant 0 : i32
    %scan3A_1 = arith.constant 0 : i32
    %scan3A_2 = arith.constant 640 : i32
    %scan3A_3 = arith.addi %scan3A_1, %scan3A_2 : i32
    %scan3A_4 = arith.constant 1 : i32
    scf.for %scan3A_125 = %scan3A_1 to %scan3A_3 step %scan3A_4  : i32 {
      %broadcast_in_dim3A = arith.constant 0.000000e+00 : f32
      %broadcast_in_dim3A_126 = vector.broadcast %broadcast_in_dim3A : f32 to vector<16xf32>
      %swap3A = arith.index_cast %scan3A_125 : i32 to index
      %swap3A_127 = arith.constant 0 : index
      %swap3A_128 = tpu.vector_load %arg9[%swap3A, %swap3A_127] {strides = array<i32>} : memref<640x16xf32, #tpu.memory_space<vmem>>, vector<1x16xf32>,
      %swap3A_129 = vector.shape_cast %swap3A_128 : vector<1x16xf32> to vector<16xf32>
      %swap3A_130 = vector.shape_cast %broadcast_in_dim3A_126 : vector<16xf32> to vector<1x16xf32>
      tpu.vector_store %arg9[%swap3A, %swap3A_127], %swap3A_130 {strides = array<i32>} : memref<640x16xf32, #tpu.memory_space<vmem>>, vector<1x16xf32>,
    }
    %scan3A_5 = arith.constant 640 : i32
    %mul3A_6 = arith.constant 640 : i32
    %mul3A_7 = arith.muli %arg1, %mul3A_6 : i32
    "tpu.region"() ({
      %run_scoped3A = tpu.sem_alloc : memref<!tpu.dma_semaphore, #tpu.memory_space<semaphore_mem>>
      %dma_start3A_125 = arith.constant 0 : i32
      %dma_start3A_126 = tpu.memref_slice %arg10[%mul3A_7, %dma_start3A_125] : memref<10240x16xf32, #tpu.memory_space<vmem_shared>> -> memref<640x16xf32, #tpu.memory_space<vmem_shared>>
      %dma_start3A_127 = arith.constant 0 : i32
      %dma_start3A_128 = tpu.memref_slice %arg10[%mul3A_7, %dma_start3A_127] : memref<10240x16xf32, #tpu.memory_space<vmem_shared>> -> memref<640x16xf32, #tpu.memory_space<vmem_shared>>
      tpu.enqueue_dma source(%arg9 : memref<640x16xf32, #tpu.memory_space<vmem>>) target(%dma_start3A_128 : memref<640x16xf32, #tpu.memory_space<vmem_shared>>) target_semaphore(%run_scoped3A : memref<!tpu.dma_semaphore, #tpu.memory_space<semaphore_mem>>)
      %dma_wait3A_129 = arith.constant 0 : i32
      %dma_wait3A_130 = tpu.memref_slice %arg10[%mul3A_7, %dma_wait3A_129] : memref<10240x16xf32, #tpu.memory_space<vmem_shared>> -> memref<640x16xf32, #tpu.memory_space<vmem_shared>>
      %dma_wait3A_131 = arith.constant 0 : i32
      %dma_wait3A_132 = tpu.memref_slice %arg10[%mul3A_7, %dma_wait3A_131] : memref<10240x16xf32, #tpu.memory_space<vmem_shared>> -> memref<640x16xf32, #tpu.memory_space<vmem_shared>>
      tpu.wait_dma2 semaphore(%run_scoped3A : memref<!tpu.dma_semaphore, #tpu.memory_space<semaphore_mem>>) src(%arg9 : memref<640x16xf32, #tpu.memory_space<vmem>>) dst(%dma_wait3A_132 : memref<640x16xf32, #tpu.memory_space<vmem_shared>>)
      tpu.yield
    }) : () -> ()
    %mul3A_8 = arith.constant 80 : i32
    %mul3A_9 = arith.muli %add3A, %mul3A_8 : i32
    "tpu.region"() ({
      %run_scoped3A = tpu.sem_alloc : memref<!tpu.dma_semaphore, #tpu.memory_space<semaphore_mem>>
      %dma_start3A_125 = arith.constant 0 : i32
      %dma_start3A_126 = tpu.memref_slice %arg3[%mul3A_9, %dma_start3A_125] : memref<2560x128xi32, #tpu.memory_space<hbm>> -> memref<80x128xi32, #tpu.memory_space<hbm>>
      %dma_start3A_127 = arith.constant 0 : i32
      %dma_start3A_128 = tpu.memref_slice %arg3[%mul3A_9, %dma_start3A_127] : memref<2560x128xi32, #tpu.memory_space<hbm>> -> memref<80x128xi32, #tpu.memory_space<hbm>>
      tpu.enqueue_dma source(%dma_start3A_128 : memref<80x128xi32, #tpu.memory_space<hbm>>) target(%arg6 : memref<80x128xi32, #tpu.memory_space<vmem>>) target_semaphore(%run_scoped3A : memref<!tpu.dma_semaphore, #tpu.memory_space<semaphore_mem>>)
      %dma_wait3A_129 = arith.constant 0 : i32
      %dma_wait3A_130 = tpu.memref_slice %arg3[%mul3A_9, %dma_wait3A_129] : memref<2560x128xi32, #tpu.memory_space<hbm>> -> memref<80x128xi32, #tpu.memory_space<hbm>>
      %dma_wait3A_131 = arith.constant 0 : i32
      %dma_wait3A_132 = tpu.memref_slice %arg3[%mul3A_9, %dma_wait3A_131] : memref<2560x128xi32, #tpu.memory_space<hbm>> -> memref<80x128xi32, #tpu.memory_space<hbm>>
      tpu.wait_dma2 semaphore(%run_scoped3A : memref<!tpu.dma_semaphore, #tpu.memory_space<semaphore_mem>>) src(%dma_wait3A_132 : memref<80x128xi32, #tpu.memory_space<hbm>>) dst(%arg6 : memref<80x128xi32, #tpu.memory_space<vmem>>)
      tpu.yield
    }) : () -> ()
    %mul3A_10 = arith.constant 80 : i32
    %mul3A_11 = arith.muli %add3A, %mul3A_10 : i32
    "tpu.region"() ({
      %run_scoped3A = tpu.sem_alloc : memref<!tpu.dma_semaphore, #tpu.memory_space<semaphore_mem>>
      %dma_start3A_125 = arith.constant 0 : i32
      %dma_start3A_126 = tpu.memref_slice %arg4[%mul3A_11, %dma_start3A_125] : memref<2560x128xi32, #tpu.memory_space<hbm>> -> memref<80x128xi32, #tpu.memory_space<hbm>>
      %dma_start3A_127 = arith.constant 0 : i32
      %dma_start3A_128 = tpu.memref_slice %arg4[%mul3A_11, %dma_start3A_127] : memref<2560x128xi32, #tpu.memory_space<hbm>> -> memref<80x128xi32, #tpu.memory_space<hbm>>
      tpu.enqueue_dma source(%dma_start3A_128 : memref<80x128xi32, #tpu.memory_space<hbm>>) target(%arg7 : memref<80x128xi32, #tpu.memory_space<vmem>>) target_semaphore(%run_scoped3A : memref<!tpu.dma_semaphore, #tpu.memory_space<semaphore_mem>>)
      %dma_wait3A_129 = arith.constant 0 : i32
      %dma_wait3A_130 = tpu.memref_slice %arg4[%mul3A_11, %dma_wait3A_129] : memref<2560x128xi32, #tpu.memory_space<hbm>> -> memref<80x128xi32, #tpu.memory_space<hbm>>
      %dma_wait3A_131 = arith.constant 0 : i32
      %dma_wait3A_132 = tpu.memref_slice %arg4[%mul3A_11, %dma_wait3A_131] : memref<2560x128xi32, #tpu.memory_space<hbm>> -> memref<80x128xi32, #tpu.memory_space<hbm>>
      tpu.wait_dma2 semaphore(%run_scoped3A : memref<!tpu.dma_semaphore, #tpu.memory_space<semaphore_mem>>) src(%dma_wait3A_132 : memref<80x128xi32, #tpu.memory_space<hbm>>) dst(%arg7 : memref<80x128xi32, #tpu.memory_space<vmem>>)
      tpu.yield
    }) : () -> ()
    %barrier3A = arith.constant 0 : index
    tpu.barrier barrier_id(%barrier3A)
    %dma_start3A = arith.constant 0 : i32
    %dma_start3A_12 = arith.constant 0 : i32
    %dma_start3A_13 = arith.constant 0 : i32
    %dma_start3A_14 = arith.constant 0 : i32
    %dma_start3A_15 = arith.constant 0 : i32
    %dma_start3A_16 = tpu.memref_slice %arg8[%dma_start3A_12, %dma_start3A_13, %dma_start3A_14, %dma_start3A_15] : memref<2x4x128x16xf32, #tpu.memory_space<vmem>> -> memref<1x1x128x16xf32, #tpu.memory_space<vmem>>
    %dma_start3A_17 = tpu.memref_squeeze %dma_start3A_16 : memref<1x1x128x16xf32, #tpu.memory_space<vmem>> -> memref<128x16xf32, #tpu.memory_space<vmem>>
    %dma_start3A_18 = arith.constant 0 : i32
    %dma_start3A_19 = tpu.memref_slice %arg6[%dma_start3A, %dma_start3A_18] : memref<80x128xi32, #tpu.memory_space<vmem>> -> memref<1x128xi32, #tpu.memory_space<vmem>>
    %dma_start3A_20 = tpu.memref_squeeze %dma_start3A_19 : memref<1x128xi32, #tpu.memory_space<vmem>> -> memref<128xi32, #tpu.memory_space<vmem>>
    %dma_start3A_21 = arith.constant 0 : i32
    %dma_start3A_22 = arith.constant 0 : i32
    %dma_start3A_23 = tpu.memref_slice %arg2[%dma_start3A_21, %dma_start3A_22] : memref<10240x16xf32, #tpu.memory_space<hbm>> -> memref<10240x16xf32, #tpu.memory_space<hbm>>
    tpu.enqueue_indirect_dma source(%dma_start3A_23 : memref<10240x16xf32, #tpu.memory_space<hbm>>) target(%dma_start3A_17 : memref<128x16xf32, #tpu.memory_space<vmem>>) offsets(%dma_start3A_20 : memref<128xi32, #tpu.memory_space<vmem>>) semaphore(%arg11 : memref<!tpu.dma_semaphore, #tpu.memory_space<semaphore_mem>>)
    %dma_start3A_24 = arith.constant 1 : i32
    %dma_start3A_25 = arith.constant 0 : i32
    %dma_start3A_26 = arith.constant 1 : i32
    %dma_start3A_27 = arith.constant 0 : i32
    %dma_start3A_28 = arith.constant 0 : i32
    %dma_start3A_29 = tpu.memref_slice %arg8[%dma_start3A_25, %dma_start3A_26, %dma_start3A_27, %dma_start3A_28] : memref<2x4x128x16xf32, #tpu.memory_space<vmem>> -> memref<1x1x128x16xf32, #tpu.memory_space<vmem>>
    %dma_start3A_30 = tpu.memref_squeeze %dma_start3A_29 : memref<1x1x128x16xf32, #tpu.memory_space<vmem>> -> memref<128x16xf32, #tpu.memory_space<vmem>>
    %dma_start3A_31 = arith.constant 0 : i32
    %dma_start3A_32 = tpu.memref_slice %arg6[%dma_start3A_24, %dma_start3A_31] : memref<80x128xi32, #tpu.memory_space<vmem>> -> memref<1x128xi32, #tpu.memory_space<vmem>>
    %dma_start3A_33 = tpu.memref_squeeze %dma_start3A_32 : memref<1x128xi32, #tpu.memory_space<vmem>> -> memref<128xi32, #tpu.memory_space<vmem>>
    %dma_start3A_34 = arith.constant 0 : i32
    %dma_start3A_35 = arith.constant 0 : i32
    %dma_start3A_36 = tpu.memref_slice %arg2[%dma_start3A_34, %dma_start3A_35] : memref<10240x16xf32, #tpu.memory_space<hbm>> -> memref<10240x16xf32, #tpu.memory_space<hbm>>
    tpu.enqueue_indirect_dma source(%dma_start3A_36 : memref<10240x16xf32, #tpu.memory_space<hbm>>) target(%dma_start3A_30 : memref<128x16xf32, #tpu.memory_space<vmem>>) offsets(%dma_start3A_33 : memref<128xi32, #tpu.memory_space<vmem>>) semaphore(%arg11 : memref<!tpu.dma_semaphore, #tpu.memory_space<semaphore_mem>>)
    %dma_start3A_37 = arith.constant 2 : i32
    %dma_start3A_38 = arith.constant 0 : i32
    %dma_start3A_39 = arith.constant 2 : i32
    %dma_start3A_40 = arith.constant 0 : i32
    %dma_start3A_41 = arith.constant 0 : i32
    %dma_start3A_42 = tpu.memref_slice %arg8[%dma_start3A_38, %dma_start3A_39, %dma_start3A_40, %dma_start3A_41] : memref<2x4x128x16xf32, #tpu.memory_space<vmem>> -> memref<1x1x128x16xf32, #tpu.memory_space<vmem>>
    %dma_start3A_43 = tpu.memref_squeeze %dma_start3A_42 : memref<1x1x128x16xf32, #tpu.memory_space<vmem>> -> memref<128x16xf32, #tpu.memory_space<vmem>>
    %dma_start3A_44 = arith.constant 0 : i32
    %dma_start3A_45 = tpu.memref_slice %arg6[%dma_start3A_37, %dma_start3A_44] : memref<80x128xi32, #tpu.memory_space<vmem>> -> memref<1x128xi32, #tpu.memory_space<vmem>>
    %dma_start3A_46 = tpu.memref_squeeze %dma_start3A_45 : memref<1x128xi32, #tpu.memory_space<vmem>> -> memref<128xi32, #tpu.memory_space<vmem>>
    %dma_start3A_47 = arith.constant 0 : i32
    %dma_start3A_48 = arith.constant 0 : i32
    %dma_start3A_49 = tpu.memref_slice %arg2[%dma_start3A_47, %dma_start3A_48] : memref<10240x16xf32, #tpu.memory_space<hbm>> -> memref<10240x16xf32, #tpu.memory_space<hbm>>
    tpu.enqueue_indirect_dma source(%dma_start3A_49 : memref<10240x16xf32, #tpu.memory_space<hbm>>) target(%dma_start3A_43 : memref<128x16xf32, #tpu.memory_space<vmem>>) offsets(%dma_start3A_46 : memref<128xi32, #tpu.memory_space<vmem>>) semaphore(%arg11 : memref<!tpu.dma_semaphore, #tpu.memory_space<semaphore_mem>>)
    %dma_start3A_50 = arith.constant 3 : i32
    %dma_start3A_51 = arith.constant 0 : i32
    %dma_start3A_52 = arith.constant 3 : i32
    %dma_start3A_53 = arith.constant 0 : i32
    %dma_start3A_54 = arith.constant 0 : i32
    %dma_start3A_55 = tpu.memref_slice %arg8[%dma_start3A_51, %dma_start3A_52, %dma_start3A_53, %dma_start3A_54] : memref<2x4x128x16xf32, #tpu.memory_space<vmem>> -> memref<1x1x128x16xf32, #tpu.memory_space<vmem>>
    %dma_start3A_56 = tpu.memref_squeeze %dma_start3A_55 : memref<1x1x128x16xf32, #tpu.memory_space<vmem>> -> memref<128x16xf32, #tpu.memory_space<vmem>>
    %dma_start3A_57 = arith.constant 0 : i32
    %dma_start3A_58 = tpu.memref_slice %arg6[%dma_start3A_50, %dma_start3A_57] : memref<80x128xi32, #tpu.memory_space<vmem>> -> memref<1x128xi32, #tpu.memory_space<vmem>>
    %dma_start3A_59 = tpu.memref_squeeze %dma_start3A_58 : memref<1x128xi32, #tpu.memory_space<vmem>> -> memref<128xi32, #tpu.memory_space<vmem>>
    %dma_start3A_60 = arith.constant 0 : i32
    %dma_start3A_61 = arith.constant 0 : i32
    %dma_start3A_62 = tpu.memref_slice %arg2[%dma_start3A_60, %dma_start3A_61] : memref<10240x16xf32, #tpu.memory_space<hbm>> -> memref<10240x16xf32, #tpu.memory_space<hbm>>
    tpu.enqueue_indirect_dma source(%dma_start3A_62 : memref<10240x16xf32, #tpu.memory_space<hbm>>) target(%dma_start3A_56 : memref<128x16xf32, #tpu.memory_space<vmem>>) offsets(%dma_start3A_59 : memref<128xi32, #tpu.memory_space<vmem>>) semaphore(%arg11 : memref<!tpu.dma_semaphore, #tpu.memory_space<semaphore_mem>>)
    %scan3A_63 = arith.constant 0 : i32
    %scan3A_64 = arith.constant 0 : i32
    %scan3A_65 = arith.constant 10 : i32
    %scan3A_66 = arith.addi %scan3A_64, %scan3A_65 : i32
    %scan3A_67 = arith.constant 1 : i32
    scf.for %scan3A_125 = %scan3A_64 to %scan3A_66 step %scan3A_67  : i32 {
      %mul3A_126 = arith.constant 2 : i32
      %mul3A_127 = arith.muli %mul3A_126, %scan3A_125 : i32
      %mul3A_128 = arith.constant 2 : i32
      %mul3A_129 = arith.muli %mul3A_128, %scan3A_125 : i32
      %add3A_130 = arith.constant 1 : i32
      %add3A_131 = arith.addi %mul3A_129, %add3A_130 : i32
      %mul3A_132 = arith.constant 4 : i32
      %mul3A_133 = arith.muli %mul3A_127, %mul3A_132 : i32
      %add3A_134 = arith.constant 0 : i32
      %add3A_135 = arith.addi %mul3A_133, %add3A_134 : i32
      %dma_wait3A_136 = arith.constant 0 : i32
      %dma_wait3A_137 = arith.constant 0 : i32
      %dma_wait3A_138 = arith.constant 0 : i32
      %dma_wait3A_139 = arith.constant 0 : i32
      %dma_wait3A_140 = tpu.memref_slice %arg8[%dma_wait3A_136, %dma_wait3A_137, %dma_wait3A_138, %dma_wait3A_139] : memref<2x4x128x16xf32, #tpu.memory_space<vmem>> -> memref<1x1x128x16xf32, #tpu.memory_space<vmem>>
      %dma_wait3A_141 = tpu.memref_squeeze %dma_wait3A_140 : memref<1x1x128x16xf32, #tpu.memory_space<vmem>> -> memref<128x16xf32, #tpu.memory_space<vmem>>
      %dma_wait3A_142 = arith.constant 0 : i32
      %dma_wait3A_143 = tpu.memref_slice %arg6[%add3A_135, %dma_wait3A_142] : memref<80x128xi32, #tpu.memory_space<vmem>> -> memref<1x128xi32, #tpu.memory_space<vmem>>
      %dma_wait3A_144 = tpu.memref_squeeze %dma_wait3A_143 : memref<1x128xi32, #tpu.memory_space<vmem>> -> memref<128xi32, #tpu.memory_space<vmem>>
      %dma_wait3A_145 = arith.constant 0 : i32
      %dma_wait3A_146 = arith.constant 0 : i32
      %dma_wait3A_147 = tpu.memref_slice %arg2[%dma_wait3A_145, %dma_wait3A_146] : memref<10240x16xf32, #tpu.memory_space<hbm>> -> memref<10240x16xf32, #tpu.memory_space<hbm>>
      tpu.wait_indirect_dma semaphore(%arg11 : memref<!tpu.dma_semaphore, #tpu.memory_space<semaphore_mem>>) src(%dma_wait3A_147 : memref<10240x16xf32, #tpu.memory_space<hbm>>) dst(%dma_wait3A_141 : memref<128x16xf32, #tpu.memory_space<vmem>>)
      %mul3A_148 = arith.constant 4 : i32
      %mul3A_149 = arith.muli %mul3A_127, %mul3A_148 : i32
      %add3A_150 = arith.constant 1 : i32
      %add3A_151 = arith.addi %mul3A_149, %add3A_150 : i32
      %dma_wait3A_152 = arith.constant 0 : i32
      %dma_wait3A_153 = arith.constant 1 : i32
      %dma_wait3A_154 = arith.constant 0 : i32
      %dma_wait3A_155 = arith.constant 0 : i32
      %dma_wait3A_156 = tpu.memref_slice %arg8[%dma_wait3A_152, %dma_wait3A_153, %dma_wait3A_154, %dma_wait3A_155] : memref<2x4x128x16xf32, #tpu.memory_space<vmem>> -> memref<1x1x128x16xf32, #tpu.memory_space<vmem>>
      %dma_wait3A_157 = tpu.memref_squeeze %dma_wait3A_156 : memref<1x1x128x16xf32, #tpu.memory_space<vmem>> -> memref<128x16xf32, #tpu.memory_space<vmem>>
      %dma_wait3A_158 = arith.constant 0 : i32
      %dma_wait3A_159 = tpu.memref_slice %arg6[%add3A_151, %dma_wait3A_158] : memref<80x128xi32, #tpu.memory_space<vmem>> -> memref<1x128xi32, #tpu.memory_space<vmem>>
      %dma_wait3A_160 = tpu.memref_squeeze %dma_wait3A_159 : memref<1x128xi32, #tpu.memory_space<vmem>> -> memref<128xi32, #tpu.memory_space<vmem>>
      %dma_wait3A_161 = arith.constant 0 : i32
      %dma_wait3A_162 = arith.constant 0 : i32
      %dma_wait3A_163 = tpu.memref_slice %arg2[%dma_wait3A_161, %dma_wait3A_162] : memref<10240x16xf32, #tpu.memory_space<hbm>> -> memref<10240x16xf32, #tpu.memory_space<hbm>>
      tpu.wait_indirect_dma semaphore(%arg11 : memref<!tpu.dma_semaphore, #tpu.memory_space<semaphore_mem>>) src(%dma_wait3A_163 : memref<10240x16xf32, #tpu.memory_space<hbm>>) dst(%dma_wait3A_157 : memref<128x16xf32, #tpu.memory_space<vmem>>)
      %mul3A_164 = arith.constant 4 : i32
      %mul3A_165 = arith.muli %mul3A_127, %mul3A_164 : i32
      %add3A_166 = arith.constant 2 : i32
      %add3A_167 = arith.addi %mul3A_165, %add3A_166 : i32
      %dma_wait3A_168 = arith.constant 0 : i32
      %dma_wait3A_169 = arith.constant 2 : i32
      %dma_wait3A_170 = arith.constant 0 : i32
      %dma_wait3A_171 = arith.constant 0 : i32
      %dma_wait3A_172 = tpu.memref_slice %arg8[%dma_wait3A_168, %dma_wait3A_169, %dma_wait3A_170, %dma_wait3A_171] : memref<2x4x128x16xf32, #tpu.memory_space<vmem>> -> memref<1x1x128x16xf32, #tpu.memory_space<vmem>>
      %dma_wait3A_173 = tpu.memref_squeeze %dma_wait3A_172 : memref<1x1x128x16xf32, #tpu.memory_space<vmem>> -> memref<128x16xf32, #tpu.memory_space<vmem>>
      %dma_wait3A_174 = arith.constant 0 : i32
      %dma_wait3A_175 = tpu.memref_slice %arg6[%add3A_167, %dma_wait3A_174] : memref<80x128xi32, #tpu.memory_space<vmem>> -> memref<1x128xi32, #tpu.memory_space<vmem>>
      %dma_wait3A_176 = tpu.memref_squeeze %dma_wait3A_175 : memref<1x128xi32, #tpu.memory_space<vmem>> -> memref<128xi32, #tpu.memory_space<vmem>>
      %dma_wait3A_177 = arith.constant 0 : i32
      %dma_wait3A_178 = arith.constant 0 : i32
      %dma_wait3A_179 = tpu.memref_slice %arg2[%dma_wait3A_177, %dma_wait3A_178] : memref<10240x16xf32, #tpu.memory_space<hbm>> -> memref<10240x16xf32, #tpu.memory_space<hbm>>
      tpu.wait_indirect_dma semaphore(%arg11 : memref<!tpu.dma_semaphore, #tpu.memory_space<semaphore_mem>>) src(%dma_wait3A_179 : memref<10240x16xf32, #tpu.memory_space<hbm>>) dst(%dma_wait3A_173 : memref<128x16xf32, #tpu.memory_space<vmem>>)
      %mul3A_180 = arith.constant 4 : i32
      %mul3A_181 = arith.muli %mul3A_127, %mul3A_180 : i32
      %add3A_182 = arith.constant 3 : i32
      %add3A_183 = arith.addi %mul3A_181, %add3A_182 : i32
      %dma_wait3A_184 = arith.constant 0 : i32
      %dma_wait3A_185 = arith.constant 3 : i32
      %dma_wait3A_186 = arith.constant 0 : i32
      %dma_wait3A_187 = arith.constant 0 : i32
      %dma_wait3A_188 = tpu.memref_slice %arg8[%dma_wait3A_184, %dma_wait3A_185, %dma_wait3A_186, %dma_wait3A_187] : memref<2x4x128x16xf32, #tpu.memory_space<vmem>> -> memref<1x1x128x16xf32, #tpu.memory_space<vmem>>
      %dma_wait3A_189 = tpu.memref_squeeze %dma_wait3A_188 : memref<1x1x128x16xf32, #tpu.memory_space<vmem>> -> memref<128x16xf32, #tpu.memory_space<vmem>>
      %dma_wait3A_190 = arith.constant 0 : i32
      %dma_wait3A_191 = tpu.memref_slice %arg6[%add3A_183, %dma_wait3A_190] : memref<80x128xi32, #tpu.memory_space<vmem>> -> memref<1x128xi32, #tpu.memory_space<vmem>>
      %dma_wait3A_192 = tpu.memref_squeeze %dma_wait3A_191 : memref<1x128xi32, #tpu.memory_space<vmem>> -> memref<128xi32, #tpu.memory_space<vmem>>
      %dma_wait3A_193 = arith.constant 0 : i32
      %dma_wait3A_194 = arith.constant 0 : i32
      %dma_wait3A_195 = tpu.memref_slice %arg2[%dma_wait3A_193, %dma_wait3A_194] : memref<10240x16xf32, #tpu.memory_space<hbm>> -> memref<10240x16xf32, #tpu.memory_space<hbm>>
      tpu.wait_indirect_dma semaphore(%arg11 : memref<!tpu.dma_semaphore, #tpu.memory_space<semaphore_mem>>) src(%dma_wait3A_195 : memref<10240x16xf32, #tpu.memory_space<hbm>>) dst(%dma_wait3A_189 : memref<128x16xf32, #tpu.memory_space<vmem>>)
      %mul3A_196 = arith.constant 4 : i32
      %mul3A_197 = arith.muli %mul3A_127, %mul3A_196 : i32
      %add3A_198 = arith.constant 0 : i32
      %add3A_199 = arith.addi %mul3A_197, %add3A_198 : i32
      %dma_start3A_200 = arith.constant 0 : i32
      %dma_start3A_201 = arith.constant 0 : i32
      %dma_start3A_202 = arith.constant 0 : i32
      %dma_start3A_203 = arith.constant 0 : i32
      %dma_start3A_204 = tpu.memref_slice %arg8[%dma_start3A_200, %dma_start3A_201, %dma_start3A_202, %dma_start3A_203] : memref<2x4x128x16xf32, #tpu.memory_space<vmem>> -> memref<1x1x128x16xf32, #tpu.memory_space<vmem>>
      %dma_start3A_205 = tpu.memref_squeeze %dma_start3A_204 : memref<1x1x128x16xf32, #tpu.memory_space<vmem>> -> memref<128x16xf32, #tpu.memory_space<vmem>>
      %dma_start3A_206 = arith.constant 0 : i32
      %dma_start3A_207 = tpu.memref_slice %arg7[%add3A_199, %dma_start3A_206] : memref<80x128xi32, #tpu.memory_space<vmem>> -> memref<1x128xi32, #tpu.memory_space<vmem>>
      %dma_start3A_208 = tpu.memref_squeeze %dma_start3A_207 : memref<1x128xi32, #tpu.memory_space<vmem>> -> memref<128xi32, #tpu.memory_space<vmem>>
      %dma_start3A_209 = arith.constant 0 : i32
      %dma_start3A_210 = arith.constant 0 : i32
      %dma_start3A_211 = tpu.memref_slice %arg10[%dma_start3A_209, %dma_start3A_210] : memref<10240x16xf32, #tpu.memory_space<vmem_shared>> -> memref<10240x16xf32, #tpu.memory_space<vmem_shared>>
      tpu.enqueue_indirect_dma source(%dma_start3A_205 : memref<128x16xf32, #tpu.memory_space<vmem>>) target(%dma_start3A_211 : memref<10240x16xf32, #tpu.memory_space<vmem_shared>>) offsets(%dma_start3A_208 : memref<128xi32, #tpu.memory_space<vmem>>) semaphore(%arg12 : memref<!tpu.dma_semaphore, #tpu.memory_space<semaphore_mem>>) {add = true}
      %mul3A_212 = arith.constant 4 : i32
      %mul3A_213 = arith.muli %mul3A_127, %mul3A_212 : i32
      %add3A_214 = arith.constant 1 : i32
      %add3A_215 = arith.addi %mul3A_213, %add3A_214 : i32
      %dma_start3A_216 = arith.constant 0 : i32
      %dma_start3A_217 = arith.constant 1 : i32
      %dma_start3A_218 = arith.constant 0 : i32
      %dma_start3A_219 = arith.constant 0 : i32
      %dma_start3A_220 = tpu.memref_slice %arg8[%dma_start3A_216, %dma_start3A_217, %dma_start3A_218, %dma_start3A_219] : memref<2x4x128x16xf32, #tpu.memory_space<vmem>> -> memref<1x1x128x16xf32, #tpu.memory_space<vmem>>
      %dma_start3A_221 = tpu.memref_squeeze %dma_start3A_220 : memref<1x1x128x16xf32, #tpu.memory_space<vmem>> -> memref<128x16xf32, #tpu.memory_space<vmem>>
      %dma_start3A_222 = arith.constant 0 : i32
      %dma_start3A_223 = tpu.memref_slice %arg7[%add3A_215, %dma_start3A_222] : memref<80x128xi32, #tpu.memory_space<vmem>> -> memref<1x128xi32, #tpu.memory_space<vmem>>
      %dma_start3A_224 = tpu.memref_squeeze %dma_start3A_223 : memref<1x128xi32, #tpu.memory_space<vmem>> -> memref<128xi32, #tpu.memory_space<vmem>>
      %dma_start3A_225 = arith.constant 0 : i32
      %dma_start3A_226 = arith.constant 0 : i32
      %dma_start3A_227 = tpu.memref_slice %arg10[%dma_start3A_225, %dma_start3A_226] : memref<10240x16xf32, #tpu.memory_space<vmem_shared>> -> memref<10240x16xf32, #tpu.memory_space<vmem_shared>>
      tpu.enqueue_indirect_dma source(%dma_start3A_221 : memref<128x16xf32, #tpu.memory_space<vmem>>) target(%dma_start3A_227 : memref<10240x16xf32, #tpu.memory_space<vmem_shared>>) offsets(%dma_start3A_224 : memref<128xi32, #tpu.memory_space<vmem>>) semaphore(%arg12 : memref<!tpu.dma_semaphore, #tpu.memory_space<semaphore_mem>>) {add = true}
      %mul3A_228 = arith.constant 4 : i32
      %mul3A_229 = arith.muli %mul3A_127, %mul3A_228 : i32
      %add3A_230 = arith.constant 2 : i32
      %add3A_231 = arith.addi %mul3A_229, %add3A_230 : i32
      %dma_start3A_232 = arith.constant 0 : i32
      %dma_start3A_233 = arith.constant 2 : i32
      %dma_start3A_234 = arith.constant 0 : i32
      %dma_start3A_235 = arith.constant 0 : i32
      %dma_start3A_236 = tpu.memref_slice %arg8[%dma_start3A_232, %dma_start3A_233, %dma_start3A_234, %dma_start3A_235] : memref<2x4x128x16xf32, #tpu.memory_space<vmem>> -> memref<1x1x128x16xf32, #tpu.memory_space<vmem>>
      %dma_start3A_237 = tpu.memref_squeeze %dma_start3A_236 : memref<1x1x128x16xf32, #tpu.memory_space<vmem>> -> memref<128x16xf32, #tpu.memory_space<vmem>>
      %dma_start3A_238 = arith.constant 0 : i32
      %dma_start3A_239 = tpu.memref_slice %arg7[%add3A_231, %dma_start3A_238] : memref<80x128xi32, #tpu.memory_space<vmem>> -> memref<1x128xi32, #tpu.memory_space<vmem>>
      %dma_start3A_240 = tpu.memref_squeeze %dma_start3A_239 : memref<1x128xi32, #tpu.memory_space<vmem>> -> memref<128xi32, #tpu.memory_space<vmem>>
      %dma_start3A_241 = arith.constant 0 : i32
      %dma_start3A_242 = arith.constant 0 : i32
      %dma_start3A_243 = tpu.memref_slice %arg10[%dma_start3A_241, %dma_start3A_242] : memref<10240x16xf32, #tpu.memory_space<vmem_shared>> -> memref<10240x16xf32, #tpu.memory_space<vmem_shared>>
      tpu.enqueue_indirect_dma source(%dma_start3A_237 : memref<128x16xf32, #tpu.memory_space<vmem>>) target(%dma_start3A_243 : memref<10240x16xf32, #tpu.memory_space<vmem_shared>>) offsets(%dma_start3A_240 : memref<128xi32, #tpu.memory_space<vmem>>) semaphore(%arg12 : memref<!tpu.dma_semaphore, #tpu.memory_space<semaphore_mem>>) {add = true}
      %mul3A_244 = arith.constant 4 : i32
      %mul3A_245 = arith.muli %mul3A_127, %mul3A_244 : i32
      %add3A_246 = arith.constant 3 : i32
      %add3A_247 = arith.addi %mul3A_245, %add3A_246 : i32
      %dma_start3A_248 = arith.constant 0 : i32
      %dma_start3A_249 = arith.constant 3 : i32
      %dma_start3A_250 = arith.constant 0 : i32
      %dma_start3A_251 = arith.constant 0 : i32
      %dma_start3A_252 = tpu.memref_slice %arg8[%dma_start3A_248, %dma_start3A_249, %dma_start3A_250, %dma_start3A_251] : memref<2x4x128x16xf32, #tpu.memory_space<vmem>> -> memref<1x1x128x16xf32, #tpu.memory_space<vmem>>
      %dma_start3A_253 = tpu.memref_squeeze %dma_start3A_252 : memref<1x1x128x16xf32, #tpu.memory_space<vmem>> -> memref<128x16xf32, #tpu.memory_space<vmem>>
      %dma_start3A_254 = arith.constant 0 : i32
      %dma_start3A_255 = tpu.memref_slice %arg7[%add3A_247, %dma_start3A_254] : memref<80x128xi32, #tpu.memory_space<vmem>> -> memref<1x128xi32, #tpu.memory_space<vmem>>
      %dma_start3A_256 = tpu.memref_squeeze %dma_start3A_255 : memref<1x128xi32, #tpu.memory_space<vmem>> -> memref<128xi32, #tpu.memory_space<vmem>>
      %dma_start3A_257 = arith.constant 0 : i32
      %dma_start3A_258 = arith.constant 0 : i32
      %dma_start3A_259 = tpu.memref_slice %arg10[%dma_start3A_257, %dma_start3A_258] : memref<10240x16xf32, #tpu.memory_space<vmem_shared>> -> memref<10240x16xf32, #tpu.memory_space<vmem_shared>>
      tpu.enqueue_indirect_dma source(%dma_start3A_253 : memref<128x16xf32, #tpu.memory_space<vmem>>) target(%dma_start3A_259 : memref<10240x16xf32, #tpu.memory_space<vmem_shared>>) offsets(%dma_start3A_256 : memref<128xi32, #tpu.memory_space<vmem>>) semaphore(%arg12 : memref<!tpu.dma_semaphore, #tpu.memory_space<semaphore_mem>>) {add = true}
      %ge3A = arith.constant 1 : i32
      %ge3A_260 = arith.cmpi sge, %scan3A_125, %ge3A : i32
      %convert_element_type3A = arith.extui %ge3A_260 : i1 to i32
      %cond3A = arith.constant 0 : i32
      %cond3A_261 = arith.cmpi ne, %convert_element_type3A, %cond3A : i32
      scf.if %cond3A_261 {
        %sub3A = arith.constant 2 : i32
        %sub3A_524 = arith.subi %add3A_131, %sub3A : i32
        %mul3A_525 = arith.constant 4 : i32
        %mul3A_526 = arith.muli %sub3A_524, %mul3A_525 : i32
        %add3A_527 = arith.constant 0 : i32
        %add3A_528 = arith.addi %mul3A_526, %add3A_527 : i32
        %dma_wait3A_529 = arith.constant 1 : i32
        %dma_wait3A_530 = arith.constant 0 : i32
        %dma_wait3A_531 = arith.constant 0 : i32
        %dma_wait3A_532 = arith.constant 0 : i32
        %dma_wait3A_533 = tpu.memref_slice %arg8[%dma_wait3A_529, %dma_wait3A_530, %dma_wait3A_531, %dma_wait3A_532] : memref<2x4x128x16xf32, #tpu.memory_space<vmem>> -> memref<1x1x128x16xf32, #tpu.memory_space<vmem>>
        %dma_wait3A_534 = tpu.memref_squeeze %dma_wait3A_533 : memref<1x1x128x16xf32, #tpu.memory_space<vmem>> -> memref<128x16xf32, #tpu.memory_space<vmem>>
        %dma_wait3A_535 = arith.constant 0 : i32
        %dma_wait3A_536 = tpu.memref_slice %arg7[%add3A_528, %dma_wait3A_535] : memref<80x128xi32, #tpu.memory_space<vmem>> -> memref<1x128xi32, #tpu.memory_space<vmem>>
        %dma_wait3A_537 = tpu.memref_squeeze %dma_wait3A_536 : memref<1x128xi32, #tpu.memory_space<vmem>> -> memref<128xi32, #tpu.memory_space<vmem>>
        %dma_wait3A_538 = arith.constant 0 : i32
        %dma_wait3A_539 = arith.constant 0 : i32
        %dma_wait3A_540 = tpu.memref_slice %arg10[%dma_wait3A_538, %dma_wait3A_539] : memref<10240x16xf32, #tpu.memory_space<vmem_shared>> -> memref<10240x16xf32, #tpu.memory_space<vmem_shared>>
        tpu.wait_indirect_dma semaphore(%arg13 : memref<!tpu.dma_semaphore, #tpu.memory_space<semaphore_mem>>) src(%dma_wait3A_534 : memref<128x16xf32, #tpu.memory_space<vmem>>) dst(%dma_wait3A_540 : memref<10240x16xf32, #tpu.memory_space<vmem_shared>>)
        %mul3A_541 = arith.constant 4 : i32
        %mul3A_542 = arith.muli %sub3A_524, %mul3A_541 : i32
        %add3A_543 = arith.constant 1 : i32
        %add3A_544 = arith.addi %mul3A_542, %add3A_543 : i32
        %dma_wait3A_545 = arith.constant 1 : i32
        %dma_wait3A_546 = arith.constant 1 : i32
        %dma_wait3A_547 = arith.constant 0 : i32
        %dma_wait3A_548 = arith.constant 0 : i32
        %dma_wait3A_549 = tpu.memref_slice %arg8[%dma_wait3A_545, %dma_wait3A_546, %dma_wait3A_547, %dma_wait3A_548] : memref<2x4x128x16xf32, #tpu.memory_space<vmem>> -> memref<1x1x128x16xf32, #tpu.memory_space<vmem>>
        %dma_wait3A_550 = tpu.memref_squeeze %dma_wait3A_549 : memref<1x1x128x16xf32, #tpu.memory_space<vmem>> -> memref<128x16xf32, #tpu.memory_space<vmem>>
        %dma_wait3A_551 = arith.constant 0 : i32
        %dma_wait3A_552 = tpu.memref_slice %arg7[%add3A_544, %dma_wait3A_551] : memref<80x128xi32, #tpu.memory_space<vmem>> -> memref<1x128xi32, #tpu.memory_space<vmem>>
        %dma_wait3A_553 = tpu.memref_squeeze %dma_wait3A_552 : memref<1x128xi32, #tpu.memory_space<vmem>> -> memref<128xi32, #tpu.memory_space<vmem>>
        %dma_wait3A_554 = arith.constant 0 : i32
        %dma_wait3A_555 = arith.constant 0 : i32
        %dma_wait3A_556 = tpu.memref_slice %arg10[%dma_wait3A_554, %dma_wait3A_555] : memref<10240x16xf32, #tpu.memory_space<vmem_shared>> -> memref<10240x16xf32, #tpu.memory_space<vmem_shared>>
        tpu.wait_indirect_dma semaphore(%arg13 : memref<!tpu.dma_semaphore, #tpu.memory_space<semaphore_mem>>) src(%dma_wait3A_550 : memref<128x16xf32, #tpu.memory_space<vmem>>) dst(%dma_wait3A_556 : memref<10240x16xf32, #tpu.memory_space<vmem_shared>>)
        %mul3A_557 = arith.constant 4 : i32
        %mul3A_558 = arith.muli %sub3A_524, %mul3A_557 : i32
        %add3A_559 = arith.constant 2 : i32
        %add3A_560 = arith.addi %mul3A_558, %add3A_559 : i32
        %dma_wait3A_561 = arith.constant 1 : i32
        %dma_wait3A_562 = arith.constant 2 : i32
        %dma_wait3A_563 = arith.constant 0 : i32
        %dma_wait3A_564 = arith.constant 0 : i32
        %dma_wait3A_565 = tpu.memref_slice %arg8[%dma_wait3A_561, %dma_wait3A_562, %dma_wait3A_563, %dma_wait3A_564] : memref<2x4x128x16xf32, #tpu.memory_space<vmem>> -> memref<1x1x128x16xf32, #tpu.memory_space<vmem>>
        %dma_wait3A_566 = tpu.memref_squeeze %dma_wait3A_565 : memref<1x1x128x16xf32, #tpu.memory_space<vmem>> -> memref<128x16xf32, #tpu.memory_space<vmem>>
        %dma_wait3A_567 = arith.constant 0 : i32
        %dma_wait3A_568 = tpu.memref_slice %arg7[%add3A_560, %dma_wait3A_567] : memref<80x128xi32, #tpu.memory_space<vmem>> -> memref<1x128xi32, #tpu.memory_space<vmem>>
        %dma_wait3A_569 = tpu.memref_squeeze %dma_wait3A_568 : memref<1x128xi32, #tpu.memory_space<vmem>> -> memref<128xi32, #tpu.memory_space<vmem>>
        %dma_wait3A_570 = arith.constant 0 : i32
        %dma_wait3A_571 = arith.constant 0 : i32
        %dma_wait3A_572 = tpu.memref_slice %arg10[%dma_wait3A_570, %dma_wait3A_571] : memref<10240x16xf32, #tpu.memory_space<vmem_shared>> -> memref<10240x16xf32, #tpu.memory_space<vmem_shared>>
        tpu.wait_indirect_dma semaphore(%arg13 : memref<!tpu.dma_semaphore, #tpu.memory_space<semaphore_mem>>) src(%dma_wait3A_566 : memref<128x16xf32, #tpu.memory_space<vmem>>) dst(%dma_wait3A_572 : memref<10240x16xf32, #tpu.memory_space<vmem_shared>>)
        %mul3A_573 = arith.constant 4 : i32
        %mul3A_574 = arith.muli %sub3A_524, %mul3A_573 : i32
        %add3A_575 = arith.constant 3 : i32
        %add3A_576 = arith.addi %mul3A_574, %add3A_575 : i32
        %dma_wait3A_577 = arith.constant 1 : i32
        %dma_wait3A_578 = arith.constant 3 : i32
        %dma_wait3A_579 = arith.constant 0 : i32
        %dma_wait3A_580 = arith.constant 0 : i32
        %dma_wait3A_581 = tpu.memref_slice %arg8[%dma_wait3A_577, %dma_wait3A_578, %dma_wait3A_579, %dma_wait3A_580] : memref<2x4x128x16xf32, #tpu.memory_space<vmem>> -> memref<1x1x128x16xf32, #tpu.memory_space<vmem>>
        %dma_wait3A_582 = tpu.memref_squeeze %dma_wait3A_581 : memref<1x1x128x16xf32, #tpu.memory_space<vmem>> -> memref<128x16xf32, #tpu.memory_space<vmem>>
        %dma_wait3A_583 = arith.constant 0 : i32
        %dma_wait3A_584 = tpu.memref_slice %arg7[%add3A_576, %dma_wait3A_583] : memref<80x128xi32, #tpu.memory_space<vmem>> -> memref<1x128xi32, #tpu.memory_space<vmem>>
        %dma_wait3A_585 = tpu.memref_squeeze %dma_wait3A_584 : memref<1x128xi32, #tpu.memory_space<vmem>> -> memref<128xi32, #tpu.memory_space<vmem>>
        %dma_wait3A_586 = arith.constant 0 : i32
        %dma_wait3A_587 = arith.constant 0 : i32
        %dma_wait3A_588 = tpu.memref_slice %arg10[%dma_wait3A_586, %dma_wait3A_587] : memref<10240x16xf32, #tpu.memory_space<vmem_shared>> -> memref<10240x16xf32, #tpu.memory_space<vmem_shared>>
        tpu.wait_indirect_dma semaphore(%arg13 : memref<!tpu.dma_semaphore, #tpu.memory_space<semaphore_mem>>) src(%dma_wait3A_582 : memref<128x16xf32, #tpu.memory_space<vmem>>) dst(%dma_wait3A_588 : memref<10240x16xf32, #tpu.memory_space<vmem_shared>>)
      } else {
      }
      %mul3A_262 = arith.constant 4 : i32
      %mul3A_263 = arith.muli %add3A_131, %mul3A_262 : i32
      %add3A_264 = arith.constant 0 : i32
      %add3A_265 = arith.addi %mul3A_263, %add3A_264 : i32
      %dma_start3A_266 = arith.constant 1 : i32
      %dma_start3A_267 = arith.constant 0 : i32
      %dma_start3A_268 = arith.constant 0 : i32
      %dma_start3A_269 = arith.constant 0 : i32
      %dma_start3A_270 = tpu.memref_slice %arg8[%dma_start3A_266, %dma_start3A_267, %dma_start3A_268, %dma_start3A_269] : memref<2x4x128x16xf32, #tpu.memory_space<vmem>> -> memref<1x1x128x16xf32, #tpu.memory_space<vmem>>
      %dma_start3A_271 = tpu.memref_squeeze %dma_start3A_270 : memref<1x1x128x16xf32, #tpu.memory_space<vmem>> -> memref<128x16xf32, #tpu.memory_space<vmem>>
      %dma_start3A_272 = arith.constant 0 : i32
      %dma_start3A_273 = tpu.memref_slice %arg6[%add3A_265, %dma_start3A_272] : memref<80x128xi32, #tpu.memory_space<vmem>> -> memref<1x128xi32, #tpu.memory_space<vmem>>
      %dma_start3A_274 = tpu.memref_squeeze %dma_start3A_273 : memref<1x128xi32, #tpu.memory_space<vmem>> -> memref<128xi32, #tpu.memory_space<vmem>>
      %dma_start3A_275 = arith.constant 0 : i32
      %dma_start3A_276 = arith.constant 0 : i32
      %dma_start3A_277 = tpu.memref_slice %arg2[%dma_start3A_275, %dma_start3A_276] : memref<10240x16xf32, #tpu.memory_space<hbm>> -> memref<10240x16xf32, #tpu.memory_space<hbm>>
      tpu.enqueue_indirect_dma source(%dma_start3A_277 : memref<10240x16xf32, #tpu.memory_space<hbm>>) target(%dma_start3A_271 : memref<128x16xf32, #tpu.memory_space<vmem>>) offsets(%dma_start3A_274 : memref<128xi32, #tpu.memory_space<vmem>>) semaphore(%arg11 : memref<!tpu.dma_semaphore, #tpu.memory_space<semaphore_mem>>)
      %mul3A_278 = arith.constant 4 : i32
      %mul3A_279 = arith.muli %add3A_131, %mul3A_278 : i32
      %add3A_280 = arith.constant 1 : i32
      %add3A_281 = arith.addi %mul3A_279, %add3A_280 : i32
      %dma_start3A_282 = arith.constant 1 : i32
      %dma_start3A_283 = arith.constant 1 : i32
      %dma_start3A_284 = arith.constant 0 : i32
      %dma_start3A_285 = arith.constant 0 : i32
      %dma_start3A_286 = tpu.memref_slice %arg8[%dma_start3A_282, %dma_start3A_283, %dma_start3A_284, %dma_start3A_285] : memref<2x4x128x16xf32, #tpu.memory_space<vmem>> -> memref<1x1x128x16xf32, #tpu.memory_space<vmem>>
      %dma_start3A_287 = tpu.memref_squeeze %dma_start3A_286 : memref<1x1x128x16xf32, #tpu.memory_space<vmem>> -> memref<128x16xf32, #tpu.memory_space<vmem>>
      %dma_start3A_288 = arith.constant 0 : i32
      %dma_start3A_289 = tpu.memref_slice %arg6[%add3A_281, %dma_start3A_288] : memref<80x128xi32, #tpu.memory_space<vmem>> -> memref<1x128xi32, #tpu.memory_space<vmem>>
      %dma_start3A_290 = tpu.memref_squeeze %dma_start3A_289 : memref<1x128xi32, #tpu.memory_space<vmem>> -> memref<128xi32, #tpu.memory_space<vmem>>
      %dma_start3A_291 = arith.constant 0 : i32
      %dma_start3A_292 = arith.constant 0 : i32
      %dma_start3A_293 = tpu.memref_slice %arg2[%dma_start3A_291, %dma_start3A_292] : memref<10240x16xf32, #tpu.memory_space<hbm>> -> memref<10240x16xf32, #tpu.memory_space<hbm>>
      tpu.enqueue_indirect_dma source(%dma_start3A_293 : memref<10240x16xf32, #tpu.memory_space<hbm>>) target(%dma_start3A_287 : memref<128x16xf32, #tpu.memory_space<vmem>>) offsets(%dma_start3A_290 : memref<128xi32, #tpu.memory_space<vmem>>) semaphore(%arg11 : memref<!tpu.dma_semaphore, #tpu.memory_space<semaphore_mem>>)
      %mul3A_294 = arith.constant 4 : i32
      %mul3A_295 = arith.muli %add3A_131, %mul3A_294 : i32
      %add3A_296 = arith.constant 2 : i32
      %add3A_297 = arith.addi %mul3A_295, %add3A_296 : i32
      %dma_start3A_298 = arith.constant 1 : i32
      %dma_start3A_299 = arith.constant 2 : i32
      %dma_start3A_300 = arith.constant 0 : i32
      %dma_start3A_301 = arith.constant 0 : i32
      %dma_start3A_302 = tpu.memref_slice %arg8[%dma_start3A_298, %dma_start3A_299, %dma_start3A_300, %dma_start3A_301] : memref<2x4x128x16xf32, #tpu.memory_space<vmem>> -> memref<1x1x128x16xf32, #tpu.memory_space<vmem>>
      %dma_start3A_303 = tpu.memref_squeeze %dma_start3A_302 : memref<1x1x128x16xf32, #tpu.memory_space<vmem>> -> memref<128x16xf32, #tpu.memory_space<vmem>>
      %dma_start3A_304 = arith.constant 0 : i32
      %dma_start3A_305 = tpu.memref_slice %arg6[%add3A_297, %dma_start3A_304] : memref<80x128xi32, #tpu.memory_space<vmem>> -> memref<1x128xi32, #tpu.memory_space<vmem>>
      %dma_start3A_306 = tpu.memref_squeeze %dma_start3A_305 : memref<1x128xi32, #tpu.memory_space<vmem>> -> memref<128xi32, #tpu.memory_space<vmem>>
      %dma_start3A_307 = arith.constant 0 : i32
      %dma_start3A_308 = arith.constant 0 : i32
      %dma_start3A_309 = tpu.memref_slice %arg2[%dma_start3A_307, %dma_start3A_308] : memref<10240x16xf32, #tpu.memory_space<hbm>> -> memref<10240x16xf32, #tpu.memory_space<hbm>>
      tpu.enqueue_indirect_dma source(%dma_start3A_309 : memref<10240x16xf32, #tpu.memory_space<hbm>>) target(%dma_start3A_303 : memref<128x16xf32, #tpu.memory_space<vmem>>) offsets(%dma_start3A_306 : memref<128xi32, #tpu.memory_space<vmem>>) semaphore(%arg11 : memref<!tpu.dma_semaphore, #tpu.memory_space<semaphore_mem>>)
      %mul3A_310 = arith.constant 4 : i32
      %mul3A_311 = arith.muli %add3A_131, %mul3A_310 : i32
      %add3A_312 = arith.constant 3 : i32
      %add3A_313 = arith.addi %mul3A_311, %add3A_312 : i32
      %dma_start3A_314 = arith.constant 1 : i32
      %dma_start3A_315 = arith.constant 3 : i32
      %dma_start3A_316 = arith.constant 0 : i32
      %dma_start3A_317 = arith.constant 0 : i32
      %dma_start3A_318 = tpu.memref_slice %arg8[%dma_start3A_314, %dma_start3A_315, %dma_start3A_316, %dma_start3A_317] : memref<2x4x128x16xf32, #tpu.memory_space<vmem>> -> memref<1x1x128x16xf32, #tpu.memory_space<vmem>>
      %dma_start3A_319 = tpu.memref_squeeze %dma_start3A_318 : memref<1x1x128x16xf32, #tpu.memory_space<vmem>> -> memref<128x16xf32, #tpu.memory_space<vmem>>
      %dma_start3A_320 = arith.constant 0 : i32
      %dma_start3A_321 = tpu.memref_slice %arg6[%add3A_313, %dma_start3A_320] : memref<80x128xi32, #tpu.memory_space<vmem>> -> memref<1x128xi32, #tpu.memory_space<vmem>>
      %dma_start3A_322 = tpu.memref_squeeze %dma_start3A_321 : memref<1x128xi32, #tpu.memory_space<vmem>> -> memref<128xi32, #tpu.memory_space<vmem>>
      %dma_start3A_323 = arith.constant 0 : i32
      %dma_start3A_324 = arith.constant 0 : i32
      %dma_start3A_325 = tpu.memref_slice %arg2[%dma_start3A_323, %dma_start3A_324] : memref<10240x16xf32, #tpu.memory_space<hbm>> -> memref<10240x16xf32, #tpu.memory_space<hbm>>
      tpu.enqueue_indirect_dma source(%dma_start3A_325 : memref<10240x16xf32, #tpu.memory_space<hbm>>) target(%dma_start3A_319 : memref<128x16xf32, #tpu.memory_space<vmem>>) offsets(%dma_start3A_322 : memref<128xi32, #tpu.memory_space<vmem>>) semaphore(%arg11 : memref<!tpu.dma_semaphore, #tpu.memory_space<semaphore_mem>>)
      %mul3A_326 = arith.constant 4 : i32
      %mul3A_327 = arith.muli %add3A_131, %mul3A_326 : i32
      %add3A_328 = arith.constant 0 : i32
      %add3A_329 = arith.addi %mul3A_327, %add3A_328 : i32
      %dma_wait3A_330 = arith.constant 1 : i32
      %dma_wait3A_331 = arith.constant 0 : i32
      %dma_wait3A_332 = arith.constant 0 : i32
      %dma_wait3A_333 = arith.constant 0 : i32
      %dma_wait3A_334 = tpu.memref_slice %arg8[%dma_wait3A_330, %dma_wait3A_331, %dma_wait3A_332, %dma_wait3A_333] : memref<2x4x128x16xf32, #tpu.memory_space<vmem>> -> memref<1x1x128x16xf32, #tpu.memory_space<vmem>>
      %dma_wait3A_335 = tpu.memref_squeeze %dma_wait3A_334 : memref<1x1x128x16xf32, #tpu.memory_space<vmem>> -> memref<128x16xf32, #tpu.memory_space<vmem>>
      %dma_wait3A_336 = arith.constant 0 : i32
      %dma_wait3A_337 = tpu.memref_slice %arg6[%add3A_329, %dma_wait3A_336] : memref<80x128xi32, #tpu.memory_space<vmem>> -> memref<1x128xi32, #tpu.memory_space<vmem>>
      %dma_wait3A_338 = tpu.memref_squeeze %dma_wait3A_337 : memref<1x128xi32, #tpu.memory_space<vmem>> -> memref<128xi32, #tpu.memory_space<vmem>>
      %dma_wait3A_339 = arith.constant 0 : i32
      %dma_wait3A_340 = arith.constant 0 : i32
      %dma_wait3A_341 = tpu.memref_slice %arg2[%dma_wait3A_339, %dma_wait3A_340] : memref<10240x16xf32, #tpu.memory_space<hbm>> -> memref<10240x16xf32, #tpu.memory_space<hbm>>
      tpu.wait_indirect_dma semaphore(%arg11 : memref<!tpu.dma_semaphore, #tpu.memory_space<semaphore_mem>>) src(%dma_wait3A_341 : memref<10240x16xf32, #tpu.memory_space<hbm>>) dst(%dma_wait3A_335 : memref<128x16xf32, #tpu.memory_space<vmem>>)
      %mul3A_342 = arith.constant 4 : i32
      %mul3A_343 = arith.muli %add3A_131, %mul3A_342 : i32
      %add3A_344 = arith.constant 1 : i32
      %add3A_345 = arith.addi %mul3A_343, %add3A_344 : i32
      %dma_wait3A_346 = arith.constant 1 : i32
      %dma_wait3A_347 = arith.constant 1 : i32
      %dma_wait3A_348 = arith.constant 0 : i32
      %dma_wait3A_349 = arith.constant 0 : i32
      %dma_wait3A_350 = tpu.memref_slice %arg8[%dma_wait3A_346, %dma_wait3A_347, %dma_wait3A_348, %dma_wait3A_349] : memref<2x4x128x16xf32, #tpu.memory_space<vmem>> -> memref<1x1x128x16xf32, #tpu.memory_space<vmem>>
      %dma_wait3A_351 = tpu.memref_squeeze %dma_wait3A_350 : memref<1x1x128x16xf32, #tpu.memory_space<vmem>> -> memref<128x16xf32, #tpu.memory_space<vmem>>
      %dma_wait3A_352 = arith.constant 0 : i32
      %dma_wait3A_353 = tpu.memref_slice %arg6[%add3A_345, %dma_wait3A_352] : memref<80x128xi32, #tpu.memory_space<vmem>> -> memref<1x128xi32, #tpu.memory_space<vmem>>
      %dma_wait3A_354 = tpu.memref_squeeze %dma_wait3A_353 : memref<1x128xi32, #tpu.memory_space<vmem>> -> memref<128xi32, #tpu.memory_space<vmem>>
      %dma_wait3A_355 = arith.constant 0 : i32
      %dma_wait3A_356 = arith.constant 0 : i32
      %dma_wait3A_357 = tpu.memref_slice %arg2[%dma_wait3A_355, %dma_wait3A_356] : memref<10240x16xf32, #tpu.memory_space<hbm>> -> memref<10240x16xf32, #tpu.memory_space<hbm>>
      tpu.wait_indirect_dma semaphore(%arg11 : memref<!tpu.dma_semaphore, #tpu.memory_space<semaphore_mem>>) src(%dma_wait3A_357 : memref<10240x16xf32, #tpu.memory_space<hbm>>) dst(%dma_wait3A_351 : memref<128x16xf32, #tpu.memory_space<vmem>>)
      %mul3A_358 = arith.constant 4 : i32
      %mul3A_359 = arith.muli %add3A_131, %mul3A_358 : i32
      %add3A_360 = arith.constant 2 : i32
      %add3A_361 = arith.addi %mul3A_359, %add3A_360 : i32
      %dma_wait3A_362 = arith.constant 1 : i32
      %dma_wait3A_363 = arith.constant 2 : i32
      %dma_wait3A_364 = arith.constant 0 : i32
      %dma_wait3A_365 = arith.constant 0 : i32
      %dma_wait3A_366 = tpu.memref_slice %arg8[%dma_wait3A_362, %dma_wait3A_363, %dma_wait3A_364, %dma_wait3A_365] : memref<2x4x128x16xf32, #tpu.memory_space<vmem>> -> memref<1x1x128x16xf32, #tpu.memory_space<vmem>>
      %dma_wait3A_367 = tpu.memref_squeeze %dma_wait3A_366 : memref<1x1x128x16xf32, #tpu.memory_space<vmem>> -> memref<128x16xf32, #tpu.memory_space<vmem>>
      %dma_wait3A_368 = arith.constant 0 : i32
      %dma_wait3A_369 = tpu.memref_slice %arg6[%add3A_361, %dma_wait3A_368] : memref<80x128xi32, #tpu.memory_space<vmem>> -> memref<1x128xi32, #tpu.memory_space<vmem>>
      %dma_wait3A_370 = tpu.memref_squeeze %dma_wait3A_369 : memref<1x128xi32, #tpu.memory_space<vmem>> -> memref<128xi32, #tpu.memory_space<vmem>>
      %dma_wait3A_371 = arith.constant 0 : i32
      %dma_wait3A_372 = arith.constant 0 : i32
      %dma_wait3A_373 = tpu.memref_slice %arg2[%dma_wait3A_371, %dma_wait3A_372] : memref<10240x16xf32, #tpu.memory_space<hbm>> -> memref<10240x16xf32, #tpu.memory_space<hbm>>
      tpu.wait_indirect_dma semaphore(%arg11 : memref<!tpu.dma_semaphore, #tpu.memory_space<semaphore_mem>>) src(%dma_wait3A_373 : memref<10240x16xf32, #tpu.memory_space<hbm>>) dst(%dma_wait3A_367 : memref<128x16xf32, #tpu.memory_space<vmem>>)
      %mul3A_374 = arith.constant 4 : i32
      %mul3A_375 = arith.muli %add3A_131, %mul3A_374 : i32
      %add3A_376 = arith.constant 3 : i32
      %add3A_377 = arith.addi %mul3A_375, %add3A_376 : i32
      %dma_wait3A_378 = arith.constant 1 : i32
      %dma_wait3A_379 = arith.constant 3 : i32
      %dma_wait3A_380 = arith.constant 0 : i32
      %dma_wait3A_381 = arith.constant 0 : i32
      %dma_wait3A_382 = tpu.memref_slice %arg8[%dma_wait3A_378, %dma_wait3A_379, %dma_wait3A_380, %dma_wait3A_381] : memref<2x4x128x16xf32, #tpu.memory_space<vmem>> -> memref<1x1x128x16xf32, #tpu.memory_space<vmem>>
      %dma_wait3A_383 = tpu.memref_squeeze %dma_wait3A_382 : memref<1x1x128x16xf32, #tpu.memory_space<vmem>> -> memref<128x16xf32, #tpu.memory_space<vmem>>
      %dma_wait3A_384 = arith.constant 0 : i32
      %dma_wait3A_385 = tpu.memref_slice %arg6[%add3A_377, %dma_wait3A_384] : memref<80x128xi32, #tpu.memory_space<vmem>> -> memref<1x128xi32, #tpu.memory_space<vmem>>
      %dma_wait3A_386 = tpu.memref_squeeze %dma_wait3A_385 : memref<1x128xi32, #tpu.memory_space<vmem>> -> memref<128xi32, #tpu.memory_space<vmem>>
      %dma_wait3A_387 = arith.constant 0 : i32
      %dma_wait3A_388 = arith.constant 0 : i32
      %dma_wait3A_389 = tpu.memref_slice %arg2[%dma_wait3A_387, %dma_wait3A_388] : memref<10240x16xf32, #tpu.memory_space<hbm>> -> memref<10240x16xf32, #tpu.memory_space<hbm>>
      tpu.wait_indirect_dma semaphore(%arg11 : memref<!tpu.dma_semaphore, #tpu.memory_space<semaphore_mem>>) src(%dma_wait3A_389 : memref<10240x16xf32, #tpu.memory_space<hbm>>) dst(%dma_wait3A_383 : memref<128x16xf32, #tpu.memory_space<vmem>>)
      %mul3A_390 = arith.constant 4 : i32
      %mul3A_391 = arith.muli %add3A_131, %mul3A_390 : i32
      %add3A_392 = arith.constant 0 : i32
      %add3A_393 = arith.addi %mul3A_391, %add3A_392 : i32
      %dma_start3A_394 = arith.constant 1 : i32
      %dma_start3A_395 = arith.constant 0 : i32
      %dma_start3A_396 = arith.constant 0 : i32
      %dma_start3A_397 = arith.constant 0 : i32
      %dma_start3A_398 = tpu.memref_slice %arg8[%dma_start3A_394, %dma_start3A_395, %dma_start3A_396, %dma_start3A_397] : memref<2x4x128x16xf32, #tpu.memory_space<vmem>> -> memref<1x1x128x16xf32, #tpu.memory_space<vmem>>
      %dma_start3A_399 = tpu.memref_squeeze %dma_start3A_398 : memref<1x1x128x16xf32, #tpu.memory_space<vmem>> -> memref<128x16xf32, #tpu.memory_space<vmem>>
      %dma_start3A_400 = arith.constant 0 : i32
      %dma_start3A_401 = tpu.memref_slice %arg7[%add3A_393, %dma_start3A_400] : memref<80x128xi32, #tpu.memory_space<vmem>> -> memref<1x128xi32, #tpu.memory_space<vmem>>
      %dma_start3A_402 = tpu.memref_squeeze %dma_start3A_401 : memref<1x128xi32, #tpu.memory_space<vmem>> -> memref<128xi32, #tpu.memory_space<vmem>>
      %dma_start3A_403 = arith.constant 0 : i32
      %dma_start3A_404 = arith.constant 0 : i32
      %dma_start3A_405 = tpu.memref_slice %arg10[%dma_start3A_403, %dma_start3A_404] : memref<10240x16xf32, #tpu.memory_space<vmem_shared>> -> memref<10240x16xf32, #tpu.memory_space<vmem_shared>>
      tpu.enqueue_indirect_dma source(%dma_start3A_399 : memref<128x16xf32, #tpu.memory_space<vmem>>) target(%dma_start3A_405 : memref<10240x16xf32, #tpu.memory_space<vmem_shared>>) offsets(%dma_start3A_402 : memref<128xi32, #tpu.memory_space<vmem>>) semaphore(%arg13 : memref<!tpu.dma_semaphore, #tpu.memory_space<semaphore_mem>>) {add = true}
      %mul3A_406 = arith.constant 4 : i32
      %mul3A_407 = arith.muli %add3A_131, %mul3A_406 : i32
      %add3A_408 = arith.constant 1 : i32
      %add3A_409 = arith.addi %mul3A_407, %add3A_408 : i32
      %dma_start3A_410 = arith.constant 1 : i32
      %dma_start3A_411 = arith.constant 1 : i32
      %dma_start3A_412 = arith.constant 0 : i32
      %dma_start3A_413 = arith.constant 0 : i32
      %dma_start3A_414 = tpu.memref_slice %arg8[%dma_start3A_410, %dma_start3A_411, %dma_start3A_412, %dma_start3A_413] : memref<2x4x128x16xf32, #tpu.memory_space<vmem>> -> memref<1x1x128x16xf32, #tpu.memory_space<vmem>>
      %dma_start3A_415 = tpu.memref_squeeze %dma_start3A_414 : memref<1x1x128x16xf32, #tpu.memory_space<vmem>> -> memref<128x16xf32, #tpu.memory_space<vmem>>
      %dma_start3A_416 = arith.constant 0 : i32
      %dma_start3A_417 = tpu.memref_slice %arg7[%add3A_409, %dma_start3A_416] : memref<80x128xi32, #tpu.memory_space<vmem>> -> memref<1x128xi32, #tpu.memory_space<vmem>>
      %dma_start3A_418 = tpu.memref_squeeze %dma_start3A_417 : memref<1x128xi32, #tpu.memory_space<vmem>> -> memref<128xi32, #tpu.memory_space<vmem>>
      %dma_start3A_419 = arith.constant 0 : i32
      %dma_start3A_420 = arith.constant 0 : i32
      %dma_start3A_421 = tpu.memref_slice %arg10[%dma_start3A_419, %dma_start3A_420] : memref<10240x16xf32, #tpu.memory_space<vmem_shared>> -> memref<10240x16xf32, #tpu.memory_space<vmem_shared>>
      tpu.enqueue_indirect_dma source(%dma_start3A_415 : memref<128x16xf32, #tpu.memory_space<vmem>>) target(%dma_start3A_421 : memref<10240x16xf32, #tpu.memory_space<vmem_shared>>) offsets(%dma_start3A_418 : memref<128xi32, #tpu.memory_space<vmem>>) semaphore(%arg13 : memref<!tpu.dma_semaphore, #tpu.memory_space<semaphore_mem>>) {add = true}
      %mul3A_422 = arith.constant 4 : i32
      %mul3A_423 = arith.muli %add3A_131, %mul3A_422 : i32
      %add3A_424 = arith.constant 2 : i32
      %add3A_425 = arith.addi %mul3A_423, %add3A_424 : i32
      %dma_start3A_426 = arith.constant 1 : i32
      %dma_start3A_427 = arith.constant 2 : i32
      %dma_start3A_428 = arith.constant 0 : i32
      %dma_start3A_429 = arith.constant 0 : i32
      %dma_start3A_430 = tpu.memref_slice %arg8[%dma_start3A_426, %dma_start3A_427, %dma_start3A_428, %dma_start3A_429] : memref<2x4x128x16xf32, #tpu.memory_space<vmem>> -> memref<1x1x128x16xf32, #tpu.memory_space<vmem>>
      %dma_start3A_431 = tpu.memref_squeeze %dma_start3A_430 : memref<1x1x128x16xf32, #tpu.memory_space<vmem>> -> memref<128x16xf32, #tpu.memory_space<vmem>>
      %dma_start3A_432 = arith.constant 0 : i32
      %dma_start3A_433 = tpu.memref_slice %arg7[%add3A_425, %dma_start3A_432] : memref<80x128xi32, #tpu.memory_space<vmem>> -> memref<1x128xi32, #tpu.memory_space<vmem>>
      %dma_start3A_434 = tpu.memref_squeeze %dma_start3A_433 : memref<1x128xi32, #tpu.memory_space<vmem>> -> memref<128xi32, #tpu.memory_space<vmem>>
      %dma_start3A_435 = arith.constant 0 : i32
      %dma_start3A_436 = arith.constant 0 : i32
      %dma_start3A_437 = tpu.memref_slice %arg10[%dma_start3A_435, %dma_start3A_436] : memref<10240x16xf32, #tpu.memory_space<vmem_shared>> -> memref<10240x16xf32, #tpu.memory_space<vmem_shared>>
      tpu.enqueue_indirect_dma source(%dma_start3A_431 : memref<128x16xf32, #tpu.memory_space<vmem>>) target(%dma_start3A_437 : memref<10240x16xf32, #tpu.memory_space<vmem_shared>>) offsets(%dma_start3A_434 : memref<128xi32, #tpu.memory_space<vmem>>) semaphore(%arg13 : memref<!tpu.dma_semaphore, #tpu.memory_space<semaphore_mem>>) {add = true}
      %mul3A_438 = arith.constant 4 : i32
      %mul3A_439 = arith.muli %add3A_131, %mul3A_438 : i32
      %add3A_440 = arith.constant 3 : i32
      %add3A_441 = arith.addi %mul3A_439, %add3A_440 : i32
      %dma_start3A_442 = arith.constant 1 : i32
      %dma_start3A_443 = arith.constant 3 : i32
      %dma_start3A_444 = arith.constant 0 : i32
      %dma_start3A_445 = arith.constant 0 : i32
      %dma_start3A_446 = tpu.memref_slice %arg8[%dma_start3A_442, %dma_start3A_443, %dma_start3A_444, %dma_start3A_445] : memref<2x4x128x16xf32, #tpu.memory_space<vmem>> -> memref<1x1x128x16xf32, #tpu.memory_space<vmem>>
      %dma_start3A_447 = tpu.memref_squeeze %dma_start3A_446 : memref<1x1x128x16xf32, #tpu.memory_space<vmem>> -> memref<128x16xf32, #tpu.memory_space<vmem>>
      %dma_start3A_448 = arith.constant 0 : i32
      %dma_start3A_449 = tpu.memref_slice %arg7[%add3A_441, %dma_start3A_448] : memref<80x128xi32, #tpu.memory_space<vmem>> -> memref<1x128xi32, #tpu.memory_space<vmem>>
      %dma_start3A_450 = tpu.memref_squeeze %dma_start3A_449 : memref<1x128xi32, #tpu.memory_space<vmem>> -> memref<128xi32, #tpu.memory_space<vmem>>
      %dma_start3A_451 = arith.constant 0 : i32
      %dma_start3A_452 = arith.constant 0 : i32
      %dma_start3A_453 = tpu.memref_slice %arg10[%dma_start3A_451, %dma_start3A_452] : memref<10240x16xf32, #tpu.memory_space<vmem_shared>> -> memref<10240x16xf32, #tpu.memory_space<vmem_shared>>
      tpu.enqueue_indirect_dma source(%dma_start3A_447 : memref<128x16xf32, #tpu.memory_space<vmem>>) target(%dma_start3A_453 : memref<10240x16xf32, #tpu.memory_space<vmem_shared>>) offsets(%dma_start3A_450 : memref<128xi32, #tpu.memory_space<vmem>>) semaphore(%arg13 : memref<!tpu.dma_semaphore, #tpu.memory_space<semaphore_mem>>) {add = true}
      %mul3A_454 = arith.constant 4 : i32
      %mul3A_455 = arith.muli %mul3A_127, %mul3A_454 : i32
      %add3A_456 = arith.constant 0 : i32
      %add3A_457 = arith.addi %mul3A_455, %add3A_456 : i32
      %dma_wait3A_458 = arith.constant 0 : i32
      %dma_wait3A_459 = arith.constant 0 : i32
      %dma_wait3A_460 = arith.constant 0 : i32
      %dma_wait3A_461 = arith.constant 0 : i32
      %dma_wait3A_462 = tpu.memref_slice %arg8[%dma_wait3A_458, %dma_wait3A_459, %dma_wait3A_460, %dma_wait3A_461] : memref<2x4x128x16xf32, #tpu.memory_space<vmem>> -> memref<1x1x128x16xf32, #tpu.memory_space<vmem>>
      %dma_wait3A_463 = tpu.memref_squeeze %dma_wait3A_462 : memref<1x1x128x16xf32, #tpu.memory_space<vmem>> -> memref<128x16xf32, #tpu.memory_space<vmem>>
      %dma_wait3A_464 = arith.constant 0 : i32
      %dma_wait3A_465 = tpu.memref_slice %arg7[%add3A_457, %dma_wait3A_464] : memref<80x128xi32, #tpu.memory_space<vmem>> -> memref<1x128xi32, #tpu.memory_space<vmem>>
      %dma_wait3A_466 = tpu.memref_squeeze %dma_wait3A_465 : memref<1x128xi32, #tpu.memory_space<vmem>> -> memref<128xi32, #tpu.memory_space<vmem>>
      %dma_wait3A_467 = arith.constant 0 : i32
      %dma_wait3A_468 = arith.constant 0 : i32
      %dma_wait3A_469 = tpu.memref_slice %arg10[%dma_wait3A_467, %dma_wait3A_468] : memref<10240x16xf32, #tpu.memory_space<vmem_shared>> -> memref<10240x16xf32, #tpu.memory_space<vmem_shared>>
      tpu.wait_indirect_dma semaphore(%arg12 : memref<!tpu.dma_semaphore, #tpu.memory_space<semaphore_mem>>) src(%dma_wait3A_463 : memref<128x16xf32, #tpu.memory_space<vmem>>) dst(%dma_wait3A_469 : memref<10240x16xf32, #tpu.memory_space<vmem_shared>>)
      %mul3A_470 = arith.constant 4 : i32
      %mul3A_471 = arith.muli %mul3A_127, %mul3A_470 : i32
      %add3A_472 = arith.constant 1 : i32
      %add3A_473 = arith.addi %mul3A_471, %add3A_472 : i32
      %dma_wait3A_474 = arith.constant 0 : i32
      %dma_wait3A_475 = arith.constant 1 : i32
      %dma_wait3A_476 = arith.constant 0 : i32
      %dma_wait3A_477 = arith.constant 0 : i32
      %dma_wait3A_478 = tpu.memref_slice %arg8[%dma_wait3A_474, %dma_wait3A_475, %dma_wait3A_476, %dma_wait3A_477] : memref<2x4x128x16xf32, #tpu.memory_space<vmem>> -> memref<1x1x128x16xf32, #tpu.memory_space<vmem>>
      %dma_wait3A_479 = tpu.memref_squeeze %dma_wait3A_478 : memref<1x1x128x16xf32, #tpu.memory_space<vmem>> -> memref<128x16xf32, #tpu.memory_space<vmem>>
      %dma_wait3A_480 = arith.constant 0 : i32
      %dma_wait3A_481 = tpu.memref_slice %arg7[%add3A_473, %dma_wait3A_480] : memref<80x128xi32, #tpu.memory_space<vmem>> -> memref<1x128xi32, #tpu.memory_space<vmem>>
      %dma_wait3A_482 = tpu.memref_squeeze %dma_wait3A_481 : memref<1x128xi32, #tpu.memory_space<vmem>> -> memref<128xi32, #tpu.memory_space<vmem>>
      %dma_wait3A_483 = arith.constant 0 : i32
      %dma_wait3A_484 = arith.constant 0 : i32
      %dma_wait3A_485 = tpu.memref_slice %arg10[%dma_wait3A_483, %dma_wait3A_484] : memref<10240x16xf32, #tpu.memory_space<vmem_shared>> -> memref<10240x16xf32, #tpu.memory_space<vmem_shared>>
      tpu.wait_indirect_dma semaphore(%arg12 : memref<!tpu.dma_semaphore, #tpu.memory_space<semaphore_mem>>) src(%dma_wait3A_479 : memref<128x16xf32, #tpu.memory_space<vmem>>) dst(%dma_wait3A_485 : memref<10240x16xf32, #tpu.memory_space<vmem_shared>>)
      %mul3A_486 = arith.constant 4 : i32
      %mul3A_487 = arith.muli %mul3A_127, %mul3A_486 : i32
      %add3A_488 = arith.constant 2 : i32
      %add3A_489 = arith.addi %mul3A_487, %add3A_488 : i32
      %dma_wait3A_490 = arith.constant 0 : i32
      %dma_wait3A_491 = arith.constant 2 : i32
      %dma_wait3A_492 = arith.constant 0 : i32
      %dma_wait3A_493 = arith.constant 0 : i32
      %dma_wait3A_494 = tpu.memref_slice %arg8[%dma_wait3A_490, %dma_wait3A_491, %dma_wait3A_492, %dma_wait3A_493] : memref<2x4x128x16xf32, #tpu.memory_space<vmem>> -> memref<1x1x128x16xf32, #tpu.memory_space<vmem>>
      %dma_wait3A_495 = tpu.memref_squeeze %dma_wait3A_494 : memref<1x1x128x16xf32, #tpu.memory_space<vmem>> -> memref<128x16xf32, #tpu.memory_space<vmem>>
      %dma_wait3A_496 = arith.constant 0 : i32
      %dma_wait3A_497 = tpu.memref_slice %arg7[%add3A_489, %dma_wait3A_496] : memref<80x128xi32, #tpu.memory_space<vmem>> -> memref<1x128xi32, #tpu.memory_space<vmem>>
      %dma_wait3A_498 = tpu.memref_squeeze %dma_wait3A_497 : memref<1x128xi32, #tpu.memory_space<vmem>> -> memref<128xi32, #tpu.memory_space<vmem>>
      %dma_wait3A_499 = arith.constant 0 : i32
      %dma_wait3A_500 = arith.constant 0 : i32
      %dma_wait3A_501 = tpu.memref_slice %arg10[%dma_wait3A_499, %dma_wait3A_500] : memref<10240x16xf32, #tpu.memory_space<vmem_shared>> -> memref<10240x16xf32, #tpu.memory_space<vmem_shared>>
      tpu.wait_indirect_dma semaphore(%arg12 : memref<!tpu.dma_semaphore, #tpu.memory_space<semaphore_mem>>) src(%dma_wait3A_495 : memref<128x16xf32, #tpu.memory_space<vmem>>) dst(%dma_wait3A_501 : memref<10240x16xf32, #tpu.memory_space<vmem_shared>>)
      %mul3A_502 = arith.constant 4 : i32
      %mul3A_503 = arith.muli %mul3A_127, %mul3A_502 : i32
      %add3A_504 = arith.constant 3 : i32
      %add3A_505 = arith.addi %mul3A_503, %add3A_504 : i32
      %dma_wait3A_506 = arith.constant 0 : i32
      %dma_wait3A_507 = arith.constant 3 : i32
      %dma_wait3A_508 = arith.constant 0 : i32
      %dma_wait3A_509 = arith.constant 0 : i32
      %dma_wait3A_510 = tpu.memref_slice %arg8[%dma_wait3A_506, %dma_wait3A_507, %dma_wait3A_508, %dma_wait3A_509] : memref<2x4x128x16xf32, #tpu.memory_space<vmem>> -> memref<1x1x128x16xf32, #tpu.memory_space<vmem>>
      %dma_wait3A_511 = tpu.memref_squeeze %dma_wait3A_510 : memref<1x1x128x16xf32, #tpu.memory_space<vmem>> -> memref<128x16xf32, #tpu.memory_space<vmem>>
      %dma_wait3A_512 = arith.constant 0 : i32
      %dma_wait3A_513 = tpu.memref_slice %arg7[%add3A_505, %dma_wait3A_512] : memref<80x128xi32, #tpu.memory_space<vmem>> -> memref<1x128xi32, #tpu.memory_space<vmem>>
      %dma_wait3A_514 = tpu.memref_squeeze %dma_wait3A_513 : memref<1x128xi32, #tpu.memory_space<vmem>> -> memref<128xi32, #tpu.memory_space<vmem>>
      %dma_wait3A_515 = arith.constant 0 : i32
      %dma_wait3A_516 = arith.constant 0 : i32
      %dma_wait3A_517 = tpu.memref_slice %arg10[%dma_wait3A_515, %dma_wait3A_516] : memref<10240x16xf32, #tpu.memory_space<vmem_shared>> -> memref<10240x16xf32, #tpu.memory_space<vmem_shared>>
      tpu.wait_indirect_dma semaphore(%arg12 : memref<!tpu.dma_semaphore, #tpu.memory_space<semaphore_mem>>) src(%dma_wait3A_511 : memref<128x16xf32, #tpu.memory_space<vmem>>) dst(%dma_wait3A_517 : memref<10240x16xf32, #tpu.memory_space<vmem_shared>>)
      %add3A_518 = arith.constant 1 : i32
      %add3A_519 = arith.addi %scan3A_125, %add3A_518 : i32
      %lt3A = arith.constant 10 : i32
      %lt3A_520 = arith.cmpi slt, %add3A_519, %lt3A : i32
      %convert_element_type3A_521 = arith.extui %lt3A_520 : i1 to i32
      %cond3A_522 = arith.constant 0 : i32
      %cond3A_523 = arith.cmpi ne, %convert_element_type3A_521, %cond3A_522 : i32
      scf.if %cond3A_523 {
        %add3A_524 = arith.constant 2 : i32
        %add3A_525 = arith.addi %mul3A_127, %add3A_524 : i32
        %mul3A_526 = arith.constant 4 : i32
        %mul3A_527 = arith.muli %add3A_525, %mul3A_526 : i32
        %add3A_528 = arith.constant 0 : i32
        %add3A_529 = arith.addi %mul3A_527, %add3A_528 : i32
        %dma_start3A_530 = arith.constant 0 : i32
        %dma_start3A_531 = arith.constant 0 : i32
        %dma_start3A_532 = arith.constant 0 : i32
        %dma_start3A_533 = arith.constant 0 : i32
        %dma_start3A_534 = tpu.memref_slice %arg8[%dma_start3A_530, %dma_start3A_531, %dma_start3A_532, %dma_start3A_533] : memref<2x4x128x16xf32, #tpu.memory_space<vmem>> -> memref<1x1x128x16xf32, #tpu.memory_space<vmem>>
        %dma_start3A_535 = tpu.memref_squeeze %dma_start3A_534 : memref<1x1x128x16xf32, #tpu.memory_space<vmem>> -> memref<128x16xf32, #tpu.memory_space<vmem>>
        %dma_start3A_536 = arith.constant 0 : i32
        %dma_start3A_537 = tpu.memref_slice %arg6[%add3A_529, %dma_start3A_536] : memref<80x128xi32, #tpu.memory_space<vmem>> -> memref<1x128xi32, #tpu.memory_space<vmem>>
        %dma_start3A_538 = tpu.memref_squeeze %dma_start3A_537 : memref<1x128xi32, #tpu.memory_space<vmem>> -> memref<128xi32, #tpu.memory_space<vmem>>
        %dma_start3A_539 = arith.constant 0 : i32
        %dma_start3A_540 = arith.constant 0 : i32
        %dma_start3A_541 = tpu.memref_slice %arg2[%dma_start3A_539, %dma_start3A_540] : memref<10240x16xf32, #tpu.memory_space<hbm>> -> memref<10240x16xf32, #tpu.memory_space<hbm>>
        tpu.enqueue_indirect_dma source(%dma_start3A_541 : memref<10240x16xf32, #tpu.memory_space<hbm>>) target(%dma_start3A_535 : memref<128x16xf32, #tpu.memory_space<vmem>>) offsets(%dma_start3A_538 : memref<128xi32, #tpu.memory_space<vmem>>) semaphore(%arg11 : memref<!tpu.dma_semaphore, #tpu.memory_space<semaphore_mem>>)
        %mul3A_542 = arith.constant 4 : i32
        %mul3A_543 = arith.muli %add3A_525, %mul3A_542 : i32
        %add3A_544 = arith.constant 1 : i32
        %add3A_545 = arith.addi %mul3A_543, %add3A_544 : i32
        %dma_start3A_546 = arith.constant 0 : i32
        %dma_start3A_547 = arith.constant 1 : i32
        %dma_start3A_548 = arith.constant 0 : i32
        %dma_start3A_549 = arith.constant 0 : i32
        %dma_start3A_550 = tpu.memref_slice %arg8[%dma_start3A_546, %dma_start3A_547, %dma_start3A_548, %dma_start3A_549] : memref<2x4x128x16xf32, #tpu.memory_space<vmem>> -> memref<1x1x128x16xf32, #tpu.memory_space<vmem>>
        %dma_start3A_551 = tpu.memref_squeeze %dma_start3A_550 : memref<1x1x128x16xf32, #tpu.memory_space<vmem>> -> memref<128x16xf32, #tpu.memory_space<vmem>>
        %dma_start3A_552 = arith.constant 0 : i32
        %dma_start3A_553 = tpu.memref_slice %arg6[%add3A_545, %dma_start3A_552] : memref<80x128xi32, #tpu.memory_space<vmem>> -> memref<1x128xi32, #tpu.memory_space<vmem>>
        %dma_start3A_554 = tpu.memref_squeeze %dma_start3A_553 : memref<1x128xi32, #tpu.memory_space<vmem>> -> memref<128xi32, #tpu.memory_space<vmem>>
        %dma_start3A_555 = arith.constant 0 : i32
        %dma_start3A_556 = arith.constant 0 : i32
        %dma_start3A_557 = tpu.memref_slice %arg2[%dma_start3A_555, %dma_start3A_556] : memref<10240x16xf32, #tpu.memory_space<hbm>> -> memref<10240x16xf32, #tpu.memory_space<hbm>>
        tpu.enqueue_indirect_dma source(%dma_start3A_557 : memref<10240x16xf32, #tpu.memory_space<hbm>>) target(%dma_start3A_551 : memref<128x16xf32, #tpu.memory_space<vmem>>) offsets(%dma_start3A_554 : memref<128xi32, #tpu.memory_space<vmem>>) semaphore(%arg11 : memref<!tpu.dma_semaphore, #tpu.memory_space<semaphore_mem>>)
        %mul3A_558 = arith.constant 4 : i32
        %mul3A_559 = arith.muli %add3A_525, %mul3A_558 : i32
        %add3A_560 = arith.constant 2 : i32
        %add3A_561 = arith.addi %mul3A_559, %add3A_560 : i32
        %dma_start3A_562 = arith.constant 0 : i32
        %dma_start3A_563 = arith.constant 2 : i32
        %dma_start3A_564 = arith.constant 0 : i32
        %dma_start3A_565 = arith.constant 0 : i32
        %dma_start3A_566 = tpu.memref_slice %arg8[%dma_start3A_562, %dma_start3A_563, %dma_start3A_564, %dma_start3A_565] : memref<2x4x128x16xf32, #tpu.memory_space<vmem>> -> memref<1x1x128x16xf32, #tpu.memory_space<vmem>>
        %dma_start3A_567 = tpu.memref_squeeze %dma_start3A_566 : memref<1x1x128x16xf32, #tpu.memory_space<vmem>> -> memref<128x16xf32, #tpu.memory_space<vmem>>
        %dma_start3A_568 = arith.constant 0 : i32
        %dma_start3A_569 = tpu.memref_slice %arg6[%add3A_561, %dma_start3A_568] : memref<80x128xi32, #tpu.memory_space<vmem>> -> memref<1x128xi32, #tpu.memory_space<vmem>>
        %dma_start3A_570 = tpu.memref_squeeze %dma_start3A_569 : memref<1x128xi32, #tpu.memory_space<vmem>> -> memref<128xi32, #tpu.memory_space<vmem>>
        %dma_start3A_571 = arith.constant 0 : i32
        %dma_start3A_572 = arith.constant 0 : i32
        %dma_start3A_573 = tpu.memref_slice %arg2[%dma_start3A_571, %dma_start3A_572] : memref<10240x16xf32, #tpu.memory_space<hbm>> -> memref<10240x16xf32, #tpu.memory_space<hbm>>
        tpu.enqueue_indirect_dma source(%dma_start3A_573 : memref<10240x16xf32, #tpu.memory_space<hbm>>) target(%dma_start3A_567 : memref<128x16xf32, #tpu.memory_space<vmem>>) offsets(%dma_start3A_570 : memref<128xi32, #tpu.memory_space<vmem>>) semaphore(%arg11 : memref<!tpu.dma_semaphore, #tpu.memory_space<semaphore_mem>>)
        %mul3A_574 = arith.constant 4 : i32
        %mul3A_575 = arith.muli %add3A_525, %mul3A_574 : i32
        %add3A_576 = arith.constant 3 : i32
        %add3A_577 = arith.addi %mul3A_575, %add3A_576 : i32
        %dma_start3A_578 = arith.constant 0 : i32
        %dma_start3A_579 = arith.constant 3 : i32
        %dma_start3A_580 = arith.constant 0 : i32
        %dma_start3A_581 = arith.constant 0 : i32
        %dma_start3A_582 = tpu.memref_slice %arg8[%dma_start3A_578, %dma_start3A_579, %dma_start3A_580, %dma_start3A_581] : memref<2x4x128x16xf32, #tpu.memory_space<vmem>> -> memref<1x1x128x16xf32, #tpu.memory_space<vmem>>
        %dma_start3A_583 = tpu.memref_squeeze %dma_start3A_582 : memref<1x1x128x16xf32, #tpu.memory_space<vmem>> -> memref<128x16xf32, #tpu.memory_space<vmem>>
        %dma_start3A_584 = arith.constant 0 : i32
        %dma_start3A_585 = tpu.memref_slice %arg6[%add3A_577, %dma_start3A_584] : memref<80x128xi32, #tpu.memory_space<vmem>> -> memref<1x128xi32, #tpu.memory_space<vmem>>
        %dma_start3A_586 = tpu.memref_squeeze %dma_start3A_585 : memref<1x128xi32, #tpu.memory_space<vmem>> -> memref<128xi32, #tpu.memory_space<vmem>>
        %dma_start3A_587 = arith.constant 0 : i32
        %dma_start3A_588 = arith.constant 0 : i32
        %dma_start3A_589 = tpu.memref_slice %arg2[%dma_start3A_587, %dma_start3A_588] : memref<10240x16xf32, #tpu.memory_space<hbm>> -> memref<10240x16xf32, #tpu.memory_space<hbm>>
        tpu.enqueue_indirect_dma source(%dma_start3A_589 : memref<10240x16xf32, #tpu.memory_space<hbm>>) target(%dma_start3A_583 : memref<128x16xf32, #tpu.memory_space<vmem>>) offsets(%dma_start3A_586 : memref<128xi32, #tpu.memory_space<vmem>>) semaphore(%arg11 : memref<!tpu.dma_semaphore, #tpu.memory_space<semaphore_mem>>)
      } else {
      }
    }
    %scan3A_68 = arith.constant 10 : i32
    %dma_wait3A = arith.constant 1 : i32
    %dma_wait3A_69 = arith.constant 0 : i32
    %dma_wait3A_70 = arith.constant 76 : i32
    %dma_wait3A_71 = arith.constant 0 : i32
    %dma_wait3A_72 = arith.constant 0 : i32
    %dma_wait3A_73 = tpu.memref_slice %arg8[%dma_wait3A, %dma_wait3A_69, %dma_wait3A_71, %dma_wait3A_72] : memref<2x4x128x16xf32, #tpu.memory_space<vmem>> -> memref<1x1x128x16xf32, #tpu.memory_space<vmem>>
    %dma_wait3A_74 = tpu.memref_squeeze %dma_wait3A_73 : memref<1x1x128x16xf32, #tpu.memory_space<vmem>> -> memref<128x16xf32, #tpu.memory_space<vmem>>
    %dma_wait3A_75 = arith.constant 0 : i32
    %dma_wait3A_76 = tpu.memref_slice %arg7[%dma_wait3A_70, %dma_wait3A_75] : memref<80x128xi32, #tpu.memory_space<vmem>> -> memref<1x128xi32, #tpu.memory_space<vmem>>
    %dma_wait3A_77 = tpu.memref_squeeze %dma_wait3A_76 : memref<1x128xi32, #tpu.memory_space<vmem>> -> memref<128xi32, #tpu.memory_space<vmem>>
    %dma_wait3A_78 = arith.constant 0 : i32
    %dma_wait3A_79 = arith.constant 0 : i32
    %dma_wait3A_80 = tpu.memref_slice %arg10[%dma_wait3A_78, %dma_wait3A_79] : memref<10240x16xf32, #tpu.memory_space<vmem_shared>> -> memref<10240x16xf32, #tpu.memory_space<vmem_shared>>
    tpu.wait_indirect_dma semaphore(%arg13 : memref<!tpu.dma_semaphore, #tpu.memory_space<semaphore_mem>>) src(%dma_wait3A_74 : memref<128x16xf32, #tpu.memory_space<vmem>>) dst(%dma_wait3A_80 : memref<10240x16xf32, #tpu.memory_space<vmem_shared>>)
    %dma_wait3A_81 = arith.constant 1 : i32
    %dma_wait3A_82 = arith.constant 1 : i32
    %dma_wait3A_83 = arith.constant 77 : i32
    %dma_wait3A_84 = arith.constant 0 : i32
    %dma_wait3A_85 = arith.constant 0 : i32
    %dma_wait3A_86 = tpu.memref_slice %arg8[%dma_wait3A_81, %dma_wait3A_82, %dma_wait3A_84, %dma_wait3A_85] : memref<2x4x128x16xf32, #tpu.memory_space<vmem>> -> memref<1x1x128x16xf32, #tpu.memory_space<vmem>>
    %dma_wait3A_87 = tpu.memref_squeeze %dma_wait3A_86 : memref<1x1x128x16xf32, #tpu.memory_space<vmem>> -> memref<128x16xf32, #tpu.memory_space<vmem>>
    %dma_wait3A_88 = arith.constant 0 : i32
    %dma_wait3A_89 = tpu.memref_slice %arg7[%dma_wait3A_83, %dma_wait3A_88] : memref<80x128xi32, #tpu.memory_space<vmem>> -> memref<1x128xi32, #tpu.memory_space<vmem>>
    %dma_wait3A_90 = tpu.memref_squeeze %dma_wait3A_89 : memref<1x128xi32, #tpu.memory_space<vmem>> -> memref<128xi32, #tpu.memory_space<vmem>>
    %dma_wait3A_91 = arith.constant 0 : i32
    %dma_wait3A_92 = arith.constant 0 : i32
    %dma_wait3A_93 = tpu.memref_slice %arg10[%dma_wait3A_91, %dma_wait3A_92] : memref<10240x16xf32, #tpu.memory_space<vmem_shared>> -> memref<10240x16xf32, #tpu.memory_space<vmem_shared>>
    tpu.wait_indirect_dma semaphore(%arg13 : memref<!tpu.dma_semaphore, #tpu.memory_space<semaphore_mem>>) src(%dma_wait3A_87 : memref<128x16xf32, #tpu.memory_space<vmem>>) dst(%dma_wait3A_93 : memref<10240x16xf32, #tpu.memory_space<vmem_shared>>)
    %dma_wait3A_94 = arith.constant 1 : i32
    %dma_wait3A_95 = arith.constant 2 : i32
    %dma_wait3A_96 = arith.constant 78 : i32
    %dma_wait3A_97 = arith.constant 0 : i32
    %dma_wait3A_98 = arith.constant 0 : i32
    %dma_wait3A_99 = tpu.memref_slice %arg8[%dma_wait3A_94, %dma_wait3A_95, %dma_wait3A_97, %dma_wait3A_98] : memref<2x4x128x16xf32, #tpu.memory_space<vmem>> -> memref<1x1x128x16xf32, #tpu.memory_space<vmem>>
    %dma_wait3A_100 = tpu.memref_squeeze %dma_wait3A_99 : memref<1x1x128x16xf32, #tpu.memory_space<vmem>> -> memref<128x16xf32, #tpu.memory_space<vmem>>
    %dma_wait3A_101 = arith.constant 0 : i32
    %dma_wait3A_102 = tpu.memref_slice %arg7[%dma_wait3A_96, %dma_wait3A_101] : memref<80x128xi32, #tpu.memory_space<vmem>> -> memref<1x128xi32, #tpu.memory_space<vmem>>
    %dma_wait3A_103 = tpu.memref_squeeze %dma_wait3A_102 : memref<1x128xi32, #tpu.memory_space<vmem>> -> memref<128xi32, #tpu.memory_space<vmem>>
    %dma_wait3A_104 = arith.constant 0 : i32
    %dma_wait3A_105 = arith.constant 0 : i32
    %dma_wait3A_106 = tpu.memref_slice %arg10[%dma_wait3A_104, %dma_wait3A_105] : memref<10240x16xf32, #tpu.memory_space<vmem_shared>> -> memref<10240x16xf32, #tpu.memory_space<vmem_shared>>
    tpu.wait_indirect_dma semaphore(%arg13 : memref<!tpu.dma_semaphore, #tpu.memory_space<semaphore_mem>>) src(%dma_wait3A_100 : memref<128x16xf32, #tpu.memory_space<vmem>>) dst(%dma_wait3A_106 : memref<10240x16xf32, #tpu.memory_space<vmem_shared>>)
    %dma_wait3A_107 = arith.constant 1 : i32
    %dma_wait3A_108 = arith.constant 3 : i32
    %dma_wait3A_109 = arith.constant 79 : i32
    %dma_wait3A_110 = arith.constant 0 : i32
    %dma_wait3A_111 = arith.constant 0 : i32
    %dma_wait3A_112 = tpu.memref_slice %arg8[%dma_wait3A_107, %dma_wait3A_108, %dma_wait3A_110, %dma_wait3A_111] : memref<2x4x128x16xf32, #tpu.memory_space<vmem>> -> memref<1x1x128x16xf32, #tpu.memory_space<vmem>>
    %dma_wait3A_113 = tpu.memref_squeeze %dma_wait3A_112 : memref<1x1x128x16xf32, #tpu.memory_space<vmem>> -> memref<128x16xf32, #tpu.memory_space<vmem>>
    %dma_wait3A_114 = arith.constant 0 : i32
    %dma_wait3A_115 = tpu.memref_slice %arg7[%dma_wait3A_109, %dma_wait3A_114] : memref<80x128xi32, #tpu.memory_space<vmem>> -> memref<1x128xi32, #tpu.memory_space<vmem>>
    %dma_wait3A_116 = tpu.memref_squeeze %dma_wait3A_115 : memref<1x128xi32, #tpu.memory_space<vmem>> -> memref<128xi32, #tpu.memory_space<vmem>>
    %dma_wait3A_117 = arith.constant 0 : i32
    %dma_wait3A_118 = arith.constant 0 : i32
    %dma_wait3A_119 = tpu.memref_slice %arg10[%dma_wait3A_117, %dma_wait3A_118] : memref<10240x16xf32, #tpu.memory_space<vmem_shared>> -> memref<10240x16xf32, #tpu.memory_space<vmem_shared>>
    tpu.wait_indirect_dma semaphore(%arg13 : memref<!tpu.dma_semaphore, #tpu.memory_space<semaphore_mem>>) src(%dma_wait3A_113 : memref<128x16xf32, #tpu.memory_space<vmem>>) dst(%dma_wait3A_119 : memref<10240x16xf32, #tpu.memory_space<vmem_shared>>)
    %barrier3A_120 = arith.constant 0 : index
    tpu.barrier barrier_id(%barrier3A_120)
    %mul3A_121 = arith.constant 640 : i32
    %mul3A_122 = arith.muli %arg1, %mul3A_121 : i32
    "tpu.region"() ({
      %run_scoped3A = tpu.sem_alloc : memref<!tpu.dma_semaphore, #tpu.memory_space<semaphore_mem>>
      %dma_start3A_125 = arith.constant 0 : i32
      %dma_start3A_126 = tpu.memref_slice %arg10[%mul3A_122, %dma_start3A_125] : memref<10240x16xf32, #tpu.memory_space<vmem_shared>> -> memref<640x16xf32, #tpu.memory_space<vmem_shared>>
      %dma_start3A_127 = arith.constant 0 : i32
      %dma_start3A_128 = tpu.memref_slice %arg10[%mul3A_122, %dma_start3A_127] : memref<10240x16xf32, #tpu.memory_space<vmem_shared>> -> memref<640x16xf32, #tpu.memory_space<vmem_shared>>
      tpu.enqueue_dma source(%dma_start3A_128 : memref<640x16xf32, #tpu.memory_space<vmem_shared>>) target(%arg9 : memref<640x16xf32, #tpu.memory_space<vmem>>) target_semaphore(%run_scoped3A : memref<!tpu.dma_semaphore, #tpu.memory_space<semaphore_mem>>)
      %dma_wait3A_129 = arith.constant 0 : i32
      %dma_wait3A_130 = tpu.memref_slice %arg10[%mul3A_122, %dma_wait3A_129] : memref<10240x16xf32, #tpu.memory_space<vmem_shared>> -> memref<640x16xf32, #tpu.memory_space<vmem_shared>>
      %dma_wait3A_131 = arith.constant 0 : i32
      %dma_wait3A_132 = tpu.memref_slice %arg10[%mul3A_122, %dma_wait3A_131] : memref<10240x16xf32, #tpu.memory_space<vmem_shared>> -> memref<640x16xf32, #tpu.memory_space<vmem_shared>>
      tpu.wait_dma2 semaphore(%run_scoped3A : memref<!tpu.dma_semaphore, #tpu.memory_space<semaphore_mem>>) src(%dma_wait3A_132 : memref<640x16xf32, #tpu.memory_space<vmem_shared>>) dst(%arg9 : memref<640x16xf32, #tpu.memory_space<vmem>>)
      tpu.yield
    }) : () -> ()
    %mul3A_123 = arith.constant 640 : i32
    %mul3A_124 = arith.muli %arg1, %mul3A_123 : i32
    "tpu.region"() ({
      %run_scoped3A = tpu.sem_alloc : memref<!tpu.dma_semaphore, #tpu.memory_space<semaphore_mem>>
      %dma_start3A_125 = arith.constant 0 : i32
      %dma_start3A_126 = tpu.memref_slice %arg5[%arg0, %mul3A_124, %dma_start3A_125] : memref<2x10240x16xf32, #tpu.memory_space<hbm>> -> memref<1x640x16xf32, #tpu.memory_space<hbm>>
      %dma_start3A_127 = tpu.memref_squeeze %dma_start3A_126 : memref<1x640x16xf32, #tpu.memory_space<hbm>> -> memref<640x16xf32, #tpu.memory_space<hbm>>
      %dma_start3A_128 = arith.constant 0 : i32
      %dma_start3A_129 = tpu.memref_slice %arg5[%arg0, %mul3A_124, %dma_start3A_128] : memref<2x10240x16xf32, #tpu.memory_space<hbm>> -> memref<1x640x16xf32, #tpu.memory_space<hbm>>
      %dma_start3A_130 = tpu.memref_squeeze %dma_start3A_129 : memref<1x640x16xf32, #tpu.memory_space<hbm>> -> memref<640x16xf32, #tpu.memory_space<hbm>>
      tpu.enqueue_dma source(%arg9 : memref<640x16xf32, #tpu.memory_space<vmem>>) target(%dma_start3A_130 : memref<640x16xf32, #tpu.memory_space<hbm>>) target_semaphore(%run_scoped3A : memref<!tpu.dma_semaphore, #tpu.memory_space<semaphore_mem>>)
      %dma_wait3A_131 = arith.constant 0 : i32
      %dma_wait3A_132 = tpu.memref_slice %arg5[%arg0, %mul3A_124, %dma_wait3A_131] : memref<2x10240x16xf32, #tpu.memory_space<hbm>> -> memref<1x640x16xf32, #tpu.memory_space<hbm>>
      %dma_wait3A_133 = tpu.memref_squeeze %dma_wait3A_132 : memref<1x640x16xf32, #tpu.memory_space<hbm>> -> memref<640x16xf32, #tpu.memory_space<hbm>>
      %dma_wait3A_134 = arith.constant 0 : i32
      %dma_wait3A_135 = tpu.memref_slice %arg5[%arg0, %mul3A_124, %dma_wait3A_134] : memref<2x10240x16xf32, #tpu.memory_space<hbm>> -> memref<1x640x16xf32, #tpu.memory_space<hbm>>
      %dma_wait3A_136 = tpu.memref_squeeze %dma_wait3A_135 : memref<1x640x16xf32, #tpu.memory_space<hbm>> -> memref<640x16xf32, #tpu.memory_space<hbm>>
      tpu.wait_dma2 semaphore(%run_scoped3A : memref<!tpu.dma_semaphore, #tpu.memory_space<semaphore_mem>>) src(%arg9 : memref<640x16xf32, #tpu.memory_space<vmem>>) dst(%dma_wait3A_136 : memref<640x16xf32, #tpu.memory_space<hbm>>)
      tpu.yield
    }) : () -> ()
    return
  }
}

#map = affine_map<(d0, d1) -> (0, 0)>
#map1 = affine_map<(d0, d1) -> (0, 0, 0)>
module attributes {stable_mosaic.version = 14 : i64} {
  func.func @k(%arg0: i32, %arg1: i32, %arg2: memref<10240x16xf32, #tpu.memory_space<hbm>>, %arg3: memref<2560x128xi32, #tpu.memory_space<hbm>>, %arg4: memref<2560x128xi32, #tpu.memory_space<hbm>>, %arg5: memref<2x10240x16xf32, #tpu.memory_space<hbm>>, %arg6: memref<80x128xi32, #tpu.memory_space<vmem>>, %arg7: memref<80x128xi32, #tpu.memory_space<vmem>>, %arg8: memref<2x4x128x16xf32, #tpu.memory_space<vmem>>, %arg9: memref<640x16xf32, #tpu.memory_space<vmem>>, %arg10: memref<10240x16xf32, #tpu.memory_space<vmem_shared>>, %arg11: memref<!tpu.dma_semaphore, #tpu.memory_space<semaphore_mem>>, %arg12: memref<!tpu.dma_semaphore, #tpu.memory_space<semaphore_mem>>, %arg13: memref<!tpu.dma_semaphore, #tpu.memory_space<semaphore_mem>>) attributes {dimension_semantics = [#tpu.dimension_semantics<core_parallel>, #tpu.dimension_semantics<subcore_parallel>], iteration_bounds = array<i64: 2, 16>, scalar_prefetch = 0 : i64, scratch_operands = 8 : i64, tpu.core_type = #tpu.core_type<sc_vector_subcore>, window_params = [{transform_indices = #map}, {transform_indices = #map}, {transform_indices = #map}, {transform_indices = #map1}]} {
    %mul3A = arith.constant 16 : i32
    %mul3A_0 = arith.muli %arg0, %mul3A : i32
    %add3A = arith.addi %mul3A_0, %arg1 : i32
    %scan3A = arith.constant 0 : i32
    %scan3A_1 = arith.constant 0 : i32
    %scan3A_2 = arith.constant 640 : i32
    %scan3A_3 = arith.addi %scan3A_1, %scan3A_2 : i32
    %scan3A_4 = arith.constant 1 : i32
    scf.for %scan3A_125 = %scan3A_1 to %scan3A_3 step %scan3A_4  : i32 {
      %broadcast_in_dim3A = arith.constant 0.000000e+00 : f32
      %broadcast_in_dim3A_126 = vector.broadcast %broadcast_in_dim3A : f32 to vector<16xf32>
      %swap3A = arith.index_cast %scan3A_125 : i32 to index
      %swap3A_127 = arith.constant 0 : index
      %swap3A_128 = tpu.vector_load %arg9[%swap3A, %swap3A_127] {strides = array<i32>} : memref<640x16xf32, #tpu.memory_space<vmem>>, vector<1x16xf32>,
      %swap3A_129 = vector.shape_cast %swap3A_128 : vector<1x16xf32> to vector<16xf32>
      %swap3A_130 = vector.shape_cast %broadcast_in_dim3A_126 : vector<16xf32> to vector<1x16xf32>
      tpu.vector_store %arg9[%swap3A, %swap3A_127], %swap3A_130 {strides = array<i32>} : memref<640x16xf32, #tpu.memory_space<vmem>>, vector<1x16xf32>,
    }
    %scan3A_5 = arith.constant 640 : i32
    %mul3A_6 = arith.constant 640 : i32
    %mul3A_7 = arith.muli %arg1, %mul3A_6 : i32
    "tpu.region"() ({
      %run_scoped3A = tpu.sem_alloc : memref<!tpu.dma_semaphore, #tpu.memory_space<semaphore_mem>>
      %dma_start3A_125 = arith.constant 0 : i32
      %dma_start3A_126 = tpu.memref_slice %arg10[%mul3A_7, %dma_start3A_125] : memref<10240x16xf32, #tpu.memory_space<vmem_shared>> -> memref<640x16xf32, #tpu.memory_space<vmem_shared>>
      %dma_start3A_127 = arith.constant 0 : i32
      %dma_start3A_128 = tpu.memref_slice %arg10[%mul3A_7, %dma_start3A_127] : memref<10240x16xf32, #tpu.memory_space<vmem_shared>> -> memref<640x16xf32, #tpu.memory_space<vmem_shared>>
      tpu.enqueue_dma source(%arg9 : memref<640x16xf32, #tpu.memory_space<vmem>>) target(%dma_start3A_128 : memref<640x16xf32, #tpu.memory_space<vmem_shared>>) target_semaphore(%run_scoped3A : memref<!tpu.dma_semaphore, #tpu.memory_space<semaphore_mem>>)
      %dma_wait3A_129 = arith.constant 0 : i32
      %dma_wait3A_130 = tpu.memref_slice %arg10[%mul3A_7, %dma_wait3A_129] : memref<10240x16xf32, #tpu.memory_space<vmem_shared>> -> memref<640x16xf32, #tpu.memory_space<vmem_shared>>
      %dma_wait3A_131 = arith.constant 0 : i32
      %dma_wait3A_132 = tpu.memref_slice %arg10[%mul3A_7, %dma_wait3A_131] : memref<10240x16xf32, #tpu.memory_space<vmem_shared>> -> memref<640x16xf32, #tpu.memory_space<vmem_shared>>
      tpu.wait_dma2 semaphore(%run_scoped3A : memref<!tpu.dma_semaphore, #tpu.memory_space<semaphore_mem>>) src(%arg9 : memref<640x16xf32, #tpu.memory_space<vmem>>) dst(%dma_wait3A_132 : memref<640x16xf32, #tpu.memory_space<vmem_shared>>)
      tpu.yield
    }) : () -> ()
    %mul3A_8 = arith.constant 80 : i32
    %mul3A_9 = arith.muli %add3A, %mul3A_8 : i32
    "tpu.region"() ({
      %run_scoped3A = tpu.sem_alloc : memref<!tpu.dma_semaphore, #tpu.memory_space<semaphore_mem>>
      %dma_start3A_125 = arith.constant 0 : i32
      %dma_start3A_126 = tpu.memref_slice %arg3[%mul3A_9, %dma_start3A_125] : memref<2560x128xi32, #tpu.memory_space<hbm>> -> memref<80x128xi32, #tpu.memory_space<hbm>>
      %dma_start3A_127 = arith.constant 0 : i32
      %dma_start3A_128 = tpu.memref_slice %arg3[%mul3A_9, %dma_start3A_127] : memref<2560x128xi32, #tpu.memory_space<hbm>> -> memref<80x128xi32, #tpu.memory_space<hbm>>
      tpu.enqueue_dma source(%dma_start3A_128 : memref<80x128xi32, #tpu.memory_space<hbm>>) target(%arg6 : memref<80x128xi32, #tpu.memory_space<vmem>>) target_semaphore(%run_scoped3A : memref<!tpu.dma_semaphore, #tpu.memory_space<semaphore_mem>>)
      %dma_wait3A_129 = arith.constant 0 : i32
      %dma_wait3A_130 = tpu.memref_slice %arg3[%mul3A_9, %dma_wait3A_129] : memref<2560x128xi32, #tpu.memory_space<hbm>> -> memref<80x128xi32, #tpu.memory_space<hbm>>
      %dma_wait3A_131 = arith.constant 0 : i32
      %dma_wait3A_132 = tpu.memref_slice %arg3[%mul3A_9, %dma_wait3A_131] : memref<2560x128xi32, #tpu.memory_space<hbm>> -> memref<80x128xi32, #tpu.memory_space<hbm>>
      tpu.wait_dma2 semaphore(%run_scoped3A : memref<!tpu.dma_semaphore, #tpu.memory_space<semaphore_mem>>) src(%dma_wait3A_132 : memref<80x128xi32, #tpu.memory_space<hbm>>) dst(%arg6 : memref<80x128xi32, #tpu.memory_space<vmem>>)
      tpu.yield
    }) : () -> ()
    %mul3A_10 = arith.constant 80 : i32
    %mul3A_11 = arith.muli %add3A, %mul3A_10 : i32
    "tpu.region"() ({
      %run_scoped3A = tpu.sem_alloc : memref<!tpu.dma_semaphore, #tpu.memory_space<semaphore_mem>>
      %dma_start3A_125 = arith.constant 0 : i32
      %dma_start3A_126 = tpu.memref_slice %arg4[%mul3A_11, %dma_start3A_125] : memref<2560x128xi32, #tpu.memory_space<hbm>> -> memref<80x128xi32, #tpu.memory_space<hbm>>
      %dma_start3A_127 = arith.constant 0 : i32
      %dma_start3A_128 = tpu.memref_slice %arg4[%mul3A_11, %dma_start3A_127] : memref<2560x128xi32, #tpu.memory_space<hbm>> -> memref<80x128xi32, #tpu.memory_space<hbm>>
      tpu.enqueue_dma source(%dma_start3A_128 : memref<80x128xi32, #tpu.memory_space<hbm>>) target(%arg7 : memref<80x128xi32, #tpu.memory_space<vmem>>) target_semaphore(%run_scoped3A : memref<!tpu.dma_semaphore, #tpu.memory_space<semaphore_mem>>)
      %dma_wait3A_129 = arith.constant 0 : i32
      %dma_wait3A_130 = tpu.memref_slice %arg4[%mul3A_11, %dma_wait3A_129] : memref<2560x128xi32, #tpu.memory_space<hbm>> -> memref<80x128xi32, #tpu.memory_space<hbm>>
      %dma_wait3A_131 = arith.constant 0 : i32
      %dma_wait3A_132 = tpu.memref_slice %arg4[%mul3A_11, %dma_wait3A_131] : memref<2560x128xi32, #tpu.memory_space<hbm>> -> memref<80x128xi32, #tpu.memory_space<hbm>>
      tpu.wait_dma2 semaphore(%run_scoped3A : memref<!tpu.dma_semaphore, #tpu.memory_space<semaphore_mem>>) src(%dma_wait3A_132 : memref<80x128xi32, #tpu.memory_space<hbm>>) dst(%arg7 : memref<80x128xi32, #tpu.memory_space<vmem>>)
      tpu.yield
    }) : () -> ()
    %barrier3A = arith.constant 0 : index
    tpu.barrier barrier_id(%barrier3A)
    %dma_start3A = arith.constant 0 : i32
    %dma_start3A_12 = arith.constant 0 : i32
    %dma_start3A_13 = arith.constant 0 : i32
    %dma_start3A_14 = arith.constant 0 : i32
    %dma_start3A_15 = arith.constant 0 : i32
    %dma_start3A_16 = tpu.memref_slice %arg8[%dma_start3A_12, %dma_start3A_13, %dma_start3A_14, %dma_start3A_15] : memref<2x4x128x16xf32, #tpu.memory_space<vmem>> -> memref<1x1x128x16xf32, #tpu.memory_space<vmem>>
    %dma_start3A_17 = tpu.memref_squeeze %dma_start3A_16 : memref<1x1x128x16xf32, #tpu.memory_space<vmem>> -> memref<128x16xf32, #tpu.memory_space<vmem>>
    %dma_start3A_18 = arith.constant 0 : i32
    %dma_start3A_19 = tpu.memref_slice %arg6[%dma_start3A, %dma_start3A_18] : memref<80x128xi32, #tpu.memory_space<vmem>> -> memref<1x128xi32, #tpu.memory_space<vmem>>
    %dma_start3A_20 = tpu.memref_squeeze %dma_start3A_19 : memref<1x128xi32, #tpu.memory_space<vmem>> -> memref<128xi32, #tpu.memory_space<vmem>>
    %dma_start3A_21 = arith.constant 0 : i32
    %dma_start3A_22 = arith.constant 0 : i32
    %dma_start3A_23 = tpu.memref_slice %arg2[%dma_start3A_21, %dma_start3A_22] : memref<10240x16xf32, #tpu.memory_space<hbm>> -> memref<10240x16xf32, #tpu.memory_space<hbm>>
    tpu.enqueue_indirect_dma source(%dma_start3A_23 : memref<10240x16xf32, #tpu.memory_space<hbm>>) target(%dma_start3A_17 : memref<128x16xf32, #tpu.memory_space<vmem>>) offsets(%dma_start3A_20 : memref<128xi32, #tpu.memory_space<vmem>>) semaphore(%arg11 : memref<!tpu.dma_semaphore, #tpu.memory_space<semaphore_mem>>)
    %dma_start3A_24 = arith.constant 1 : i32
    %dma_start3A_25 = arith.constant 0 : i32
    %dma_start3A_26 = arith.constant 1 : i32
    %dma_start3A_27 = arith.constant 0 : i32
    %dma_start3A_28 = arith.constant 0 : i32
    %dma_start3A_29 = tpu.memref_slice %arg8[%dma_start3A_25, %dma_start3A_26, %dma_start3A_27, %dma_start3A_28] : memref<2x4x128x16xf32, #tpu.memory_space<vmem>> -> memref<1x1x128x16xf32, #tpu.memory_space<vmem>>
    %dma_start3A_30 = tpu.memref_squeeze %dma_start3A_29 : memref<1x1x128x16xf32, #tpu.memory_space<vmem>> -> memref<128x16xf32, #tpu.memory_space<vmem>>
    %dma_start3A_31 = arith.constant 0 : i32
    %dma_start3A_32 = tpu.memref_slice %arg6[%dma_start3A_24, %dma_start3A_31] : memref<80x128xi32, #tpu.memory_space<vmem>> -> memref<1x128xi32, #tpu.memory_space<vmem>>
    %dma_start3A_33 = tpu.memref_squeeze %dma_start3A_32 : memref<1x128xi32, #tpu.memory_space<vmem>> -> memref<128xi32, #tpu.memory_space<vmem>>
    %dma_start3A_34 = arith.constant 0 : i32
    %dma_start3A_35 = arith.constant 0 : i32
    %dma_start3A_36 = tpu.memref_slice %arg2[%dma_start3A_34, %dma_start3A_35] : memref<10240x16xf32, #tpu.memory_space<hbm>> -> memref<10240x16xf32, #tpu.memory_space<hbm>>
    tpu.enqueue_indirect_dma source(%dma_start3A_36 : memref<10240x16xf32, #tpu.memory_space<hbm>>) target(%dma_start3A_30 : memref<128x16xf32, #tpu.memory_space<vmem>>) offsets(%dma_start3A_33 : memref<128xi32, #tpu.memory_space<vmem>>) semaphore(%arg11 : memref<!tpu.dma_semaphore, #tpu.memory_space<semaphore_mem>>)
    %dma_start3A_37 = arith.constant 2 : i32
    %dma_start3A_38 = arith.constant 0 : i32
    %dma_start3A_39 = arith.constant 2 : i32
    %dma_start3A_40 = arith.constant 0 : i32
    %dma_start3A_41 = arith.constant 0 : i32
    %dma_start3A_42 = tpu.memref_slice %arg8[%dma_start3A_38, %dma_start3A_39, %dma_start3A_40, %dma_start3A_41] : memref<2x4x128x16xf32, #tpu.memory_space<vmem>> -> memref<1x1x128x16xf32, #tpu.memory_space<vmem>>
    %dma_start3A_43 = tpu.memref_squeeze %dma_start3A_42 : memref<1x1x128x16xf32, #tpu.memory_space<vmem>> -> memref<128x16xf32, #tpu.memory_space<vmem>>
    %dma_start3A_44 = arith.constant 0 : i32
    %dma_start3A_45 = tpu.memref_slice %arg6[%dma_start3A_37, %dma_start3A_44] : memref<80x128xi32, #tpu.memory_space<vmem>> -> memref<1x128xi32, #tpu.memory_space<vmem>>
    %dma_start3A_46 = tpu.memref_squeeze %dma_start3A_45 : memref<1x128xi32, #tpu.memory_space<vmem>> -> memref<128xi32, #tpu.memory_space<vmem>>
    %dma_start3A_47 = arith.constant 0 : i32
    %dma_start3A_48 = arith.constant 0 : i32
    %dma_start3A_49 = tpu.memref_slice %arg2[%dma_start3A_47, %dma_start3A_48] : memref<10240x16xf32, #tpu.memory_space<hbm>> -> memref<10240x16xf32, #tpu.memory_space<hbm>>
    tpu.enqueue_indirect_dma source(%dma_start3A_49 : memref<10240x16xf32, #tpu.memory_space<hbm>>) target(%dma_start3A_43 : memref<128x16xf32, #tpu.memory_space<vmem>>) offsets(%dma_start3A_46 : memref<128xi32, #tpu.memory_space<vmem>>) semaphore(%arg11 : memref<!tpu.dma_semaphore, #tpu.memory_space<semaphore_mem>>)
    %dma_start3A_50 = arith.constant 3 : i32
    %dma_start3A_51 = arith.constant 0 : i32
    %dma_start3A_52 = arith.constant 3 : i32
    %dma_start3A_53 = arith.constant 0 : i32
    %dma_start3A_54 = arith.constant 0 : i32
    %dma_start3A_55 = tpu.memref_slice %arg8[%dma_start3A_51, %dma_start3A_52, %dma_start3A_53, %dma_start3A_54] : memref<2x4x128x16xf32, #tpu.memory_space<vmem>> -> memref<1x1x128x16xf32, #tpu.memory_space<vmem>>
    %dma_start3A_56 = tpu.memref_squeeze %dma_start3A_55 : memref<1x1x128x16xf32, #tpu.memory_space<vmem>> -> memref<128x16xf32, #tpu.memory_space<vmem>>
    %dma_start3A_57 = arith.constant 0 : i32
    %dma_start3A_58 = tpu.memref_slice %arg6[%dma_start3A_50, %dma_start3A_57] : memref<80x128xi32, #tpu.memory_space<vmem>> -> memref<1x128xi32, #tpu.memory_space<vmem>>
    %dma_start3A_59 = tpu.memref_squeeze %dma_start3A_58 : memref<1x128xi32, #tpu.memory_space<vmem>> -> memref<128xi32, #tpu.memory_space<vmem>>
    %dma_start3A_60 = arith.constant 0 : i32
    %dma_start3A_61 = arith.constant 0 : i32
    %dma_start3A_62 = tpu.memref_slice %arg2[%dma_start3A_60, %dma_start3A_61] : memref<10240x16xf32, #tpu.memory_space<hbm>> -> memref<10240x16xf32, #tpu.memory_space<hbm>>
    tpu.enqueue_indirect_dma source(%dma_start3A_62 : memref<10240x16xf32, #tpu.memory_space<hbm>>) target(%dma_start3A_56 : memref<128x16xf32, #tpu.memory_space<vmem>>) offsets(%dma_start3A_59 : memref<128xi32, #tpu.memory_space<vmem>>) semaphore(%arg11 : memref<!tpu.dma_semaphore, #tpu.memory_space<semaphore_mem>>)
    %scan3A_63 = arith.constant 0 : i32
    %scan3A_64 = arith.constant 0 : i32
    %scan3A_65 = arith.constant 10 : i32
    %scan3A_66 = arith.addi %scan3A_64, %scan3A_65 : i32
    %scan3A_67 = arith.constant 1 : i32
    scf.for %scan3A_125 = %scan3A_64 to %scan3A_66 step %scan3A_67  : i32 {
      %mul3A_126 = arith.constant 2 : i32
      %mul3A_127 = arith.muli %mul3A_126, %scan3A_125 : i32
      %mul3A_128 = arith.constant 2 : i32
      %mul3A_129 = arith.muli %mul3A_128, %scan3A_125 : i32
      %add3A_130 = arith.constant 1 : i32
      %add3A_131 = arith.addi %mul3A_129, %add3A_130 : i32
      %mul3A_132 = arith.constant 4 : i32
      %mul3A_133 = arith.muli %mul3A_127, %mul3A_132 : i32
      %add3A_134 = arith.constant 0 : i32
      %add3A_135 = arith.addi %mul3A_133, %add3A_134 : i32
      %dma_wait3A_136 = arith.constant 0 : i32
      %dma_wait3A_137 = arith.constant 0 : i32
      %dma_wait3A_138 = arith.constant 0 : i32
      %dma_wait3A_139 = arith.constant 0 : i32
      %dma_wait3A_140 = tpu.memref_slice %arg8[%dma_wait3A_136, %dma_wait3A_137, %dma_wait3A_138, %dma_wait3A_139] : memref<2x4x128x16xf32, #tpu.memory_space<vmem>> -> memref<1x1x128x16xf32, #tpu.memory_space<vmem>>
      %dma_wait3A_141 = tpu.memref_squeeze %dma_wait3A_140 : memref<1x1x128x16xf32, #tpu.memory_space<vmem>> -> memref<128x16xf32, #tpu.memory_space<vmem>>
      %dma_wait3A_142 = arith.constant 0 : i32
      %dma_wait3A_143 = tpu.memref_slice %arg6[%add3A_135, %dma_wait3A_142] : memref<80x128xi32, #tpu.memory_space<vmem>> -> memref<1x128xi32, #tpu.memory_space<vmem>>
      %dma_wait3A_144 = tpu.memref_squeeze %dma_wait3A_143 : memref<1x128xi32, #tpu.memory_space<vmem>> -> memref<128xi32, #tpu.memory_space<vmem>>
      %dma_wait3A_145 = arith.constant 0 : i32
      %dma_wait3A_146 = arith.constant 0 : i32
      %dma_wait3A_147 = tpu.memref_slice %arg2[%dma_wait3A_145, %dma_wait3A_146] : memref<10240x16xf32, #tpu.memory_space<hbm>> -> memref<10240x16xf32, #tpu.memory_space<hbm>>
      tpu.wait_indirect_dma semaphore(%arg11 : memref<!tpu.dma_semaphore, #tpu.memory_space<semaphore_mem>>) src(%dma_wait3A_147 : memref<10240x16xf32, #tpu.memory_space<hbm>>) dst(%dma_wait3A_141 : memref<128x16xf32, #tpu.memory_space<vmem>>)
      %mul3A_148 = arith.constant 4 : i32
      %mul3A_149 = arith.muli %mul3A_127, %mul3A_148 : i32
      %add3A_150 = arith.constant 1 : i32
      %add3A_151 = arith.addi %mul3A_149, %add3A_150 : i32
      %dma_wait3A_152 = arith.constant 0 : i32
      %dma_wait3A_153 = arith.constant 1 : i32
      %dma_wait3A_154 = arith.constant 0 : i32
      %dma_wait3A_155 = arith.constant 0 : i32
      %dma_wait3A_156 = tpu.memref_slice %arg8[%dma_wait3A_152, %dma_wait3A_153, %dma_wait3A_154, %dma_wait3A_155] : memref<2x4x128x16xf32, #tpu.memory_space<vmem>> -> memref<1x1x128x16xf32, #tpu.memory_space<vmem>>
      %dma_wait3A_157 = tpu.memref_squeeze %dma_wait3A_156 : memref<1x1x128x16xf32, #tpu.memory_space<vmem>> -> memref<128x16xf32, #tpu.memory_space<vmem>>
      %dma_wait3A_158 = arith.constant 0 : i32
      %dma_wait3A_159 = tpu.memref_slice %arg6[%add3A_151, %dma_wait3A_158] : memref<80x128xi32, #tpu.memory_space<vmem>> -> memref<1x128xi32, #tpu.memory_space<vmem>>
      %dma_wait3A_160 = tpu.memref_squeeze %dma_wait3A_159 : memref<1x128xi32, #tpu.memory_space<vmem>> -> memref<128xi32, #tpu.memory_space<vmem>>
      %dma_wait3A_161 = arith.constant 0 : i32
      %dma_wait3A_162 = arith.constant 0 : i32
      %dma_wait3A_163 = tpu.memref_slice %arg2[%dma_wait3A_161, %dma_wait3A_162] : memref<10240x16xf32, #tpu.memory_space<hbm>> -> memref<10240x16xf32, #tpu.memory_space<hbm>>
      tpu.wait_indirect_dma semaphore(%arg11 : memref<!tpu.dma_semaphore, #tpu.memory_space<semaphore_mem>>) src(%dma_wait3A_163 : memref<10240x16xf32, #tpu.memory_space<hbm>>) dst(%dma_wait3A_157 : memref<128x16xf32, #tpu.memory_space<vmem>>)
      %mul3A_164 = arith.constant 4 : i32
      %mul3A_165 = arith.muli %mul3A_127, %mul3A_164 : i32
      %add3A_166 = arith.constant 2 : i32
      %add3A_167 = arith.addi %mul3A_165, %add3A_166 : i32
      %dma_wait3A_168 = arith.constant 0 : i32
      %dma_wait3A_169 = arith.constant 2 : i32
      %dma_wait3A_170 = arith.constant 0 : i32
      %dma_wait3A_171 = arith.constant 0 : i32
      %dma_wait3A_172 = tpu.memref_slice %arg8[%dma_wait3A_168, %dma_wait3A_169, %dma_wait3A_170, %dma_wait3A_171] : memref<2x4x128x16xf32, #tpu.memory_space<vmem>> -> memref<1x1x128x16xf32, #tpu.memory_space<vmem>>
      %dma_wait3A_173 = tpu.memref_squeeze %dma_wait3A_172 : memref<1x1x128x16xf32, #tpu.memory_space<vmem>> -> memref<128x16xf32, #tpu.memory_space<vmem>>
      %dma_wait3A_174 = arith.constant 0 : i32
      %dma_wait3A_175 = tpu.memref_slice %arg6[%add3A_167, %dma_wait3A_174] : memref<80x128xi32, #tpu.memory_space<vmem>> -> memref<1x128xi32, #tpu.memory_space<vmem>>
      %dma_wait3A_176 = tpu.memref_squeeze %dma_wait3A_175 : memref<1x128xi32, #tpu.memory_space<vmem>> -> memref<128xi32, #tpu.memory_space<vmem>>
      %dma_wait3A_177 = arith.constant 0 : i32
      %dma_wait3A_178 = arith.constant 0 : i32
      %dma_wait3A_179 = tpu.memref_slice %arg2[%dma_wait3A_177, %dma_wait3A_178] : memref<10240x16xf32, #tpu.memory_space<hbm>> -> memref<10240x16xf32, #tpu.memory_space<hbm>>
      tpu.wait_indirect_dma semaphore(%arg11 : memref<!tpu.dma_semaphore, #tpu.memory_space<semaphore_mem>>) src(%dma_wait3A_179 : memref<10240x16xf32, #tpu.memory_space<hbm>>) dst(%dma_wait3A_173 : memref<128x16xf32, #tpu.memory_space<vmem>>)
      %mul3A_180 = arith.constant 4 : i32
      %mul3A_181 = arith.muli %mul3A_127, %mul3A_180 : i32
      %add3A_182 = arith.constant 3 : i32
      %add3A_183 = arith.addi %mul3A_181, %add3A_182 : i32
      %dma_wait3A_184 = arith.constant 0 : i32
      %dma_wait3A_185 = arith.constant 3 : i32
      %dma_wait3A_186 = arith.constant 0 : i32
      %dma_wait3A_187 = arith.constant 0 : i32
      %dma_wait3A_188 = tpu.memref_slice %arg8[%dma_wait3A_184, %dma_wait3A_185, %dma_wait3A_186, %dma_wait3A_187] : memref<2x4x128x16xf32, #tpu.memory_space<vmem>> -> memref<1x1x128x16xf32, #tpu.memory_space<vmem>>
      %dma_wait3A_189 = tpu.memref_squeeze %dma_wait3A_188 : memref<1x1x128x16xf32, #tpu.memory_space<vmem>> -> memref<128x16xf32, #tpu.memory_space<vmem>>
      %dma_wait3A_190 = arith.constant 0 : i32
      %dma_wait3A_191 = tpu.memref_slice %arg6[%add3A_183, %dma_wait3A_190] : memref<80x128xi32, #tpu.memory_space<vmem>> -> memref<1x128xi32, #tpu.memory_space<vmem>>
      %dma_wait3A_192 = tpu.memref_squeeze %dma_wait3A_191 : memref<1x128xi32, #tpu.memory_space<vmem>> -> memref<128xi32, #tpu.memory_space<vmem>>
      %dma_wait3A_193 = arith.constant 0 : i32
      %dma_wait3A_194 = arith.constant 0 : i32
      %dma_wait3A_195 = tpu.memref_slice %arg2[%dma_wait3A_193, %dma_wait3A_194] : memref<10240x16xf32, #tpu.memory_space<hbm>> -> memref<10240x16xf32, #tpu.memory_space<hbm>>
      tpu.wait_indirect_dma semaphore(%arg11 : memref<!tpu.dma_semaphore, #tpu.memory_space<semaphore_mem>>) src(%dma_wait3A_195 : memref<10240x16xf32, #tpu.memory_space<hbm>>) dst(%dma_wait3A_189 : memref<128x16xf32, #tpu.memory_space<vmem>>)
      %mul3A_196 = arith.constant 4 : i32
      %mul3A_197 = arith.muli %mul3A_127, %mul3A_196 : i32
      %add3A_198 = arith.constant 0 : i32
      %add3A_199 = arith.addi %mul3A_197, %add3A_198 : i32
      %dma_start3A_200 = arith.constant 0 : i32
      %dma_start3A_201 = arith.constant 0 : i32
      %dma_start3A_202 = arith.constant 0 : i32
      %dma_start3A_203 = arith.constant 0 : i32
      %dma_start3A_204 = tpu.memref_slice %arg8[%dma_start3A_200, %dma_start3A_201, %dma_start3A_202, %dma_start3A_203] : memref<2x4x128x16xf32, #tpu.memory_space<vmem>> -> memref<1x1x128x16xf32, #tpu.memory_space<vmem>>
      %dma_start3A_205 = tpu.memref_squeeze %dma_start3A_204 : memref<1x1x128x16xf32, #tpu.memory_space<vmem>> -> memref<128x16xf32, #tpu.memory_space<vmem>>
      %dma_start3A_206 = arith.constant 0 : i32
      %dma_start3A_207 = tpu.memref_slice %arg7[%add3A_199, %dma_start3A_206] : memref<80x128xi32, #tpu.memory_space<vmem>> -> memref<1x128xi32, #tpu.memory_space<vmem>>
      %dma_start3A_208 = tpu.memref_squeeze %dma_start3A_207 : memref<1x128xi32, #tpu.memory_space<vmem>> -> memref<128xi32, #tpu.memory_space<vmem>>
      %dma_start3A_209 = arith.constant 0 : i32
      %dma_start3A_210 = arith.constant 0 : i32
      %dma_start3A_211 = tpu.memref_slice %arg10[%dma_start3A_209, %dma_start3A_210] : memref<10240x16xf32, #tpu.memory_space<vmem_shared>> -> memref<10240x16xf32, #tpu.memory_space<vmem_shared>>
      tpu.enqueue_indirect_dma source(%dma_start3A_205 : memref<128x16xf32, #tpu.memory_space<vmem>>) target(%dma_start3A_211 : memref<10240x16xf32, #tpu.memory_space<vmem_shared>>) offsets(%dma_start3A_208 : memref<128xi32, #tpu.memory_space<vmem>>) semaphore(%arg12 : memref<!tpu.dma_semaphore, #tpu.memory_space<semaphore_mem>>) {add = true}
      %mul3A_212 = arith.constant 4 : i32
      %mul3A_213 = arith.muli %mul3A_127, %mul3A_212 : i32
      %add3A_214 = arith.constant 1 : i32
      %add3A_215 = arith.addi %mul3A_213, %add3A_214 : i32
      %dma_start3A_216 = arith.constant 0 : i32
      %dma_start3A_217 = arith.constant 1 : i32
      %dma_start3A_218 = arith.constant 0 : i32
      %dma_start3A_219 = arith.constant 0 : i32
      %dma_start3A_220 = tpu.memref_slice %arg8[%dma_start3A_216, %dma_start3A_217, %dma_start3A_218, %dma_start3A_219] : memref<2x4x128x16xf32, #tpu.memory_space<vmem>> -> memref<1x1x128x16xf32, #tpu.memory_space<vmem>>
      %dma_start3A_221 = tpu.memref_squeeze %dma_start3A_220 : memref<1x1x128x16xf32, #tpu.memory_space<vmem>> -> memref<128x16xf32, #tpu.memory_space<vmem>>
      %dma_start3A_222 = arith.constant 0 : i32
      %dma_start3A_223 = tpu.memref_slice %arg7[%add3A_215, %dma_start3A_222] : memref<80x128xi32, #tpu.memory_space<vmem>> -> memref<1x128xi32, #tpu.memory_space<vmem>>
      %dma_start3A_224 = tpu.memref_squeeze %dma_start3A_223 : memref<1x128xi32, #tpu.memory_space<vmem>> -> memref<128xi32, #tpu.memory_space<vmem>>
      %dma_start3A_225 = arith.constant 0 : i32
      %dma_start3A_226 = arith.constant 0 : i32
      %dma_start3A_227 = tpu.memref_slice %arg10[%dma_start3A_225, %dma_start3A_226] : memref<10240x16xf32, #tpu.memory_space<vmem_shared>> -> memref<10240x16xf32, #tpu.memory_space<vmem_shared>>
      tpu.enqueue_indirect_dma source(%dma_start3A_221 : memref<128x16xf32, #tpu.memory_space<vmem>>) target(%dma_start3A_227 : memref<10240x16xf32, #tpu.memory_space<vmem_shared>>) offsets(%dma_start3A_224 : memref<128xi32, #tpu.memory_space<vmem>>) semaphore(%arg12 : memref<!tpu.dma_semaphore, #tpu.memory_space<semaphore_mem>>) {add = true}
      %mul3A_228 = arith.constant 4 : i32
      %mul3A_229 = arith.muli %mul3A_127, %mul3A_228 : i32
      %add3A_230 = arith.constant 2 : i32
      %add3A_231 = arith.addi %mul3A_229, %add3A_230 : i32
      %dma_start3A_232 = arith.constant 0 : i32
      %dma_start3A_233 = arith.constant 2 : i32
      %dma_start3A_234 = arith.constant 0 : i32
      %dma_start3A_235 = arith.constant 0 : i32
      %dma_start3A_236 = tpu.memref_slice %arg8[%dma_start3A_232, %dma_start3A_233, %dma_start3A_234, %dma_start3A_235] : memref<2x4x128x16xf32, #tpu.memory_space<vmem>> -> memref<1x1x128x16xf32, #tpu.memory_space<vmem>>
      %dma_start3A_237 = tpu.memref_squeeze %dma_start3A_236 : memref<1x1x128x16xf32, #tpu.memory_space<vmem>> -> memref<128x16xf32, #tpu.memory_space<vmem>>
      %dma_start3A_238 = arith.constant 0 : i32
      %dma_start3A_239 = tpu.memref_slice %arg7[%add3A_231, %dma_start3A_238] : memref<80x128xi32, #tpu.memory_space<vmem>> -> memref<1x128xi32, #tpu.memory_space<vmem>>
      %dma_start3A_240 = tpu.memref_squeeze %dma_start3A_239 : memref<1x128xi32, #tpu.memory_space<vmem>> -> memref<128xi32, #tpu.memory_space<vmem>>
      %dma_start3A_241 = arith.constant 0 : i32
      %dma_start3A_242 = arith.constant 0 : i32
      %dma_start3A_243 = tpu.memref_slice %arg10[%dma_start3A_241, %dma_start3A_242] : memref<10240x16xf32, #tpu.memory_space<vmem_shared>> -> memref<10240x16xf32, #tpu.memory_space<vmem_shared>>
      tpu.enqueue_indirect_dma source(%dma_start3A_237 : memref<128x16xf32, #tpu.memory_space<vmem>>) target(%dma_start3A_243 : memref<10240x16xf32, #tpu.memory_space<vmem_shared>>) offsets(%dma_start3A_240 : memref<128xi32, #tpu.memory_space<vmem>>) semaphore(%arg12 : memref<!tpu.dma_semaphore, #tpu.memory_space<semaphore_mem>>) {add = true}
      %mul3A_244 = arith.constant 4 : i32
      %mul3A_245 = arith.muli %mul3A_127, %mul3A_244 : i32
      %add3A_246 = arith.constant 3 : i32
      %add3A_247 = arith.addi %mul3A_245, %add3A_246 : i32
      %dma_start3A_248 = arith.constant 0 : i32
      %dma_start3A_249 = arith.constant 3 : i32
      %dma_start3A_250 = arith.constant 0 : i32
      %dma_start3A_251 = arith.constant 0 : i32
      %dma_start3A_252 = tpu.memref_slice %arg8[%dma_start3A_248, %dma_start3A_249, %dma_start3A_250, %dma_start3A_251] : memref<2x4x128x16xf32, #tpu.memory_space<vmem>> -> memref<1x1x128x16xf32, #tpu.memory_space<vmem>>
      %dma_start3A_253 = tpu.memref_squeeze %dma_start3A_252 : memref<1x1x128x16xf32, #tpu.memory_space<vmem>> -> memref<128x16xf32, #tpu.memory_space<vmem>>
      %dma_start3A_254 = arith.constant 0 : i32
      %dma_start3A_255 = tpu.memref_slice %arg7[%add3A_247, %dma_start3A_254] : memref<80x128xi32, #tpu.memory_space<vmem>> -> memref<1x128xi32, #tpu.memory_space<vmem>>
      %dma_start3A_256 = tpu.memref_squeeze %dma_start3A_255 : memref<1x128xi32, #tpu.memory_space<vmem>> -> memref<128xi32, #tpu.memory_space<vmem>>
      %dma_start3A_257 = arith.constant 0 : i32
      %dma_start3A_258 = arith.constant 0 : i32
      %dma_start3A_259 = tpu.memref_slice %arg10[%dma_start3A_257, %dma_start3A_258] : memref<10240x16xf32, #tpu.memory_space<vmem_shared>> -> memref<10240x16xf32, #tpu.memory_space<vmem_shared>>
      tpu.enqueue_indirect_dma source(%dma_start3A_253 : memref<128x16xf32, #tpu.memory_space<vmem>>) target(%dma_start3A_259 : memref<10240x16xf32, #tpu.memory_space<vmem_shared>>) offsets(%dma_start3A_256 : memref<128xi32, #tpu.memory_space<vmem>>) semaphore(%arg12 : memref<!tpu.dma_semaphore, #tpu.memory_space<semaphore_mem>>) {add = true}
      %ge3A = arith.constant 1 : i32
      %ge3A_260 = arith.cmpi sge, %scan3A_125, %ge3A : i32
      %convert_element_type3A = arith.extui %ge3A_260 : i1 to i32
      %cond3A = arith.constant 0 : i32
      %cond3A_261 = arith.cmpi ne, %convert_element_type3A, %cond3A : i32
      scf.if %cond3A_261 {
        %sub3A = arith.constant 2 : i32
        %sub3A_524 = arith.subi %add3A_131, %sub3A : i32
        %mul3A_525 = arith.constant 4 : i32
        %mul3A_526 = arith.muli %sub3A_524, %mul3A_525 : i32
        %add3A_527 = arith.constant 0 : i32
        %add3A_528 = arith.addi %mul3A_526, %add3A_527 : i32
        %dma_wait3A_529 = arith.constant 1 : i32
        %dma_wait3A_530 = arith.constant 0 : i32
        %dma_wait3A_531 = arith.constant 0 : i32
        %dma_wait3A_532 = arith.constant 0 : i32
        %dma_wait3A_533 = tpu.memref_slice %arg8[%dma_wait3A_529, %dma_wait3A_530, %dma_wait3A_531, %dma_wait3A_532] : memref<2x4x128x16xf32, #tpu.memory_space<vmem>> -> memref<1x1x128x16xf32, #tpu.memory_space<vmem>>
        %dma_wait3A_534 = tpu.memref_squeeze %dma_wait3A_533 : memref<1x1x128x16xf32, #tpu.memory_space<vmem>> -> memref<128x16xf32, #tpu.memory_space<vmem>>
        %dma_wait3A_535 = arith.constant 0 : i32
        %dma_wait3A_536 = tpu.memref_slice %arg7[%add3A_528, %dma_wait3A_535] : memref<80x128xi32, #tpu.memory_space<vmem>> -> memref<1x128xi32, #tpu.memory_space<vmem>>
        %dma_wait3A_537 = tpu.memref_squeeze %dma_wait3A_536 : memref<1x128xi32, #tpu.memory_space<vmem>> -> memref<128xi32, #tpu.memory_space<vmem>>
        %dma_wait3A_538 = arith.constant 0 : i32
        %dma_wait3A_539 = arith.constant 0 : i32
        %dma_wait3A_540 = tpu.memref_slice %arg10[%dma_wait3A_538, %dma_wait3A_539] : memref<10240x16xf32, #tpu.memory_space<vmem_shared>> -> memref<10240x16xf32, #tpu.memory_space<vmem_shared>>
        tpu.wait_indirect_dma semaphore(%arg13 : memref<!tpu.dma_semaphore, #tpu.memory_space<semaphore_mem>>) src(%dma_wait3A_534 : memref<128x16xf32, #tpu.memory_space<vmem>>) dst(%dma_wait3A_540 : memref<10240x16xf32, #tpu.memory_space<vmem_shared>>)
        %mul3A_541 = arith.constant 4 : i32
        %mul3A_542 = arith.muli %sub3A_524, %mul3A_541 : i32
        %add3A_543 = arith.constant 1 : i32
        %add3A_544 = arith.addi %mul3A_542, %add3A_543 : i32
        %dma_wait3A_545 = arith.constant 1 : i32
        %dma_wait3A_546 = arith.constant 1 : i32
        %dma_wait3A_547 = arith.constant 0 : i32
        %dma_wait3A_548 = arith.constant 0 : i32
        %dma_wait3A_549 = tpu.memref_slice %arg8[%dma_wait3A_545, %dma_wait3A_546, %dma_wait3A_547, %dma_wait3A_548] : memref<2x4x128x16xf32, #tpu.memory_space<vmem>> -> memref<1x1x128x16xf32, #tpu.memory_space<vmem>>
        %dma_wait3A_550 = tpu.memref_squeeze %dma_wait3A_549 : memref<1x1x128x16xf32, #tpu.memory_space<vmem>> -> memref<128x16xf32, #tpu.memory_space<vmem>>
        %dma_wait3A_551 = arith.constant 0 : i32
        %dma_wait3A_552 = tpu.memref_slice %arg7[%add3A_544, %dma_wait3A_551] : memref<80x128xi32, #tpu.memory_space<vmem>> -> memref<1x128xi32, #tpu.memory_space<vmem>>
        %dma_wait3A_553 = tpu.memref_squeeze %dma_wait3A_552 : memref<1x128xi32, #tpu.memory_space<vmem>> -> memref<128xi32, #tpu.memory_space<vmem>>
        %dma_wait3A_554 = arith.constant 0 : i32
        %dma_wait3A_555 = arith.constant 0 : i32
        %dma_wait3A_556 = tpu.memref_slice %arg10[%dma_wait3A_554, %dma_wait3A_555] : memref<10240x16xf32, #tpu.memory_space<vmem_shared>> -> memref<10240x16xf32, #tpu.memory_space<vmem_shared>>
        tpu.wait_indirect_dma semaphore(%arg13 : memref<!tpu.dma_semaphore, #tpu.memory_space<semaphore_mem>>) src(%dma_wait3A_550 : memref<128x16xf32, #tpu.memory_space<vmem>>) dst(%dma_wait3A_556 : memref<10240x16xf32, #tpu.memory_space<vmem_shared>>)
        %mul3A_557 = arith.constant 4 : i32
        %mul3A_558 = arith.muli %sub3A_524, %mul3A_557 : i32
        %add3A_559 = arith.constant 2 : i32
        %add3A_560 = arith.addi %mul3A_558, %add3A_559 : i32
        %dma_wait3A_561 = arith.constant 1 : i32
        %dma_wait3A_562 = arith.constant 2 : i32
        %dma_wait3A_563 = arith.constant 0 : i32
        %dma_wait3A_564 = arith.constant 0 : i32
        %dma_wait3A_565 = tpu.memref_slice %arg8[%dma_wait3A_561, %dma_wait3A_562, %dma_wait3A_563, %dma_wait3A_564] : memref<2x4x128x16xf32, #tpu.memory_space<vmem>> -> memref<1x1x128x16xf32, #tpu.memory_space<vmem>>
        %dma_wait3A_566 = tpu.memref_squeeze %dma_wait3A_565 : memref<1x1x128x16xf32, #tpu.memory_space<vmem>> -> memref<128x16xf32, #tpu.memory_space<vmem>>
        %dma_wait3A_567 = arith.constant 0 : i32
        %dma_wait3A_568 = tpu.memref_slice %arg7[%add3A_560, %dma_wait3A_567] : memref<80x128xi32, #tpu.memory_space<vmem>> -> memref<1x128xi32, #tpu.memory_space<vmem>>
        %dma_wait3A_569 = tpu.memref_squeeze %dma_wait3A_568 : memref<1x128xi32, #tpu.memory_space<vmem>> -> memref<128xi32, #tpu.memory_space<vmem>>
        %dma_wait3A_570 = arith.constant 0 : i32
        %dma_wait3A_571 = arith.constant 0 : i32
        %dma_wait3A_572 = tpu.memref_slice %arg10[%dma_wait3A_570, %dma_wait3A_571] : memref<10240x16xf32, #tpu.memory_space<vmem_shared>> -> memref<10240x16xf32, #tpu.memory_space<vmem_shared>>
        tpu.wait_indirect_dma semaphore(%arg13 : memref<!tpu.dma_semaphore, #tpu.memory_space<semaphore_mem>>) src(%dma_wait3A_566 : memref<128x16xf32, #tpu.memory_space<vmem>>) dst(%dma_wait3A_572 : memref<10240x16xf32, #tpu.memory_space<vmem_shared>>)
        %mul3A_573 = arith.constant 4 : i32
        %mul3A_574 = arith.muli %sub3A_524, %mul3A_573 : i32
        %add3A_575 = arith.constant 3 : i32
        %add3A_576 = arith.addi %mul3A_574, %add3A_575 : i32
        %dma_wait3A_577 = arith.constant 1 : i32
        %dma_wait3A_578 = arith.constant 3 : i32
        %dma_wait3A_579 = arith.constant 0 : i32
        %dma_wait3A_580 = arith.constant 0 : i32
        %dma_wait3A_581 = tpu.memref_slice %arg8[%dma_wait3A_577, %dma_wait3A_578, %dma_wait3A_579, %dma_wait3A_580] : memref<2x4x128x16xf32, #tpu.memory_space<vmem>> -> memref<1x1x128x16xf32, #tpu.memory_space<vmem>>
        %dma_wait3A_582 = tpu.memref_squeeze %dma_wait3A_581 : memref<1x1x128x16xf32, #tpu.memory_space<vmem>> -> memref<128x16xf32, #tpu.memory_space<vmem>>
        %dma_wait3A_583 = arith.constant 0 : i32
        %dma_wait3A_584 = tpu.memref_slice %arg7[%add3A_576, %dma_wait3A_583] : memref<80x128xi32, #tpu.memory_space<vmem>> -> memref<1x128xi32, #tpu.memory_space<vmem>>
        %dma_wait3A_585 = tpu.memref_squeeze %dma_wait3A_584 : memref<1x128xi32, #tpu.memory_space<vmem>> -> memref<128xi32, #tpu.memory_space<vmem>>
        %dma_wait3A_586 = arith.constant 0 : i32
        %dma_wait3A_587 = arith.constant 0 : i32
        %dma_wait3A_588 = tpu.memref_slice %arg10[%dma_wait3A_586, %dma_wait3A_587] : memref<10240x16xf32, #tpu.memory_space<vmem_shared>> -> memref<10240x16xf32, #tpu.memory_space<vmem_shared>>
        tpu.wait_indirect_dma semaphore(%arg13 : memref<!tpu.dma_semaphore, #tpu.memory_space<semaphore_mem>>) src(%dma_wait3A_582 : memref<128x16xf32, #tpu.memory_space<vmem>>) dst(%dma_wait3A_588 : memref<10240x16xf32, #tpu.memory_space<vmem_shared>>)
      } else {
      }
      %mul3A_262 = arith.constant 4 : i32
      %mul3A_263 = arith.muli %add3A_131, %mul3A_262 : i32
      %add3A_264 = arith.constant 0 : i32
      %add3A_265 = arith.addi %mul3A_263, %add3A_264 : i32
      %dma_start3A_266 = arith.constant 1 : i32
      %dma_start3A_267 = arith.constant 0 : i32
      %dma_start3A_268 = arith.constant 0 : i32
      %dma_start3A_269 = arith.constant 0 : i32
      %dma_start3A_270 = tpu.memref_slice %arg8[%dma_start3A_266, %dma_start3A_267, %dma_start3A_268, %dma_start3A_269] : memref<2x4x128x16xf32, #tpu.memory_space<vmem>> -> memref<1x1x128x16xf32, #tpu.memory_space<vmem>>
      %dma_start3A_271 = tpu.memref_squeeze %dma_start3A_270 : memref<1x1x128x16xf32, #tpu.memory_space<vmem>> -> memref<128x16xf32, #tpu.memory_space<vmem>>
      %dma_start3A_272 = arith.constant 0 : i32
      %dma_start3A_273 = tpu.memref_slice %arg6[%add3A_265, %dma_start3A_272] : memref<80x128xi32, #tpu.memory_space<vmem>> -> memref<1x128xi32, #tpu.memory_space<vmem>>
      %dma_start3A_274 = tpu.memref_squeeze %dma_start3A_273 : memref<1x128xi32, #tpu.memory_space<vmem>> -> memref<128xi32, #tpu.memory_space<vmem>>
      %dma_start3A_275 = arith.constant 0 : i32
      %dma_start3A_276 = arith.constant 0 : i32
      %dma_start3A_277 = tpu.memref_slice %arg2[%dma_start3A_275, %dma_start3A_276] : memref<10240x16xf32, #tpu.memory_space<hbm>> -> memref<10240x16xf32, #tpu.memory_space<hbm>>
      tpu.enqueue_indirect_dma source(%dma_start3A_277 : memref<10240x16xf32, #tpu.memory_space<hbm>>) target(%dma_start3A_271 : memref<128x16xf32, #tpu.memory_space<vmem>>) offsets(%dma_start3A_274 : memref<128xi32, #tpu.memory_space<vmem>>) semaphore(%arg11 : memref<!tpu.dma_semaphore, #tpu.memory_space<semaphore_mem>>)
      %mul3A_278 = arith.constant 4 : i32
      %mul3A_279 = arith.muli %add3A_131, %mul3A_278 : i32
      %add3A_280 = arith.constant 1 : i32
      %add3A_281 = arith.addi %mul3A_279, %add3A_280 : i32
      %dma_start3A_282 = arith.constant 1 : i32
      %dma_start3A_283 = arith.constant 1 : i32
      %dma_start3A_284 = arith.constant 0 : i32
      %dma_start3A_285 = arith.constant 0 : i32
      %dma_start3A_286 = tpu.memref_slice %arg8[%dma_start3A_282, %dma_start3A_283, %dma_start3A_284, %dma_start3A_285] : memref<2x4x128x16xf32, #tpu.memory_space<vmem>> -> memref<1x1x128x16xf32, #tpu.memory_space<vmem>>
      %dma_start3A_287 = tpu.memref_squeeze %dma_start3A_286 : memref<1x1x128x16xf32, #tpu.memory_space<vmem>> -> memref<128x16xf32, #tpu.memory_space<vmem>>
      %dma_start3A_288 = arith.constant 0 : i32
      %dma_start3A_289 = tpu.memref_slice %arg6[%add3A_281, %dma_start3A_288] : memref<80x128xi32, #tpu.memory_space<vmem>> -> memref<1x128xi32, #tpu.memory_space<vmem>>
      %dma_start3A_290 = tpu.memref_squeeze %dma_start3A_289 : memref<1x128xi32, #tpu.memory_space<vmem>> -> memref<128xi32, #tpu.memory_space<vmem>>
      %dma_start3A_291 = arith.constant 0 : i32
      %dma_start3A_292 = arith.constant 0 : i32
      %dma_start3A_293 = tpu.memref_slice %arg2[%dma_start3A_291, %dma_start3A_292] : memref<10240x16xf32, #tpu.memory_space<hbm>> -> memref<10240x16xf32, #tpu.memory_space<hbm>>
      tpu.enqueue_indirect_dma source(%dma_start3A_293 : memref<10240x16xf32, #tpu.memory_space<hbm>>) target(%dma_start3A_287 : memref<128x16xf32, #tpu.memory_space<vmem>>) offsets(%dma_start3A_290 : memref<128xi32, #tpu.memory_space<vmem>>) semaphore(%arg11 : memref<!tpu.dma_semaphore, #tpu.memory_space<semaphore_mem>>)
      %mul3A_294 = arith.constant 4 : i32
      %mul3A_295 = arith.muli %add3A_131, %mul3A_294 : i32
      %add3A_296 = arith.constant 2 : i32
      %add3A_297 = arith.addi %mul3A_295, %add3A_296 : i32
      %dma_start3A_298 = arith.constant 1 : i32
      %dma_start3A_299 = arith.constant 2 : i32
      %dma_start3A_300 = arith.constant 0 : i32
      %dma_start3A_301 = arith.constant 0 : i32
      %dma_start3A_302 = tpu.memref_slice %arg8[%dma_start3A_298, %dma_start3A_299, %dma_start3A_300, %dma_start3A_301] : memref<2x4x128x16xf32, #tpu.memory_space<vmem>> -> memref<1x1x128x16xf32, #tpu.memory_space<vmem>>
      %dma_start3A_303 = tpu.memref_squeeze %dma_start3A_302 : memref<1x1x128x16xf32, #tpu.memory_space<vmem>> -> memref<128x16xf32, #tpu.memory_space<vmem>>
      %dma_start3A_304 = arith.constant 0 : i32
      %dma_start3A_305 = tpu.memref_slice %arg6[%add3A_297, %dma_start3A_304] : memref<80x128xi32, #tpu.memory_space<vmem>> -> memref<1x128xi32, #tpu.memory_space<vmem>>
      %dma_start3A_306 = tpu.memref_squeeze %dma_start3A_305 : memref<1x128xi32, #tpu.memory_space<vmem>> -> memref<128xi32, #tpu.memory_space<vmem>>
      %dma_start3A_307 = arith.constant 0 : i32
      %dma_start3A_308 = arith.constant 0 : i32
      %dma_start3A_309 = tpu.memref_slice %arg2[%dma_start3A_307, %dma_start3A_308] : memref<10240x16xf32, #tpu.memory_space<hbm>> -> memref<10240x16xf32, #tpu.memory_space<hbm>>
      tpu.enqueue_indirect_dma source(%dma_start3A_309 : memref<10240x16xf32, #tpu.memory_space<hbm>>) target(%dma_start3A_303 : memref<128x16xf32, #tpu.memory_space<vmem>>) offsets(%dma_start3A_306 : memref<128xi32, #tpu.memory_space<vmem>>) semaphore(%arg11 : memref<!tpu.dma_semaphore, #tpu.memory_space<semaphore_mem>>)
      %mul3A_310 = arith.constant 4 : i32
      %mul3A_311 = arith.muli %add3A_131, %mul3A_310 : i32
      %add3A_312 = arith.constant 3 : i32
      %add3A_313 = arith.addi %mul3A_311, %add3A_312 : i32
      %dma_start3A_314 = arith.constant 1 : i32
      %dma_start3A_315 = arith.constant 3 : i32
      %dma_start3A_316 = arith.constant 0 : i32
      %dma_start3A_317 = arith.constant 0 : i32
      %dma_start3A_318 = tpu.memref_slice %arg8[%dma_start3A_314, %dma_start3A_315, %dma_start3A_316, %dma_start3A_317] : memref<2x4x128x16xf32, #tpu.memory_space<vmem>> -> memref<1x1x128x16xf32, #tpu.memory_space<vmem>>
      %dma_start3A_319 = tpu.memref_squeeze %dma_start3A_318 : memref<1x1x128x16xf32, #tpu.memory_space<vmem>> -> memref<128x16xf32, #tpu.memory_space<vmem>>
      %dma_start3A_320 = arith.constant 0 : i32
      %dma_start3A_321 = tpu.memref_slice %arg6[%add3A_313, %dma_start3A_320] : memref<80x128xi32, #tpu.memory_space<vmem>> -> memref<1x128xi32, #tpu.memory_space<vmem>>
      %dma_start3A_322 = tpu.memref_squeeze %dma_start3A_321 : memref<1x128xi32, #tpu.memory_space<vmem>> -> memref<128xi32, #tpu.memory_space<vmem>>
      %dma_start3A_323 = arith.constant 0 : i32
      %dma_start3A_324 = arith.constant 0 : i32
      %dma_start3A_325 = tpu.memref_slice %arg2[%dma_start3A_323, %dma_start3A_324] : memref<10240x16xf32, #tpu.memory_space<hbm>> -> memref<10240x16xf32, #tpu.memory_space<hbm>>
      tpu.enqueue_indirect_dma source(%dma_start3A_325 : memref<10240x16xf32, #tpu.memory_space<hbm>>) target(%dma_start3A_319 : memref<128x16xf32, #tpu.memory_space<vmem>>) offsets(%dma_start3A_322 : memref<128xi32, #tpu.memory_space<vmem>>) semaphore(%arg11 : memref<!tpu.dma_semaphore, #tpu.memory_space<semaphore_mem>>)
      %mul3A_326 = arith.constant 4 : i32
      %mul3A_327 = arith.muli %add3A_131, %mul3A_326 : i32
      %add3A_328 = arith.constant 0 : i32
      %add3A_329 = arith.addi %mul3A_327, %add3A_328 : i32
      %dma_wait3A_330 = arith.constant 1 : i32
      %dma_wait3A_331 = arith.constant 0 : i32
      %dma_wait3A_332 = arith.constant 0 : i32
      %dma_wait3A_333 = arith.constant 0 : i32
      %dma_wait3A_334 = tpu.memref_slice %arg8[%dma_wait3A_330, %dma_wait3A_331, %dma_wait3A_332, %dma_wait3A_333] : memref<2x4x128x16xf32, #tpu.memory_space<vmem>> -> memref<1x1x128x16xf32, #tpu.memory_space<vmem>>
      %dma_wait3A_335 = tpu.memref_squeeze %dma_wait3A_334 : memref<1x1x128x16xf32, #tpu.memory_space<vmem>> -> memref<128x16xf32, #tpu.memory_space<vmem>>
      %dma_wait3A_336 = arith.constant 0 : i32
      %dma_wait3A_337 = tpu.memref_slice %arg6[%add3A_329, %dma_wait3A_336] : memref<80x128xi32, #tpu.memory_space<vmem>> -> memref<1x128xi32, #tpu.memory_space<vmem>>
      %dma_wait3A_338 = tpu.memref_squeeze %dma_wait3A_337 : memref<1x128xi32, #tpu.memory_space<vmem>> -> memref<128xi32, #tpu.memory_space<vmem>>
      %dma_wait3A_339 = arith.constant 0 : i32
      %dma_wait3A_340 = arith.constant 0 : i32
      %dma_wait3A_341 = tpu.memref_slice %arg2[%dma_wait3A_339, %dma_wait3A_340] : memref<10240x16xf32, #tpu.memory_space<hbm>> -> memref<10240x16xf32, #tpu.memory_space<hbm>>
      tpu.wait_indirect_dma semaphore(%arg11 : memref<!tpu.dma_semaphore, #tpu.memory_space<semaphore_mem>>) src(%dma_wait3A_341 : memref<10240x16xf32, #tpu.memory_space<hbm>>) dst(%dma_wait3A_335 : memref<128x16xf32, #tpu.memory_space<vmem>>)
      %mul3A_342 = arith.constant 4 : i32
      %mul3A_343 = arith.muli %add3A_131, %mul3A_342 : i32
      %add3A_344 = arith.constant 1 : i32
      %add3A_345 = arith.addi %mul3A_343, %add3A_344 : i32
      %dma_wait3A_346 = arith.constant 1 : i32
      %dma_wait3A_347 = arith.constant 1 : i32
      %dma_wait3A_348 = arith.constant 0 : i32
      %dma_wait3A_349 = arith.constant 0 : i32
      %dma_wait3A_350 = tpu.memref_slice %arg8[%dma_wait3A_346, %dma_wait3A_347, %dma_wait3A_348, %dma_wait3A_349] : memref<2x4x128x16xf32, #tpu.memory_space<vmem>> -> memref<1x1x128x16xf32, #tpu.memory_space<vmem>>
      %dma_wait3A_351 = tpu.memref_squeeze %dma_wait3A_350 : memref<1x1x128x16xf32, #tpu.memory_space<vmem>> -> memref<128x16xf32, #tpu.memory_space<vmem>>
      %dma_wait3A_352 = arith.constant 0 : i32
      %dma_wait3A_353 = tpu.memref_slice %arg6[%add3A_345, %dma_wait3A_352] : memref<80x128xi32, #tpu.memory_space<vmem>> -> memref<1x128xi32, #tpu.memory_space<vmem>>
      %dma_wait3A_354 = tpu.memref_squeeze %dma_wait3A_353 : memref<1x128xi32, #tpu.memory_space<vmem>> -> memref<128xi32, #tpu.memory_space<vmem>>
      %dma_wait3A_355 = arith.constant 0 : i32
      %dma_wait3A_356 = arith.constant 0 : i32
      %dma_wait3A_357 = tpu.memref_slice %arg2[%dma_wait3A_355, %dma_wait3A_356] : memref<10240x16xf32, #tpu.memory_space<hbm>> -> memref<10240x16xf32, #tpu.memory_space<hbm>>
      tpu.wait_indirect_dma semaphore(%arg11 : memref<!tpu.dma_semaphore, #tpu.memory_space<semaphore_mem>>) src(%dma_wait3A_357 : memref<10240x16xf32, #tpu.memory_space<hbm>>) dst(%dma_wait3A_351 : memref<128x16xf32, #tpu.memory_space<vmem>>)
      %mul3A_358 = arith.constant 4 : i32
      %mul3A_359 = arith.muli %add3A_131, %mul3A_358 : i32
      %add3A_360 = arith.constant 2 : i32
      %add3A_361 = arith.addi %mul3A_359, %add3A_360 : i32
      %dma_wait3A_362 = arith.constant 1 : i32
      %dma_wait3A_363 = arith.constant 2 : i32
      %dma_wait3A_364 = arith.constant 0 : i32
      %dma_wait3A_365 = arith.constant 0 : i32
      %dma_wait3A_366 = tpu.memref_slice %arg8[%dma_wait3A_362, %dma_wait3A_363, %dma_wait3A_364, %dma_wait3A_365] : memref<2x4x128x16xf32, #tpu.memory_space<vmem>> -> memref<1x1x128x16xf32, #tpu.memory_space<vmem>>
      %dma_wait3A_367 = tpu.memref_squeeze %dma_wait3A_366 : memref<1x1x128x16xf32, #tpu.memory_space<vmem>> -> memref<128x16xf32, #tpu.memory_space<vmem>>
      %dma_wait3A_368 = arith.constant 0 : i32
      %dma_wait3A_369 = tpu.memref_slice %arg6[%add3A_361, %dma_wait3A_368] : memref<80x128xi32, #tpu.memory_space<vmem>> -> memref<1x128xi32, #tpu.memory_space<vmem>>
      %dma_wait3A_370 = tpu.memref_squeeze %dma_wait3A_369 : memref<1x128xi32, #tpu.memory_space<vmem>> -> memref<128xi32, #tpu.memory_space<vmem>>
      %dma_wait3A_371 = arith.constant 0 : i32
      %dma_wait3A_372 = arith.constant 0 : i32
      %dma_wait3A_373 = tpu.memref_slice %arg2[%dma_wait3A_371, %dma_wait3A_372] : memref<10240x16xf32, #tpu.memory_space<hbm>> -> memref<10240x16xf32, #tpu.memory_space<hbm>>
      tpu.wait_indirect_dma semaphore(%arg11 : memref<!tpu.dma_semaphore, #tpu.memory_space<semaphore_mem>>) src(%dma_wait3A_373 : memref<10240x16xf32, #tpu.memory_space<hbm>>) dst(%dma_wait3A_367 : memref<128x16xf32, #tpu.memory_space<vmem>>)
      %mul3A_374 = arith.constant 4 : i32
      %mul3A_375 = arith.muli %add3A_131, %mul3A_374 : i32
      %add3A_376 = arith.constant 3 : i32
      %add3A_377 = arith.addi %mul3A_375, %add3A_376 : i32
      %dma_wait3A_378 = arith.constant 1 : i32
      %dma_wait3A_379 = arith.constant 3 : i32
      %dma_wait3A_380 = arith.constant 0 : i32
      %dma_wait3A_381 = arith.constant 0 : i32
      %dma_wait3A_382 = tpu.memref_slice %arg8[%dma_wait3A_378, %dma_wait3A_379, %dma_wait3A_380, %dma_wait3A_381] : memref<2x4x128x16xf32, #tpu.memory_space<vmem>> -> memref<1x1x128x16xf32, #tpu.memory_space<vmem>>
      %dma_wait3A_383 = tpu.memref_squeeze %dma_wait3A_382 : memref<1x1x128x16xf32, #tpu.memory_space<vmem>> -> memref<128x16xf32, #tpu.memory_space<vmem>>
      %dma_wait3A_384 = arith.constant 0 : i32
      %dma_wait3A_385 = tpu.memref_slice %arg6[%add3A_377, %dma_wait3A_384] : memref<80x128xi32, #tpu.memory_space<vmem>> -> memref<1x128xi32, #tpu.memory_space<vmem>>
      %dma_wait3A_386 = tpu.memref_squeeze %dma_wait3A_385 : memref<1x128xi32, #tpu.memory_space<vmem>> -> memref<128xi32, #tpu.memory_space<vmem>>
      %dma_wait3A_387 = arith.constant 0 : i32
      %dma_wait3A_388 = arith.constant 0 : i32
      %dma_wait3A_389 = tpu.memref_slice %arg2[%dma_wait3A_387, %dma_wait3A_388] : memref<10240x16xf32, #tpu.memory_space<hbm>> -> memref<10240x16xf32, #tpu.memory_space<hbm>>
      tpu.wait_indirect_dma semaphore(%arg11 : memref<!tpu.dma_semaphore, #tpu.memory_space<semaphore_mem>>) src(%dma_wait3A_389 : memref<10240x16xf32, #tpu.memory_space<hbm>>) dst(%dma_wait3A_383 : memref<128x16xf32, #tpu.memory_space<vmem>>)
      %mul3A_390 = arith.constant 4 : i32
      %mul3A_391 = arith.muli %add3A_131, %mul3A_390 : i32
      %add3A_392 = arith.constant 0 : i32
      %add3A_393 = arith.addi %mul3A_391, %add3A_392 : i32
      %dma_start3A_394 = arith.constant 1 : i32
      %dma_start3A_395 = arith.constant 0 : i32
      %dma_start3A_396 = arith.constant 0 : i32
      %dma_start3A_397 = arith.constant 0 : i32
      %dma_start3A_398 = tpu.memref_slice %arg8[%dma_start3A_394, %dma_start3A_395, %dma_start3A_396, %dma_start3A_397] : memref<2x4x128x16xf32, #tpu.memory_space<vmem>> -> memref<1x1x128x16xf32, #tpu.memory_space<vmem>>
      %dma_start3A_399 = tpu.memref_squeeze %dma_start3A_398 : memref<1x1x128x16xf32, #tpu.memory_space<vmem>> -> memref<128x16xf32, #tpu.memory_space<vmem>>
      %dma_start3A_400 = arith.constant 0 : i32
      %dma_start3A_401 = tpu.memref_slice %arg7[%add3A_393, %dma_start3A_400] : memref<80x128xi32, #tpu.memory_space<vmem>> -> memref<1x128xi32, #tpu.memory_space<vmem>>
      %dma_start3A_402 = tpu.memref_squeeze %dma_start3A_401 : memref<1x128xi32, #tpu.memory_space<vmem>> -> memref<128xi32, #tpu.memory_space<vmem>>
      %dma_start3A_403 = arith.constant 0 : i32
      %dma_start3A_404 = arith.constant 0 : i32
      %dma_start3A_405 = tpu.memref_slice %arg10[%dma_start3A_403, %dma_start3A_404] : memref<10240x16xf32, #tpu.memory_space<vmem_shared>> -> memref<10240x16xf32, #tpu.memory_space<vmem_shared>>
      tpu.enqueue_indirect_dma source(%dma_start3A_399 : memref<128x16xf32, #tpu.memory_space<vmem>>) target(%dma_start3A_405 : memref<10240x16xf32, #tpu.memory_space<vmem_shared>>) offsets(%dma_start3A_402 : memref<128xi32, #tpu.memory_space<vmem>>) semaphore(%arg13 : memref<!tpu.dma_semaphore, #tpu.memory_space<semaphore_mem>>) {add = true}
      %mul3A_406 = arith.constant 4 : i32
      %mul3A_407 = arith.muli %add3A_131, %mul3A_406 : i32
      %add3A_408 = arith.constant 1 : i32
      %add3A_409 = arith.addi %mul3A_407, %add3A_408 : i32
      %dma_start3A_410 = arith.constant 1 : i32
      %dma_start3A_411 = arith.constant 1 : i32
      %dma_start3A_412 = arith.constant 0 : i32
      %dma_start3A_413 = arith.constant 0 : i32
      %dma_start3A_414 = tpu.memref_slice %arg8[%dma_start3A_410, %dma_start3A_411, %dma_start3A_412, %dma_start3A_413] : memref<2x4x128x16xf32, #tpu.memory_space<vmem>> -> memref<1x1x128x16xf32, #tpu.memory_space<vmem>>
      %dma_start3A_415 = tpu.memref_squeeze %dma_start3A_414 : memref<1x1x128x16xf32, #tpu.memory_space<vmem>> -> memref<128x16xf32, #tpu.memory_space<vmem>>
      %dma_start3A_416 = arith.constant 0 : i32
      %dma_start3A_417 = tpu.memref_slice %arg7[%add3A_409, %dma_start3A_416] : memref<80x128xi32, #tpu.memory_space<vmem>> -> memref<1x128xi32, #tpu.memory_space<vmem>>
      %dma_start3A_418 = tpu.memref_squeeze %dma_start3A_417 : memref<1x128xi32, #tpu.memory_space<vmem>> -> memref<128xi32, #tpu.memory_space<vmem>>
      %dma_start3A_419 = arith.constant 0 : i32
      %dma_start3A_420 = arith.constant 0 : i32
      %dma_start3A_421 = tpu.memref_slice %arg10[%dma_start3A_419, %dma_start3A_420] : memref<10240x16xf32, #tpu.memory_space<vmem_shared>> -> memref<10240x16xf32, #tpu.memory_space<vmem_shared>>
      tpu.enqueue_indirect_dma source(%dma_start3A_415 : memref<128x16xf32, #tpu.memory_space<vmem>>) target(%dma_start3A_421 : memref<10240x16xf32, #tpu.memory_space<vmem_shared>>) offsets(%dma_start3A_418 : memref<128xi32, #tpu.memory_space<vmem>>) semaphore(%arg13 : memref<!tpu.dma_semaphore, #tpu.memory_space<semaphore_mem>>) {add = true}
      %mul3A_422 = arith.constant 4 : i32
      %mul3A_423 = arith.muli %add3A_131, %mul3A_422 : i32
      %add3A_424 = arith.constant 2 : i32
      %add3A_425 = arith.addi %mul3A_423, %add3A_424 : i32
      %dma_start3A_426 = arith.constant 1 : i32
      %dma_start3A_427 = arith.constant 2 : i32
      %dma_start3A_428 = arith.constant 0 : i32
      %dma_start3A_429 = arith.constant 0 : i32
      %dma_start3A_430 = tpu.memref_slice %arg8[%dma_start3A_426, %dma_start3A_427, %dma_start3A_428, %dma_start3A_429] : memref<2x4x128x16xf32, #tpu.memory_space<vmem>> -> memref<1x1x128x16xf32, #tpu.memory_space<vmem>>
      %dma_start3A_431 = tpu.memref_squeeze %dma_start3A_430 : memref<1x1x128x16xf32, #tpu.memory_space<vmem>> -> memref<128x16xf32, #tpu.memory_space<vmem>>
      %dma_start3A_432 = arith.constant 0 : i32
      %dma_start3A_433 = tpu.memref_slice %arg7[%add3A_425, %dma_start3A_432] : memref<80x128xi32, #tpu.memory_space<vmem>> -> memref<1x128xi32, #tpu.memory_space<vmem>>
      %dma_start3A_434 = tpu.memref_squeeze %dma_start3A_433 : memref<1x128xi32, #tpu.memory_space<vmem>> -> memref<128xi32, #tpu.memory_space<vmem>>
      %dma_start3A_435 = arith.constant 0 : i32
      %dma_start3A_436 = arith.constant 0 : i32
      %dma_start3A_437 = tpu.memref_slice %arg10[%dma_start3A_435, %dma_start3A_436] : memref<10240x16xf32, #tpu.memory_space<vmem_shared>> -> memref<10240x16xf32, #tpu.memory_space<vmem_shared>>
      tpu.enqueue_indirect_dma source(%dma_start3A_431 : memref<128x16xf32, #tpu.memory_space<vmem>>) target(%dma_start3A_437 : memref<10240x16xf32, #tpu.memory_space<vmem_shared>>) offsets(%dma_start3A_434 : memref<128xi32, #tpu.memory_space<vmem>>) semaphore(%arg13 : memref<!tpu.dma_semaphore, #tpu.memory_space<semaphore_mem>>) {add = true}
      %mul3A_438 = arith.constant 4 : i32
      %mul3A_439 = arith.muli %add3A_131, %mul3A_438 : i32
      %add3A_440 = arith.constant 3 : i32
      %add3A_441 = arith.addi %mul3A_439, %add3A_440 : i32
      %dma_start3A_442 = arith.constant 1 : i32
      %dma_start3A_443 = arith.constant 3 : i32
      %dma_start3A_444 = arith.constant 0 : i32
      %dma_start3A_445 = arith.constant 0 : i32
      %dma_start3A_446 = tpu.memref_slice %arg8[%dma_start3A_442, %dma_start3A_443, %dma_start3A_444, %dma_start3A_445] : memref<2x4x128x16xf32, #tpu.memory_space<vmem>> -> memref<1x1x128x16xf32, #tpu.memory_space<vmem>>
      %dma_start3A_447 = tpu.memref_squeeze %dma_start3A_446 : memref<1x1x128x16xf32, #tpu.memory_space<vmem>> -> memref<128x16xf32, #tpu.memory_space<vmem>>
      %dma_start3A_448 = arith.constant 0 : i32
      %dma_start3A_449 = tpu.memref_slice %arg7[%add3A_441, %dma_start3A_448] : memref<80x128xi32, #tpu.memory_space<vmem>> -> memref<1x128xi32, #tpu.memory_space<vmem>>
      %dma_start3A_450 = tpu.memref_squeeze %dma_start3A_449 : memref<1x128xi32, #tpu.memory_space<vmem>> -> memref<128xi32, #tpu.memory_space<vmem>>
      %dma_start3A_451 = arith.constant 0 : i32
      %dma_start3A_452 = arith.constant 0 : i32
      %dma_start3A_453 = tpu.memref_slice %arg10[%dma_start3A_451, %dma_start3A_452] : memref<10240x16xf32, #tpu.memory_space<vmem_shared>> -> memref<10240x16xf32, #tpu.memory_space<vmem_shared>>
      tpu.enqueue_indirect_dma source(%dma_start3A_447 : memref<128x16xf32, #tpu.memory_space<vmem>>) target(%dma_start3A_453 : memref<10240x16xf32, #tpu.memory_space<vmem_shared>>) offsets(%dma_start3A_450 : memref<128xi32, #tpu.memory_space<vmem>>) semaphore(%arg13 : memref<!tpu.dma_semaphore, #tpu.memory_space<semaphore_mem>>) {add = true}
      %mul3A_454 = arith.constant 4 : i32
      %mul3A_455 = arith.muli %mul3A_127, %mul3A_454 : i32
      %add3A_456 = arith.constant 0 : i32
      %add3A_457 = arith.addi %mul3A_455, %add3A_456 : i32
      %dma_wait3A_458 = arith.constant 0 : i32
      %dma_wait3A_459 = arith.constant 0 : i32
      %dma_wait3A_460 = arith.constant 0 : i32
      %dma_wait3A_461 = arith.constant 0 : i32
      %dma_wait3A_462 = tpu.memref_slice %arg8[%dma_wait3A_458, %dma_wait3A_459, %dma_wait3A_460, %dma_wait3A_461] : memref<2x4x128x16xf32, #tpu.memory_space<vmem>> -> memref<1x1x128x16xf32, #tpu.memory_space<vmem>>
      %dma_wait3A_463 = tpu.memref_squeeze %dma_wait3A_462 : memref<1x1x128x16xf32, #tpu.memory_space<vmem>> -> memref<128x16xf32, #tpu.memory_space<vmem>>
      %dma_wait3A_464 = arith.constant 0 : i32
      %dma_wait3A_465 = tpu.memref_slice %arg7[%add3A_457, %dma_wait3A_464] : memref<80x128xi32, #tpu.memory_space<vmem>> -> memref<1x128xi32, #tpu.memory_space<vmem>>
      %dma_wait3A_466 = tpu.memref_squeeze %dma_wait3A_465 : memref<1x128xi32, #tpu.memory_space<vmem>> -> memref<128xi32, #tpu.memory_space<vmem>>
      %dma_wait3A_467 = arith.constant 0 : i32
      %dma_wait3A_468 = arith.constant 0 : i32
      %dma_wait3A_469 = tpu.memref_slice %arg10[%dma_wait3A_467, %dma_wait3A_468] : memref<10240x16xf32, #tpu.memory_space<vmem_shared>> -> memref<10240x16xf32, #tpu.memory_space<vmem_shared>>
      tpu.wait_indirect_dma semaphore(%arg12 : memref<!tpu.dma_semaphore, #tpu.memory_space<semaphore_mem>>) src(%dma_wait3A_463 : memref<128x16xf32, #tpu.memory_space<vmem>>) dst(%dma_wait3A_469 : memref<10240x16xf32, #tpu.memory_space<vmem_shared>>)
      %mul3A_470 = arith.constant 4 : i32
      %mul3A_471 = arith.muli %mul3A_127, %mul3A_470 : i32
      %add3A_472 = arith.constant 1 : i32
      %add3A_473 = arith.addi %mul3A_471, %add3A_472 : i32
      %dma_wait3A_474 = arith.constant 0 : i32
      %dma_wait3A_475 = arith.constant 1 : i32
      %dma_wait3A_476 = arith.constant 0 : i32
      %dma_wait3A_477 = arith.constant 0 : i32
      %dma_wait3A_478 = tpu.memref_slice %arg8[%dma_wait3A_474, %dma_wait3A_475, %dma_wait3A_476, %dma_wait3A_477] : memref<2x4x128x16xf32, #tpu.memory_space<vmem>> -> memref<1x1x128x16xf32, #tpu.memory_space<vmem>>
      %dma_wait3A_479 = tpu.memref_squeeze %dma_wait3A_478 : memref<1x1x128x16xf32, #tpu.memory_space<vmem>> -> memref<128x16xf32, #tpu.memory_space<vmem>>
      %dma_wait3A_480 = arith.constant 0 : i32
      %dma_wait3A_481 = tpu.memref_slice %arg7[%add3A_473, %dma_wait3A_480] : memref<80x128xi32, #tpu.memory_space<vmem>> -> memref<1x128xi32, #tpu.memory_space<vmem>>
      %dma_wait3A_482 = tpu.memref_squeeze %dma_wait3A_481 : memref<1x128xi32, #tpu.memory_space<vmem>> -> memref<128xi32, #tpu.memory_space<vmem>>
      %dma_wait3A_483 = arith.constant 0 : i32
      %dma_wait3A_484 = arith.constant 0 : i32
      %dma_wait3A_485 = tpu.memref_slice %arg10[%dma_wait3A_483, %dma_wait3A_484] : memref<10240x16xf32, #tpu.memory_space<vmem_shared>> -> memref<10240x16xf32, #tpu.memory_space<vmem_shared>>
      tpu.wait_indirect_dma semaphore(%arg12 : memref<!tpu.dma_semaphore, #tpu.memory_space<semaphore_mem>>) src(%dma_wait3A_479 : memref<128x16xf32, #tpu.memory_space<vmem>>) dst(%dma_wait3A_485 : memref<10240x16xf32, #tpu.memory_space<vmem_shared>>)
      %mul3A_486 = arith.constant 4 : i32
      %mul3A_487 = arith.muli %mul3A_127, %mul3A_486 : i32
      %add3A_488 = arith.constant 2 : i32
      %add3A_489 = arith.addi %mul3A_487, %add3A_488 : i32
      %dma_wait3A_490 = arith.constant 0 : i32
      %dma_wait3A_491 = arith.constant 2 : i32
      %dma_wait3A_492 = arith.constant 0 : i32
      %dma_wait3A_493 = arith.constant 0 : i32
      %dma_wait3A_494 = tpu.memref_slice %arg8[%dma_wait3A_490, %dma_wait3A_491, %dma_wait3A_492, %dma_wait3A_493] : memref<2x4x128x16xf32, #tpu.memory_space<vmem>> -> memref<1x1x128x16xf32, #tpu.memory_space<vmem>>
      %dma_wait3A_495 = tpu.memref_squeeze %dma_wait3A_494 : memref<1x1x128x16xf32, #tpu.memory_space<vmem>> -> memref<128x16xf32, #tpu.memory_space<vmem>>
      %dma_wait3A_496 = arith.constant 0 : i32
      %dma_wait3A_497 = tpu.memref_slice %arg7[%add3A_489, %dma_wait3A_496] : memref<80x128xi32, #tpu.memory_space<vmem>> -> memref<1x128xi32, #tpu.memory_space<vmem>>
      %dma_wait3A_498 = tpu.memref_squeeze %dma_wait3A_497 : memref<1x128xi32, #tpu.memory_space<vmem>> -> memref<128xi32, #tpu.memory_space<vmem>>
      %dma_wait3A_499 = arith.constant 0 : i32
      %dma_wait3A_500 = arith.constant 0 : i32
      %dma_wait3A_501 = tpu.memref_slice %arg10[%dma_wait3A_499, %dma_wait3A_500] : memref<10240x16xf32, #tpu.memory_space<vmem_shared>> -> memref<10240x16xf32, #tpu.memory_space<vmem_shared>>
      tpu.wait_indirect_dma semaphore(%arg12 : memref<!tpu.dma_semaphore, #tpu.memory_space<semaphore_mem>>) src(%dma_wait3A_495 : memref<128x16xf32, #tpu.memory_space<vmem>>) dst(%dma_wait3A_501 : memref<10240x16xf32, #tpu.memory_space<vmem_shared>>)
      %mul3A_502 = arith.constant 4 : i32
      %mul3A_503 = arith.muli %mul3A_127, %mul3A_502 : i32
      %add3A_504 = arith.constant 3 : i32
      %add3A_505 = arith.addi %mul3A_503, %add3A_504 : i32
      %dma_wait3A_506 = arith.constant 0 : i32
      %dma_wait3A_507 = arith.constant 3 : i32
      %dma_wait3A_508 = arith.constant 0 : i32
      %dma_wait3A_509 = arith.constant 0 : i32
      %dma_wait3A_510 = tpu.memref_slice %arg8[%dma_wait3A_506, %dma_wait3A_507, %dma_wait3A_508, %dma_wait3A_509] : memref<2x4x128x16xf32, #tpu.memory_space<vmem>> -> memref<1x1x128x16xf32, #tpu.memory_space<vmem>>
      %dma_wait3A_511 = tpu.memref_squeeze %dma_wait3A_510 : memref<1x1x128x16xf32, #tpu.memory_space<vmem>> -> memref<128x16xf32, #tpu.memory_space<vmem>>
      %dma_wait3A_512 = arith.constant 0 : i32
      %dma_wait3A_513 = tpu.memref_slice %arg7[%add3A_505, %dma_wait3A_512] : memref<80x128xi32, #tpu.memory_space<vmem>> -> memref<1x128xi32, #tpu.memory_space<vmem>>
      %dma_wait3A_514 = tpu.memref_squeeze %dma_wait3A_513 : memref<1x128xi32, #tpu.memory_space<vmem>> -> memref<128xi32, #tpu.memory_space<vmem>>
      %dma_wait3A_515 = arith.constant 0 : i32
      %dma_wait3A_516 = arith.constant 0 : i32
      %dma_wait3A_517 = tpu.memref_slice %arg10[%dma_wait3A_515, %dma_wait3A_516] : memref<10240x16xf32, #tpu.memory_space<vmem_shared>> -> memref<10240x16xf32, #tpu.memory_space<vmem_shared>>
      tpu.wait_indirect_dma semaphore(%arg12 : memref<!tpu.dma_semaphore, #tpu.memory_space<semaphore_mem>>) src(%dma_wait3A_511 : memref<128x16xf32, #tpu.memory_space<vmem>>) dst(%dma_wait3A_517 : memref<10240x16xf32, #tpu.memory_space<vmem_shared>>)
      %add3A_518 = arith.constant 1 : i32
      %add3A_519 = arith.addi %scan3A_125, %add3A_518 : i32
      %lt3A = arith.constant 10 : i32
      %lt3A_520 = arith.cmpi slt, %add3A_519, %lt3A : i32
      %convert_element_type3A_521 = arith.extui %lt3A_520 : i1 to i32
      %cond3A_522 = arith.constant 0 : i32
      %cond3A_523 = arith.cmpi ne, %convert_element_type3A_521, %cond3A_522 : i32
      scf.if %cond3A_523 {
        %add3A_524 = arith.constant 2 : i32
        %add3A_525 = arith.addi %mul3A_127, %add3A_524 : i32
        %mul3A_526 = arith.constant 4 : i32
        %mul3A_527 = arith.muli %add3A_525, %mul3A_526 : i32
        %add3A_528 = arith.constant 0 : i32
        %add3A_529 = arith.addi %mul3A_527, %add3A_528 : i32
        %dma_start3A_530 = arith.constant 0 : i32
        %dma_start3A_531 = arith.constant 0 : i32
        %dma_start3A_532 = arith.constant 0 : i32
        %dma_start3A_533 = arith.constant 0 : i32
        %dma_start3A_534 = tpu.memref_slice %arg8[%dma_start3A_530, %dma_start3A_531, %dma_start3A_532, %dma_start3A_533] : memref<2x4x128x16xf32, #tpu.memory_space<vmem>> -> memref<1x1x128x16xf32, #tpu.memory_space<vmem>>
        %dma_start3A_535 = tpu.memref_squeeze %dma_start3A_534 : memref<1x1x128x16xf32, #tpu.memory_space<vmem>> -> memref<128x16xf32, #tpu.memory_space<vmem>>
        %dma_start3A_536 = arith.constant 0 : i32
        %dma_start3A_537 = tpu.memref_slice %arg6[%add3A_529, %dma_start3A_536] : memref<80x128xi32, #tpu.memory_space<vmem>> -> memref<1x128xi32, #tpu.memory_space<vmem>>
        %dma_start3A_538 = tpu.memref_squeeze %dma_start3A_537 : memref<1x128xi32, #tpu.memory_space<vmem>> -> memref<128xi32, #tpu.memory_space<vmem>>
        %dma_start3A_539 = arith.constant 0 : i32
        %dma_start3A_540 = arith.constant 0 : i32
        %dma_start3A_541 = tpu.memref_slice %arg2[%dma_start3A_539, %dma_start3A_540] : memref<10240x16xf32, #tpu.memory_space<hbm>> -> memref<10240x16xf32, #tpu.memory_space<hbm>>
        tpu.enqueue_indirect_dma source(%dma_start3A_541 : memref<10240x16xf32, #tpu.memory_space<hbm>>) target(%dma_start3A_535 : memref<128x16xf32, #tpu.memory_space<vmem>>) offsets(%dma_start3A_538 : memref<128xi32, #tpu.memory_space<vmem>>) semaphore(%arg11 : memref<!tpu.dma_semaphore, #tpu.memory_space<semaphore_mem>>)
        %mul3A_542 = arith.constant 4 : i32
        %mul3A_543 = arith.muli %add3A_525, %mul3A_542 : i32
        %add3A_544 = arith.constant 1 : i32
        %add3A_545 = arith.addi %mul3A_543, %add3A_544 : i32
        %dma_start3A_546 = arith.constant 0 : i32
        %dma_start3A_547 = arith.constant 1 : i32
        %dma_start3A_548 = arith.constant 0 : i32
        %dma_start3A_549 = arith.constant 0 : i32
        %dma_start3A_550 = tpu.memref_slice %arg8[%dma_start3A_546, %dma_start3A_547, %dma_start3A_548, %dma_start3A_549] : memref<2x4x128x16xf32, #tpu.memory_space<vmem>> -> memref<1x1x128x16xf32, #tpu.memory_space<vmem>>
        %dma_start3A_551 = tpu.memref_squeeze %dma_start3A_550 : memref<1x1x128x16xf32, #tpu.memory_space<vmem>> -> memref<128x16xf32, #tpu.memory_space<vmem>>
        %dma_start3A_552 = arith.constant 0 : i32
        %dma_start3A_553 = tpu.memref_slice %arg6[%add3A_545, %dma_start3A_552] : memref<80x128xi32, #tpu.memory_space<vmem>> -> memref<1x128xi32, #tpu.memory_space<vmem>>
        %dma_start3A_554 = tpu.memref_squeeze %dma_start3A_553 : memref<1x128xi32, #tpu.memory_space<vmem>> -> memref<128xi32, #tpu.memory_space<vmem>>
        %dma_start3A_555 = arith.constant 0 : i32
        %dma_start3A_556 = arith.constant 0 : i32
        %dma_start3A_557 = tpu.memref_slice %arg2[%dma_start3A_555, %dma_start3A_556] : memref<10240x16xf32, #tpu.memory_space<hbm>> -> memref<10240x16xf32, #tpu.memory_space<hbm>>
        tpu.enqueue_indirect_dma source(%dma_start3A_557 : memref<10240x16xf32, #tpu.memory_space<hbm>>) target(%dma_start3A_551 : memref<128x16xf32, #tpu.memory_space<vmem>>) offsets(%dma_start3A_554 : memref<128xi32, #tpu.memory_space<vmem>>) semaphore(%arg11 : memref<!tpu.dma_semaphore, #tpu.memory_space<semaphore_mem>>)
        %mul3A_558 = arith.constant 4 : i32
        %mul3A_559 = arith.muli %add3A_525, %mul3A_558 : i32
        %add3A_560 = arith.constant 2 : i32
        %add3A_561 = arith.addi %mul3A_559, %add3A_560 : i32
        %dma_start3A_562 = arith.constant 0 : i32
        %dma_start3A_563 = arith.constant 2 : i32
        %dma_start3A_564 = arith.constant 0 : i32
        %dma_start3A_565 = arith.constant 0 : i32
        %dma_start3A_566 = tpu.memref_slice %arg8[%dma_start3A_562, %dma_start3A_563, %dma_start3A_564, %dma_start3A_565] : memref<2x4x128x16xf32, #tpu.memory_space<vmem>> -> memref<1x1x128x16xf32, #tpu.memory_space<vmem>>
        %dma_start3A_567 = tpu.memref_squeeze %dma_start3A_566 : memref<1x1x128x16xf32, #tpu.memory_space<vmem>> -> memref<128x16xf32, #tpu.memory_space<vmem>>
        %dma_start3A_568 = arith.constant 0 : i32
        %dma_start3A_569 = tpu.memref_slice %arg6[%add3A_561, %dma_start3A_568] : memref<80x128xi32, #tpu.memory_space<vmem>> -> memref<1x128xi32, #tpu.memory_space<vmem>>
        %dma_start3A_570 = tpu.memref_squeeze %dma_start3A_569 : memref<1x128xi32, #tpu.memory_space<vmem>> -> memref<128xi32, #tpu.memory_space<vmem>>
        %dma_start3A_571 = arith.constant 0 : i32
        %dma_start3A_572 = arith.constant 0 : i32
        %dma_start3A_573 = tpu.memref_slice %arg2[%dma_start3A_571, %dma_start3A_572] : memref<10240x16xf32, #tpu.memory_space<hbm>> -> memref<10240x16xf32, #tpu.memory_space<hbm>>
        tpu.enqueue_indirect_dma source(%dma_start3A_573 : memref<10240x16xf32, #tpu.memory_space<hbm>>) target(%dma_start3A_567 : memref<128x16xf32, #tpu.memory_space<vmem>>) offsets(%dma_start3A_570 : memref<128xi32, #tpu.memory_space<vmem>>) semaphore(%arg11 : memref<!tpu.dma_semaphore, #tpu.memory_space<semaphore_mem>>)
        %mul3A_574 = arith.constant 4 : i32
        %mul3A_575 = arith.muli %add3A_525, %mul3A_574 : i32
        %add3A_576 = arith.constant 3 : i32
        %add3A_577 = arith.addi %mul3A_575, %add3A_576 : i32
        %dma_start3A_578 = arith.constant 0 : i32
        %dma_start3A_579 = arith.constant 3 : i32
        %dma_start3A_580 = arith.constant 0 : i32
        %dma_start3A_581 = arith.constant 0 : i32
        %dma_start3A_582 = tpu.memref_slice %arg8[%dma_start3A_578, %dma_start3A_579, %dma_start3A_580, %dma_start3A_581] : memref<2x4x128x16xf32, #tpu.memory_space<vmem>> -> memref<1x1x128x16xf32, #tpu.memory_space<vmem>>
        %dma_start3A_583 = tpu.memref_squeeze %dma_start3A_582 : memref<1x1x128x16xf32, #tpu.memory_space<vmem>> -> memref<128x16xf32, #tpu.memory_space<vmem>>
        %dma_start3A_584 = arith.constant 0 : i32
        %dma_start3A_585 = tpu.memref_slice %arg6[%add3A_577, %dma_start3A_584] : memref<80x128xi32, #tpu.memory_space<vmem>> -> memref<1x128xi32, #tpu.memory_space<vmem>>
        %dma_start3A_586 = tpu.memref_squeeze %dma_start3A_585 : memref<1x128xi32, #tpu.memory_space<vmem>> -> memref<128xi32, #tpu.memory_space<vmem>>
        %dma_start3A_587 = arith.constant 0 : i32
        %dma_start3A_588 = arith.constant 0 : i32
        %dma_start3A_589 = tpu.memref_slice %arg2[%dma_start3A_587, %dma_start3A_588] : memref<10240x16xf32, #tpu.memory_space<hbm>> -> memref<10240x16xf32, #tpu.memory_space<hbm>>
        tpu.enqueue_indirect_dma source(%dma_start3A_589 : memref<10240x16xf32, #tpu.memory_space<hbm>>) target(%dma_start3A_583 : memref<128x16xf32, #tpu.memory_space<vmem>>) offsets(%dma_start3A_586 : memref<128xi32, #tpu.memory_space<vmem>>) semaphore(%arg11 : memref<!tpu.dma_semaphore, #tpu.memory_space<semaphore_mem>>)
      } else {
      }
    }
    %scan3A_68 = arith.constant 10 : i32
    %dma_wait3A = arith.constant 1 : i32
    %dma_wait3A_69 = arith.constant 0 : i32
    %dma_wait3A_70 = arith.constant 76 : i32
    %dma_wait3A_71 = arith.constant 0 : i32
    %dma_wait3A_72 = arith.constant 0 : i32
    %dma_wait3A_73 = tpu.memref_slice %arg8[%dma_wait3A, %dma_wait3A_69, %dma_wait3A_71, %dma_wait3A_72] : memref<2x4x128x16xf32, #tpu.memory_space<vmem>> -> memref<1x1x128x16xf32, #tpu.memory_space<vmem>>
    %dma_wait3A_74 = tpu.memref_squeeze %dma_wait3A_73 : memref<1x1x128x16xf32, #tpu.memory_space<vmem>> -> memref<128x16xf32, #tpu.memory_space<vmem>>
    %dma_wait3A_75 = arith.constant 0 : i32
    %dma_wait3A_76 = tpu.memref_slice %arg7[%dma_wait3A_70, %dma_wait3A_75] : memref<80x128xi32, #tpu.memory_space<vmem>> -> memref<1x128xi32, #tpu.memory_space<vmem>>
    %dma_wait3A_77 = tpu.memref_squeeze %dma_wait3A_76 : memref<1x128xi32, #tpu.memory_space<vmem>> -> memref<128xi32, #tpu.memory_space<vmem>>
    %dma_wait3A_78 = arith.constant 0 : i32
    %dma_wait3A_79 = arith.constant 0 : i32
    %dma_wait3A_80 = tpu.memref_slice %arg10[%dma_wait3A_78, %dma_wait3A_79] : memref<10240x16xf32, #tpu.memory_space<vmem_shared>> -> memref<10240x16xf32, #tpu.memory_space<vmem_shared>>
    tpu.wait_indirect_dma semaphore(%arg13 : memref<!tpu.dma_semaphore, #tpu.memory_space<semaphore_mem>>) src(%dma_wait3A_74 : memref<128x16xf32, #tpu.memory_space<vmem>>) dst(%dma_wait3A_80 : memref<10240x16xf32, #tpu.memory_space<vmem_shared>>)
    %dma_wait3A_81 = arith.constant 1 : i32
    %dma_wait3A_82 = arith.constant 1 : i32
    %dma_wait3A_83 = arith.constant 77 : i32
    %dma_wait3A_84 = arith.constant 0 : i32
    %dma_wait3A_85 = arith.constant 0 : i32
    %dma_wait3A_86 = tpu.memref_slice %arg8[%dma_wait3A_81, %dma_wait3A_82, %dma_wait3A_84, %dma_wait3A_85] : memref<2x4x128x16xf32, #tpu.memory_space<vmem>> -> memref<1x1x128x16xf32, #tpu.memory_space<vmem>>
    %dma_wait3A_87 = tpu.memref_squeeze %dma_wait3A_86 : memref<1x1x128x16xf32, #tpu.memory_space<vmem>> -> memref<128x16xf32, #tpu.memory_space<vmem>>
    %dma_wait3A_88 = arith.constant 0 : i32
    %dma_wait3A_89 = tpu.memref_slice %arg7[%dma_wait3A_83, %dma_wait3A_88] : memref<80x128xi32, #tpu.memory_space<vmem>> -> memref<1x128xi32, #tpu.memory_space<vmem>>
    %dma_wait3A_90 = tpu.memref_squeeze %dma_wait3A_89 : memref<1x128xi32, #tpu.memory_space<vmem>> -> memref<128xi32, #tpu.memory_space<vmem>>
    %dma_wait3A_91 = arith.constant 0 : i32
    %dma_wait3A_92 = arith.constant 0 : i32
    %dma_wait3A_93 = tpu.memref_slice %arg10[%dma_wait3A_91, %dma_wait3A_92] : memref<10240x16xf32, #tpu.memory_space<vmem_shared>> -> memref<10240x16xf32, #tpu.memory_space<vmem_shared>>
    tpu.wait_indirect_dma semaphore(%arg13 : memref<!tpu.dma_semaphore, #tpu.memory_space<semaphore_mem>>) src(%dma_wait3A_87 : memref<128x16xf32, #tpu.memory_space<vmem>>) dst(%dma_wait3A_93 : memref<10240x16xf32, #tpu.memory_space<vmem_shared>>)
    %dma_wait3A_94 = arith.constant 1 : i32
    %dma_wait3A_95 = arith.constant 2 : i32
    %dma_wait3A_96 = arith.constant 78 : i32
    %dma_wait3A_97 = arith.constant 0 : i32
    %dma_wait3A_98 = arith.constant 0 : i32
    %dma_wait3A_99 = tpu.memref_slice %arg8[%dma_wait3A_94, %dma_wait3A_95, %dma_wait3A_97, %dma_wait3A_98] : memref<2x4x128x16xf32, #tpu.memory_space<vmem>> -> memref<1x1x128x16xf32, #tpu.memory_space<vmem>>
    %dma_wait3A_100 = tpu.memref_squeeze %dma_wait3A_99 : memref<1x1x128x16xf32, #tpu.memory_space<vmem>> -> memref<128x16xf32, #tpu.memory_space<vmem>>
    %dma_wait3A_101 = arith.constant 0 : i32
    %dma_wait3A_102 = tpu.memref_slice %arg7[%dma_wait3A_96, %dma_wait3A_101] : memref<80x128xi32, #tpu.memory_space<vmem>> -> memref<1x128xi32, #tpu.memory_space<vmem>>
    %dma_wait3A_103 = tpu.memref_squeeze %dma_wait3A_102 : memref<1x128xi32, #tpu.memory_space<vmem>> -> memref<128xi32, #tpu.memory_space<vmem>>
    %dma_wait3A_104 = arith.constant 0 : i32
    %dma_wait3A_105 = arith.constant 0 : i32
    %dma_wait3A_106 = tpu.memref_slice %arg10[%dma_wait3A_104, %dma_wait3A_105] : memref<10240x16xf32, #tpu.memory_space<vmem_shared>> -> memref<10240x16xf32, #tpu.memory_space<vmem_shared>>
    tpu.wait_indirect_dma semaphore(%arg13 : memref<!tpu.dma_semaphore, #tpu.memory_space<semaphore_mem>>) src(%dma_wait3A_100 : memref<128x16xf32, #tpu.memory_space<vmem>>) dst(%dma_wait3A_106 : memref<10240x16xf32, #tpu.memory_space<vmem_shared>>)
    %dma_wait3A_107 = arith.constant 1 : i32
    %dma_wait3A_108 = arith.constant 3 : i32
    %dma_wait3A_109 = arith.constant 79 : i32
    %dma_wait3A_110 = arith.constant 0 : i32
    %dma_wait3A_111 = arith.constant 0 : i32
    %dma_wait3A_112 = tpu.memref_slice %arg8[%dma_wait3A_107, %dma_wait3A_108, %dma_wait3A_110, %dma_wait3A_111] : memref<2x4x128x16xf32, #tpu.memory_space<vmem>> -> memref<1x1x128x16xf32, #tpu.memory_space<vmem>>
    %dma_wait3A_113 = tpu.memref_squeeze %dma_wait3A_112 : memref<1x1x128x16xf32, #tpu.memory_space<vmem>> -> memref<128x16xf32, #tpu.memory_space<vmem>>
    %dma_wait3A_114 = arith.constant 0 : i32
    %dma_wait3A_115 = tpu.memref_slice %arg7[%dma_wait3A_109, %dma_wait3A_114] : memref<80x128xi32, #tpu.memory_space<vmem>> -> memref<1x128xi32, #tpu.memory_space<vmem>>
    %dma_wait3A_116 = tpu.memref_squeeze %dma_wait3A_115 : memref<1x128xi32, #tpu.memory_space<vmem>> -> memref<128xi32, #tpu.memory_space<vmem>>
    %dma_wait3A_117 = arith.constant 0 : i32
    %dma_wait3A_118 = arith.constant 0 : i32
    %dma_wait3A_119 = tpu.memref_slice %arg10[%dma_wait3A_117, %dma_wait3A_118] : memref<10240x16xf32, #tpu.memory_space<vmem_shared>> -> memref<10240x16xf32, #tpu.memory_space<vmem_shared>>
    tpu.wait_indirect_dma semaphore(%arg13 : memref<!tpu.dma_semaphore, #tpu.memory_space<semaphore_mem>>) src(%dma_wait3A_113 : memref<128x16xf32, #tpu.memory_space<vmem>>) dst(%dma_wait3A_119 : memref<10240x16xf32, #tpu.memory_space<vmem_shared>>)
    %barrier3A_120 = arith.constant 0 : index
    tpu.barrier barrier_id(%barrier3A_120)
    %mul3A_121 = arith.constant 640 : i32
    %mul3A_122 = arith.muli %arg1, %mul3A_121 : i32
    "tpu.region"() ({
      %run_scoped3A = tpu.sem_alloc : memref<!tpu.dma_semaphore, #tpu.memory_space<semaphore_mem>>
      %dma_start3A_125 = arith.constant 0 : i32
      %dma_start3A_126 = tpu.memref_slice %arg10[%mul3A_122, %dma_start3A_125] : memref<10240x16xf32, #tpu.memory_space<vmem_shared>> -> memref<640x16xf32, #tpu.memory_space<vmem_shared>>
      %dma_start3A_127 = arith.constant 0 : i32
      %dma_start3A_128 = tpu.memref_slice %arg10[%mul3A_122, %dma_start3A_127] : memref<10240x16xf32, #tpu.memory_space<vmem_shared>> -> memref<640x16xf32, #tpu.memory_space<vmem_shared>>
      tpu.enqueue_dma source(%dma_start3A_128 : memref<640x16xf32, #tpu.memory_space<vmem_shared>>) target(%arg9 : memref<640x16xf32, #tpu.memory_space<vmem>>) target_semaphore(%run_scoped3A : memref<!tpu.dma_semaphore, #tpu.memory_space<semaphore_mem>>)
      %dma_wait3A_129 = arith.constant 0 : i32
      %dma_wait3A_130 = tpu.memref_slice %arg10[%mul3A_122, %dma_wait3A_129] : memref<10240x16xf32, #tpu.memory_space<vmem_shared>> -> memref<640x16xf32, #tpu.memory_space<vmem_shared>>
      %dma_wait3A_131 = arith.constant 0 : i32
      %dma_wait3A_132 = tpu.memref_slice %arg10[%mul3A_122, %dma_wait3A_131] : memref<10240x16xf32, #tpu.memory_space<vmem_shared>> -> memref<640x16xf32, #tpu.memory_space<vmem_shared>>
      tpu.wait_dma2 semaphore(%run_scoped3A : memref<!tpu.dma_semaphore, #tpu.memory_space<semaphore_mem>>) src(%dma_wait3A_132 : memref<640x16xf32, #tpu.memory_space<vmem_shared>>) dst(%arg9 : memref<640x16xf32, #tpu.memory_space<vmem>>)
      tpu.yield
    }) : () -> ()
    %mul3A_123 = arith.constant 640 : i32
    %mul3A_124 = arith.muli %arg1, %mul3A_123 : i32
    "tpu.region"() ({
      %run_scoped3A = tpu.sem_alloc : memref<!tpu.dma_semaphore, #tpu.memory_space<semaphore_mem>>
      %dma_start3A_125 = arith.constant 0 : i32
      %dma_start3A_126 = tpu.memref_slice %arg5[%arg0, %mul3A_124, %dma_start3A_125] : memref<2x10240x16xf32, #tpu.memory_space<hbm>> -> memref<1x640x16xf32, #tpu.memory_space<hbm>>
      %dma_start3A_127 = tpu.memref_squeeze %dma_start3A_126 : memref<1x640x16xf32, #tpu.memory_space<hbm>> -> memref<640x16xf32, #tpu.memory_space<hbm>>
      %dma_start3A_128 = arith.constant 0 : i32
      %dma_start3A_129 = tpu.memref_slice %arg5[%arg0, %mul3A_124, %dma_start3A_128] : memref<2x10240x16xf32, #tpu.memory_space<hbm>> -> memref<1x640x16xf32, #tpu.memory_space<hbm>>
      %dma_start3A_130 = tpu.memref_squeeze %dma_start3A_129 : memref<1x640x16xf32, #tpu.memory_space<hbm>> -> memref<640x16xf32, #tpu.memory_space<hbm>>
      tpu.enqueue_dma source(%arg9 : memref<640x16xf32, #tpu.memory_space<vmem>>) target(%dma_start3A_130 : memref<640x16xf32, #tpu.memory_space<hbm>>) target_semaphore(%run_scoped3A : memref<!tpu.dma_semaphore, #tpu.memory_space<semaphore_mem>>)
      %dma_wait3A_131 = arith.constant 0 : i32
      %dma_wait3A_132 = tpu.memref_slice %arg5[%arg0, %mul3A_124, %dma_wait3A_131] : memref<2x10240x16xf32, #tpu.memory_space<hbm>> -> memref<1x640x16xf32, #tpu.memory_space<hbm>>
      %dma_wait3A_133 = tpu.memref_squeeze %dma_wait3A_132 : memref<1x640x16xf32, #tpu.memory_space<hbm>> -> memref<640x16xf32, #tpu.memory_space<hbm>>
      %dma_wait3A_134 = arith.constant 0 : i32
      %dma_wait3A_135 = tpu.memref_slice %arg5[%arg0, %mul3A_124, %dma_wait3A_134] : memref<2x10240x16xf32, #tpu.memory_space<hbm>> -> memref<1x640x16xf32, #tpu.memory_space<hbm>>
      %dma_wait3A_136 = tpu.memref_squeeze %dma_wait3A_135 : memref<1x640x16xf32, #tpu.memory_space<hbm>> -> memref<640x16xf32, #tpu.memory_space<hbm>>
      tpu.wait_dma2 semaphore(%run_scoped3A : memref<!tpu.dma_semaphore, #tpu.memory_space<semaphore_mem>>) src(%arg9 : memref<640x16xf32, #tpu.memory_space<vmem>>) dst(%dma_wait3A_136 : memref<640x16xf32, #tpu.memory_space<hbm>>)
      tpu.yield
    }) : () -> ()
    return
  }
}

module attributes {stable_mosaic.version = 14 : i64} {
  func.func @body(%arg0: i32, %arg1: memref<1280x128xf32, #tpu.memory_space<vmem>>, %arg2: memref<128x16xf32, #tpu.memory_space<vmem>>, %arg3: memref<1280x16xf32, #tpu.memory_space<vmem>>) attributes {dimension_semantics = [#tpu.dimension_semantics<arbitrary>], iteration_bounds = array<i64: 8>, scalar_prefetch = 0 : i64, scratch_operands = 0 : i64, tpu.core_type = #tpu.core_type<tc>, window_params = [{transform_indices = @transform_0, window_bounds = array<i64: 1280, 128>}, {pipeline_mode = #tpu.pipeline_mode<synchronous>, transform_indices = @transform_1, window_bounds = array<i64: 128, 16>}, {transform_indices = @transform_2, window_bounds = array<i64: 1280, 16>}]} {
    %get3A = arith.constant 0 : index
    %get3A_0 = arith.constant 0 : index
    %get3A_1 = vector.load %arg1[%get3A, %get3A_0] : memref<1280x128xf32, #tpu.memory_space<vmem>>, vector<1280x128xf32>
    %get3A_2 = arith.constant 0 : index
    %get3A_3 = arith.constant 0 : index
    %get3A_4 = vector.load %arg2[%get3A_2, %get3A_3] : memref<128x16xf32, #tpu.memory_space<vmem>>, vector<128x16xf32>
    %dot_general3A = arith.constant dense<0.000000e+00> : vector<1280x16xf32>
    %dot_general3A_5 = tpu.matmul %get3A_1, %get3A_4, %dot_general3A {dimension_numbers = #tpu.dot_dimension_numbers<[1], [0], [0], [1], [0, 0, 1, 1], [], []>, transpose_lhs_hint = false} : vector<1280x128xf32>, vector<128x16xf32>, vector<1280x16xf32> -> vector<1280x16xf32>
    %swap3A = arith.constant 0 : index
    %swap3A_6 = arith.constant 0 : index
    %swap3A_7 = vector.load %arg3[%swap3A, %swap3A_6] : memref<1280x16xf32, #tpu.memory_space<vmem>>, vector<1280x16xf32>
    tpu.vector_store %arg3[%swap3A, %swap3A_6], %dot_general3A_5 {strides = array<i32>} : memref<1280x16xf32, #tpu.memory_space<vmem>>, vector<1280x16xf32>,
    return
  }
  func.func @transform_0(%arg0: i32) -> (i32, i32) {
    %c0_i32 = arith.constant 0 : i32
    %c0_i32_0 = arith.constant 0 : i32
    return %arg0, %c0_i32 : i32, i32
  }
  func.func @transform_1(%arg0: i32) -> (i32, i32) {
    %c0_i32 = arith.constant 0 : i32
    %c0_i32_0 = arith.constant 0 : i32
    %c0_i32_1 = arith.constant 0 : i32
    return %c0_i32, %c0_i32_0 : i32, i32
  }
  func.func @transform_2(%arg0: i32) -> (i32, i32) {
    %c0_i32 = arith.constant 0 : i32
    %c0_i32_0 = arith.constant 0 : i32
    return %arg0, %c0_i32 : i32, i32
  }
}

module attributes {stable_mosaic.version = 14 : i64} {
  func.func @body(%arg0: i32, %arg1: memref<2x1280x16xf32, #tpu.memory_space<vmem>>, %arg2: memref<1280x16xf32, #tpu.memory_space<vmem>>, %arg3: memref<1x16xf32, #tpu.memory_space<vmem>>, %arg4: memref<16x16xf32, #tpu.memory_space<vmem>>, %arg5: memref<1x16xf32, #tpu.memory_space<vmem>>, %arg6: memref<16x16xf32, #tpu.memory_space<vmem>>, %arg7: memref<1280x16xf32, #tpu.memory_space<vmem>>) attributes {dimension_semantics = [#tpu.dimension_semantics<arbitrary>], iteration_bounds = array<i64: 8>, scalar_prefetch = 0 : i64, scratch_operands = 0 : i64, tpu.core_type = #tpu.core_type<tc>, window_params = [{transform_indices = @transform_0, window_bounds = array<i64: 2, 1280, 16>}, {transform_indices = @transform_1, window_bounds = array<i64: 1280, 16>}, {pipeline_mode = #tpu.pipeline_mode<synchronous>, transform_indices = @transform_2, window_bounds = array<i64: 1, 16>}, {pipeline_mode = #tpu.pipeline_mode<synchronous>, transform_indices = @transform_3, window_bounds = array<i64: 16, 16>}, {pipeline_mode = #tpu.pipeline_mode<synchronous>, transform_indices = @transform_4, window_bounds = array<i64: 1, 16>}, {pipeline_mode = #tpu.pipeline_mode<synchronous>, transform_indices = @transform_5, window_bounds = array<i64: 16, 16>}, {transform_indices = @transform_6, window_bounds = array<i64: 1280, 16>}]} {
    %get3A = arith.constant 0 : index
    %get3A_0 = arith.constant 0 : index
    %get3A_1 = arith.constant 0 : index
    %get3A_2 = vector.load %arg1[%get3A, %get3A_0, %get3A_1] : memref<2x1280x16xf32, #tpu.memory_space<vmem>>, vector<1x1280x16xf32>
    %get3A_3 = vector.shape_cast %get3A_2 : vector<1x1280x16xf32> to vector<1280x16xf32>
    %get3A_4 = arith.constant 1 : index
    %get3A_5 = arith.constant 0 : index
    %get3A_6 = arith.constant 0 : index
    %get3A_7 = vector.load %arg1[%get3A_4, %get3A_5, %get3A_6] : memref<2x1280x16xf32, #tpu.memory_space<vmem>>, vector<1x1280x16xf32>
    %get3A_8 = vector.shape_cast %get3A_7 : vector<1x1280x16xf32> to vector<1280x16xf32>
    %add3A = arith.addf %get3A_3, %get3A_8 : vector<1280x16xf32>
    %get3A_9 = arith.constant 0 : index
    %get3A_10 = arith.constant 0 : index
    %get3A_11 = vector.load %arg2[%get3A_9, %get3A_10] : memref<1280x16xf32, #tpu.memory_space<vmem>>, vector<1280x16xf32>
    %add3A_12 = arith.addf %add3A, %get3A_11 : vector<1280x16xf32>
    %get3A_13 = arith.constant 0 : index
    %get3A_14 = arith.constant 0 : index
    %get3A_15 = vector.load %arg3[%get3A_13, %get3A_14] : memref<1x16xf32, #tpu.memory_space<vmem>>, vector<1x16xf32>
    %add3A_16 = vector.broadcast %get3A_15 : vector<1x16xf32> to vector<1280x16xf32>
    %add3A_17 = arith.addf %add3A_12, %add3A_16 : vector<1280x16xf32>
    %max3A = arith.constant 0.000000e+00 : f32
    %max3A_18 = vector.broadcast %max3A : f32 to vector<1280x16xf32>
    %max3A_19 = arith.maximumf %add3A_17, %max3A_18 : vector<1280x16xf32>
    %get3A_20 = arith.constant 0 : index
    %get3A_21 = arith.constant 0 : index
    %get3A_22 = vector.load %arg4[%get3A_20, %get3A_21] : memref<16x16xf32, #tpu.memory_space<vmem>>, vector<16x16xf32>
    %dot_general3A = arith.constant dense<0.000000e+00> : vector<1280x16xf32>
    %dot_general3A_23 = tpu.matmul %max3A_19, %get3A_22, %dot_general3A {dimension_numbers = #tpu.dot_dimension_numbers<[1], [0], [0], [1], [0, 0, 1, 1], [], []>, transpose_lhs_hint = false} : vector<1280x16xf32>, vector<16x16xf32>, vector<1280x16xf32> -> vector<1280x16xf32>
    %get3A_24 = arith.constant 0 : index
    %get3A_25 = arith.constant 0 : index
    %get3A_26 = vector.load %arg5[%get3A_24, %get3A_25] : memref<1x16xf32, #tpu.memory_space<vmem>>, vector<1x16xf32>
    %add3A_27 = vector.broadcast %get3A_26 : vector<1x16xf32> to vector<1280x16xf32>
    %add3A_28 = arith.addf %dot_general3A_23, %add3A_27 : vector<1280x16xf32>
    %max3A_29 = arith.constant 0.000000e+00 : f32
    %max3A_30 = vector.broadcast %max3A_29 : f32 to vector<1280x16xf32>
    %max3A_31 = arith.maximumf %add3A_28, %max3A_30 : vector<1280x16xf32>
    %get3A_32 = arith.constant 0 : index
    %get3A_33 = arith.constant 0 : index
    %get3A_34 = vector.load %arg6[%get3A_32, %get3A_33] : memref<16x16xf32, #tpu.memory_space<vmem>>, vector<16x16xf32>
    %dot_general3A_35 = arith.constant dense<0.000000e+00> : vector<1280x16xf32>
    %dot_general3A_36 = tpu.matmul %max3A_31, %get3A_34, %dot_general3A_35 {dimension_numbers = #tpu.dot_dimension_numbers<[1], [0], [0], [1], [0, 0, 1, 1], [], []>, transpose_lhs_hint = false} : vector<1280x16xf32>, vector<16x16xf32>, vector<1280x16xf32> -> vector<1280x16xf32>
    %swap3A = arith.constant 0 : index
    %swap3A_37 = arith.constant 0 : index
    %swap3A_38 = vector.load %arg7[%swap3A, %swap3A_37] : memref<1280x16xf32, #tpu.memory_space<vmem>>, vector<1280x16xf32>
    tpu.vector_store %arg7[%swap3A, %swap3A_37], %dot_general3A_36 {strides = array<i32>} : memref<1280x16xf32, #tpu.memory_space<vmem>>, vector<1280x16xf32>,
    return
  }
  func.func @transform_0(%arg0: i32) -> (i32, i32, i32) {
    %c0_i32 = arith.constant 0 : i32
    %c0_i32_0 = arith.constant 0 : i32
    %c0_i32_1 = arith.constant 0 : i32
    return %c0_i32, %arg0, %c0_i32_0 : i32, i32, i32
  }
  func.func @transform_1(%arg0: i32) -> (i32, i32) {
    %c0_i32 = arith.constant 0 : i32
    %c0_i32_0 = arith.constant 0 : i32
    return %arg0, %c0_i32 : i32, i32
  }
  func.func @transform_2(%arg0: i32) -> (i32, i32) {
    %c0_i32 = arith.constant 0 : i32
    %c0_i32_0 = arith.constant 0 : i32
    %c0_i32_1 = arith.constant 0 : i32
    return %c0_i32, %c0_i32_0 : i32, i32
  }
  func.func @transform_3(%arg0: i32) -> (i32, i32) {
    %c0_i32 = arith.constant 0 : i32
    %c0_i32_0 = arith.constant 0 : i32
    %c0_i32_1 = arith.constant 0 : i32
    return %c0_i32, %c0_i32_0 : i32, i32
  }
  func.func @transform_4(%arg0: i32) -> (i32, i32) {
    %c0_i32 = arith.constant 0 : i32
    %c0_i32_0 = arith.constant 0 : i32
    %c0_i32_1 = arith.constant 0 : i32
    return %c0_i32, %c0_i32_0 : i32, i32
  }
  func.func @transform_5(%arg0: i32) -> (i32, i32) {
    %c0_i32 = arith.constant 0 : i32
    %c0_i32_0 = arith.constant 0 : i32
    %c0_i32_1 = arith.constant 0 : i32
    return %c0_i32, %c0_i32_0 : i32, i32
  }
  func.func @transform_6(%arg0: i32) -> (i32, i32) {
    %c0_i32 = arith.constant 0 : i32
    %c0_i32_0 = arith.constant 0 : i32
    return %arg0, %c0_i32 : i32, i32
  }
}

module attributes {stable_mosaic.version = 14 : i64} {
  func.func @body(%arg0: i32, %arg1: memref<2x1280x16xf32, #tpu.memory_space<vmem>>, %arg2: memref<1280x16xf32, #tpu.memory_space<vmem>>, %arg3: memref<1x16xf32, #tpu.memory_space<vmem>>, %arg4: memref<16x16xf32, #tpu.memory_space<vmem>>, %arg5: memref<1x16xf32, #tpu.memory_space<vmem>>, %arg6: memref<1x1x1280xi32, #tpu.memory_space<vmem>>, %arg7: memref<16x1xf32, #tpu.memory_space<vmem>>, %arg8: memref<1x1xf32, #tpu.memory_space<vmem>>, %arg9: memref<64x1xf32, #tpu.memory_space<vmem>>, %arg10: memref<64x16xf32, #tpu.memory_space<vmem>>, %arg11: memref<64x16xf32, #tpu.memory_space<vmem>>) attributes {dimension_semantics = [#tpu.dimension_semantics<arbitrary>], iteration_bounds = array<i64: 8>, scalar_prefetch = 0 : i64, scratch_operands = 2 : i64, tpu.core_type = #tpu.core_type<tc>, window_params = [{transform_indices = @transform_0, window_bounds = array<i64: 2, 1280, 16>}, {transform_indices = @transform_1, window_bounds = array<i64: 1280, 16>}, {pipeline_mode = #tpu.pipeline_mode<synchronous>, transform_indices = @transform_2, window_bounds = array<i64: 1, 16>}, {pipeline_mode = #tpu.pipeline_mode<synchronous>, transform_indices = @transform_3, window_bounds = array<i64: 16, 16>}, {pipeline_mode = #tpu.pipeline_mode<synchronous>, transform_indices = @transform_4, window_bounds = array<i64: 1, 16>}, {transform_indices = @transform_5, window_bounds = array<i64: 1, 1, 1280>}, {pipeline_mode = #tpu.pipeline_mode<synchronous>, transform_indices = @transform_6, window_bounds = array<i64: 16, 1>}, {pipeline_mode = #tpu.pipeline_mode<synchronous>, transform_indices = @transform_7, window_bounds = array<i64: 1, 1>}, {pipeline_mode = #tpu.pipeline_mode<synchronous>, transform_indices = @transform_8, window_bounds = array<i64: 64, 1>}]} {
    %eq3A = arith.constant 0 : i32
    %eq3A_0 = arith.cmpi eq, %arg0, %eq3A : i32
    %convert_element_type3A = arith.extui %eq3A_0 : i1 to i32
    %cond3A = arith.constant 0 : i32
    %cond3A_1 = arith.cmpi ne, %convert_element_type3A, %cond3A : i32
    scf.if %cond3A_1 {
      %broadcast_in_dim3A_63 = arith.constant 0.000000e+00 : f32
      %broadcast_in_dim3A_64 = vector.broadcast %broadcast_in_dim3A_63 : f32 to vector<64x16xf32>
      %swap3A_65 = arith.constant 0 : index
      %swap3A_66 = arith.constant 0 : index
      %swap3A_67 = vector.load %arg10[%swap3A_65, %swap3A_66] : memref<64x16xf32, #tpu.memory_space<vmem>>, vector<64x16xf32>
      tpu.vector_store %arg10[%swap3A_65, %swap3A_66], %broadcast_in_dim3A_64 {strides = array<i32>} : memref<64x16xf32, #tpu.memory_space<vmem>>, vector<64x16xf32>,
      %broadcast_in_dim3A_68 = arith.constant 0.000000e+00 : f32
      %broadcast_in_dim3A_69 = vector.broadcast %broadcast_in_dim3A_68 : f32 to vector<64x16xf32>
      %swap3A_70 = arith.constant 0 : index
      %swap3A_71 = arith.constant 0 : index
      %swap3A_72 = vector.load %arg11[%swap3A_70, %swap3A_71] : memref<64x16xf32, #tpu.memory_space<vmem>>, vector<64x16xf32>
      tpu.vector_store %arg11[%swap3A_70, %swap3A_71], %broadcast_in_dim3A_69 {strides = array<i32>} : memref<64x16xf32, #tpu.memory_space<vmem>>, vector<64x16xf32>,
    } else {
    }
    %get3A = arith.constant 0 : index
    %get3A_2 = arith.constant 0 : index
    %get3A_3 = arith.constant 0 : index
    %get3A_4 = vector.load %arg1[%get3A, %get3A_2, %get3A_3] : memref<2x1280x16xf32, #tpu.memory_space<vmem>>, vector<1x1280x16xf32>
    %get3A_5 = vector.shape_cast %get3A_4 : vector<1x1280x16xf32> to vector<1280x16xf32>
    %get3A_6 = arith.constant 1 : index
    %get3A_7 = arith.constant 0 : index
    %get3A_8 = arith.constant 0 : index
    %get3A_9 = vector.load %arg1[%get3A_6, %get3A_7, %get3A_8] : memref<2x1280x16xf32, #tpu.memory_space<vmem>>, vector<1x1280x16xf32>
    %get3A_10 = vector.shape_cast %get3A_9 : vector<1x1280x16xf32> to vector<1280x16xf32>
    %add3A = arith.addf %get3A_5, %get3A_10 : vector<1280x16xf32>
    %get3A_11 = arith.constant 0 : index
    %get3A_12 = arith.constant 0 : index
    %get3A_13 = vector.load %arg2[%get3A_11, %get3A_12] : memref<1280x16xf32, #tpu.memory_space<vmem>>, vector<1280x16xf32>
    %add3A_14 = arith.addf %add3A, %get3A_13 : vector<1280x16xf32>
    %get3A_15 = arith.constant 0 : index
    %get3A_16 = arith.constant 0 : index
    %get3A_17 = vector.load %arg3[%get3A_15, %get3A_16] : memref<1x16xf32, #tpu.memory_space<vmem>>, vector<1x16xf32>
    %add3A_18 = vector.broadcast %get3A_17 : vector<1x16xf32> to vector<1280x16xf32>
    %add3A_19 = arith.addf %add3A_14, %add3A_18 : vector<1280x16xf32>
    %max3A = arith.constant 0.000000e+00 : f32
    %max3A_20 = vector.broadcast %max3A : f32 to vector<1280x16xf32>
    %max3A_21 = arith.maximumf %add3A_19, %max3A_20 : vector<1280x16xf32>
    %get3A_22 = arith.constant 0 : index
    %get3A_23 = arith.constant 0 : index
    %get3A_24 = vector.load %arg4[%get3A_22, %get3A_23] : memref<16x16xf32, #tpu.memory_space<vmem>>, vector<16x16xf32>
    %dot_general3A = arith.constant dense<0.000000e+00> : vector<1280x16xf32>
    %dot_general3A_25 = tpu.matmul %max3A_21, %get3A_24, %dot_general3A {dimension_numbers = #tpu.dot_dimension_numbers<[1], [0], [0], [1], [0, 0, 1, 1], [], []>, transpose_lhs_hint = false} : vector<1280x16xf32>, vector<16x16xf32>, vector<1280x16xf32> -> vector<1280x16xf32>
    %get3A_26 = arith.constant 0 : index
    %get3A_27 = arith.constant 0 : index
    %get3A_28 = vector.load %arg5[%get3A_26, %get3A_27] : memref<1x16xf32, #tpu.memory_space<vmem>>, vector<1x16xf32>
    %add3A_29 = vector.broadcast %get3A_28 : vector<1x16xf32> to vector<1280x16xf32>
    %add3A_30 = arith.addf %dot_general3A_25, %add3A_29 : vector<1280x16xf32>
    %get3A_31 = arith.constant 0 : index
    %get3A_32 = arith.constant 0 : index
    %get3A_33 = arith.constant 0 : index
    %get3A_34 = vector.load %arg6[%get3A_31, %get3A_32, %get3A_33] : memref<1x1x1280xi32, #tpu.memory_space<vmem>>, vector<1x1x1280xi32>
    %get3A_35 = vector.shape_cast %get3A_34 : vector<1x1x1280xi32> to vector<1x1280xi32>
    %iota3A = tpu.iota {dimensions = array<i32: 0>} : vector<64x1280xi32>
    %eq3A_36 = vector.broadcast %get3A_35 : vector<1x1280xi32> to vector<64x1280xi32>
    %eq3A_37 = arith.cmpi eq, %eq3A_36, %iota3A : vector<64x1280xi32>
    %convert_element_type3A_38 = arith.extui %eq3A_37 : vector<64x1280xi1> to vector<64x1280xi32>
    %convert_element_type3A_39 = arith.sitofp %convert_element_type3A_38 : vector<64x1280xi32> to vector<64x1280xf32>
    %get3A_40 = arith.constant 0 : index
    %get3A_41 = arith.constant 0 : index
    %get3A_42 = vector.load %arg10[%get3A_40, %get3A_41] : memref<64x16xf32, #tpu.memory_space<vmem>>, vector<64x16xf32>
    %dot_general3A_43 = arith.constant dense<0.000000e+00> : vector<64x16xf32>
    %dot_general3A_44 = tpu.matmul %convert_element_type3A_39, %add3A_30, %dot_general3A_43 {dimension_numbers = #tpu.dot_dimension_numbers<[1], [0], [0], [1], [0, 0, 1, 1], [], []>, transpose_lhs_hint = false} : vector<64x1280xf32>, vector<1280x16xf32>, vector<64x16xf32> -> vector<64x16xf32>
    %add3A_45 = arith.addf %get3A_42, %dot_general3A_44 : vector<64x16xf32>
    %swap3A = arith.constant 0 : index
    %swap3A_46 = arith.constant 0 : index
    %swap3A_47 = vector.load %arg10[%swap3A, %swap3A_46] : memref<64x16xf32, #tpu.memory_space<vmem>>, vector<64x16xf32>
    tpu.vector_store %arg10[%swap3A, %swap3A_46], %add3A_45 {strides = array<i32>} : memref<64x16xf32, #tpu.memory_space<vmem>>, vector<64x16xf32>,
    %get3A_48 = arith.constant 0 : index
    %get3A_49 = arith.constant 0 : index
    %get3A_50 = vector.load %arg11[%get3A_48, %get3A_49] : memref<64x16xf32, #tpu.memory_space<vmem>>, vector<64x16xf32>
    %broadcast_in_dim3A = arith.constant 1.000000e+00 : f32
    %broadcast_in_dim3A_51 = vector.broadcast %broadcast_in_dim3A : f32 to vector<1280x16xf32>
    %dot_general3A_52 = arith.constant dense<0.000000e+00> : vector<64x16xf32>
    %dot_general3A_53 = tpu.matmul %convert_element_type3A_39, %broadcast_in_dim3A_51, %dot_general3A_52 {dimension_numbers = #tpu.dot_dimension_numbers<[1], [0], [0], [1], [0, 0, 1, 1], [], []>, transpose_lhs_hint = false} : vector<64x1280xf32>, vector<1280x16xf32>, vector<64x16xf32> -> vector<64x16xf32>
    %add3A_54 = arith.addf %get3A_50, %dot_general3A_53 : vector<64x16xf32>
    %swap3A_55 = arith.constant 0 : index
    %swap3A_56 = arith.constant 0 : index
    %swap3A_57 = vector.load %arg11[%swap3A_55, %swap3A_56] : memref<64x16xf32, #tpu.memory_space<vmem>>, vector<64x16xf32>
    tpu.vector_store %arg11[%swap3A_55, %swap3A_56], %add3A_54 {strides = array<i32>} : memref<64x16xf32, #tpu.memory_space<vmem>>, vector<64x16xf32>,
    %eq3A_58 = arith.constant 7 : i32
    %eq3A_59 = arith.cmpi eq, %arg0, %eq3A_58 : i32
    %convert_element_type3A_60 = arith.extui %eq3A_59 : i1 to i32
    %cond3A_61 = arith.constant 0 : i32
    %cond3A_62 = arith.cmpi ne, %convert_element_type3A_60, %cond3A_61 : i32
    scf.if %cond3A_62 {
      %get3A_63 = arith.constant 0 : index
      %get3A_64 = arith.constant 0 : index
      %get3A_65 = vector.load %arg10[%get3A_63, %get3A_64] : memref<64x16xf32, #tpu.memory_space<vmem>>, vector<64x16xf32>
      %get3A_66 = arith.constant 0 : index
      %get3A_67 = arith.constant 0 : index
      %get3A_68 = vector.load %arg11[%get3A_66, %get3A_67] : memref<64x16xf32, #tpu.memory_space<vmem>>, vector<64x16xf32>
      %max3A_69 = arith.constant 1.000000e+00 : f32
      %max3A_70 = vector.broadcast %max3A_69 : f32 to vector<64x16xf32>
      %max3A_71 = arith.maximumf %get3A_68, %max3A_70 : vector<64x16xf32>
      %div3A = arith.divf %get3A_65, %max3A_71 : vector<64x16xf32>
      %max3A_72 = arith.constant 0.000000e+00 : f32
      %max3A_73 = vector.broadcast %max3A_72 : f32 to vector<64x16xf32>
      %max3A_74 = arith.maximumf %div3A, %max3A_73 : vector<64x16xf32>
      %get3A_75 = arith.constant 0 : index
      %get3A_76 = arith.constant 0 : index
      %get3A_77 = vector.load %arg7[%get3A_75, %get3A_76] : memref<16x1xf32, #tpu.memory_space<vmem>>, vector<16x1xf32>
      %dot_general3A_78 = arith.constant dense<0.000000e+00> : vector<64x1xf32>
      %dot_general3A_79 = tpu.matmul %max3A_74, %get3A_77, %dot_general3A_78 {dimension_numbers = #tpu.dot_dimension_numbers<[1], [0], [0], [1], [0, 0, 1, 1], [], []>, transpose_lhs_hint = false} : vector<64x16xf32>, vector<16x1xf32>, vector<64x1xf32> -> vector<64x1xf32>
      %swap3A_80 = arith.constant 0 : index
      %swap3A_81 = arith.constant 0 : index
      %swap3A_82 = vector.load %arg9[%swap3A_80, %swap3A_81] : memref<64x1xf32, #tpu.memory_space<vmem>>, vector<64x1xf32>
      tpu.vector_store %arg9[%swap3A_80, %swap3A_81], %dot_general3A_79 {strides = array<i32>} : memref<64x1xf32, #tpu.memory_space<vmem>>, vector<64x1xf32>,
      %get3A_83 = arith.constant 0 : index
      %get3A_84 = arith.constant 0 : index
      %get3A_85 = vector.load %arg9[%get3A_83, %get3A_84] : memref<64x1xf32, #tpu.memory_space<vmem>>, vector<64x1xf32>
      %get3A_86 = arith.constant 0 : index
      %get3A_87 = arith.constant 0 : index
      %get3A_88 = vector.load %arg8[%get3A_86, %get3A_87] : memref<1x1xf32, #tpu.memory_space<vmem>>, vector<1x1xf32>
      %add3A_89 = vector.broadcast %get3A_88 : vector<1x1xf32> to vector<64x1xf32>
      %add3A_90 = arith.addf %get3A_85, %add3A_89 : vector<64x1xf32>
      %swap3A_91 = arith.constant 0 : index
      %swap3A_92 = arith.constant 0 : index
      %swap3A_93 = vector.load %arg9[%swap3A_91, %swap3A_92] : memref<64x1xf32, #tpu.memory_space<vmem>>, vector<64x1xf32>
      tpu.vector_store %arg9[%swap3A_91, %swap3A_92], %add3A_90 {strides = array<i32>} : memref<64x1xf32, #tpu.memory_space<vmem>>, vector<64x1xf32>,
    } else {
    }
    return
  }
  func.func @transform_0(%arg0: i32) -> (i32, i32, i32) {
    %c0_i32 = arith.constant 0 : i32
    %c0_i32_0 = arith.constant 0 : i32
    %c0_i32_1 = arith.constant 0 : i32
    return %c0_i32, %arg0, %c0_i32_0 : i32, i32, i32
  }
  func.func @transform_1(%arg0: i32) -> (i32, i32) {
    %c0_i32 = arith.constant 0 : i32
    %c0_i32_0 = arith.constant 0 : i32
    return %arg0, %c0_i32 : i32, i32
  }
  func.func @transform_2(%arg0: i32) -> (i32, i32) {
    %c0_i32 = arith.constant 0 : i32
    %c0_i32_0 = arith.constant 0 : i32
    %c0_i32_1 = arith.constant 0 : i32
    return %c0_i32, %c0_i32_0 : i32, i32
  }
  func.func @transform_3(%arg0: i32) -> (i32, i32) {
    %c0_i32 = arith.constant 0 : i32
    %c0_i32_0 = arith.constant 0 : i32
    %c0_i32_1 = arith.constant 0 : i32
    return %c0_i32, %c0_i32_0 : i32, i32
  }
  func.func @transform_4(%arg0: i32) -> (i32, i32) {
    %c0_i32 = arith.constant 0 : i32
    %c0_i32_0 = arith.constant 0 : i32
    %c0_i32_1 = arith.constant 0 : i32
    return %c0_i32, %c0_i32_0 : i32, i32
  }
  func.func @transform_5(%arg0: i32) -> (i32, i32, i32) {
    %c0_i32 = arith.constant 0 : i32
    %c0_i32_0 = arith.constant 0 : i32
    %c0_i32_1 = arith.constant 0 : i32
    return %arg0, %c0_i32, %c0_i32_0 : i32, i32, i32
  }
  func.func @transform_6(%arg0: i32) -> (i32, i32) {
    %c0_i32 = arith.constant 0 : i32
    %c0_i32_0 = arith.constant 0 : i32
    %c0_i32_1 = arith.constant 0 : i32
    return %c0_i32, %c0_i32_0 : i32, i32
  }
  func.func @transform_7(%arg0: i32) -> (i32, i32) {
    %c0_i32 = arith.constant 0 : i32
    %c0_i32_0 = arith.constant 0 : i32
    %c0_i32_1 = arith.constant 0 : i32
    return %c0_i32, %c0_i32_0 : i32, i32
  }
  func.func @transform_8(%arg0: i32) -> (i32, i32) {
    %c0_i32 = arith.constant 0 : i32
    %c0_i32_0 = arith.constant 0 : i32
    %c0_i32_1 = arith.constant 0 : i32
    return %c0_i32, %c0_i32_0 : i32, i32
  }
}

</mosaic_0001>

<sc_bundles>
// kernel: kernel.10.cloned.1.call-start
scs
__scs_entry_jumppad:
0x0: {  	(pc) =	sbr.rel $0x88, $3  }
0x1: {  	(tag) =	ssettag $0x0;
	lr =	simm.s32 $0x1  }
0x2: {  	[smem:$0x3F94] =	sst lr;
	_ =	strace $0xD0000000  }
0x3: {  	_ = 	snop  }
0x4: {  	_ = 	snop  }
0x5: {  	_ = 	snop  }
0x6: {  	_ = 	snop  }
0x7: {  	_ = 	snop  }
__scs_overlays_trampoline_lowered:
0x8: {  	[smem:$0x3FA3] =	sst s0  }
0x9: {  	[smem:$0x3FA4] =	sst s1  }
0xa: {  	[smem:$0x3FA5] =	sst s2  }
0xb: {  	[smem:$0x3FA6] =	sst s3  }
0xc: {  	[smem:$0x3FA7] =	sst s4  }
0xd: {  	[smem:$0x3FA8] =	sst s5  }
0xe: {  	[smem:$0x3FA9] =	sst s6  }
0xf: {  	[smem:$0x3FAA] =	sst s7  }
0x10: {  	[smem:$0x3FAB] =	sst s8  }
0x11: {  	[smem:$0x3FAC] =	sst s9;
	s0 =	simm.s32 @!p0 $0x0  }
0x12: {  	s1 =	sld [smem:$0x3F92];
	s0 =	simm.s32 @p0 $0x1  }
0x13: {  	[smem:$0x3FAD] =	sst s0;
	s0 =	simm.s32 @!p1 $0x0  }
0x14: {  	s2 =	sld [smem:$0x3F91];
	s0 =	simm.s32 @p1 $0x1  }
0x15: {  	[smem:$0x3FAE] =	sst s0;
	s0 =	simm.s32 @!p2 $0x0  }
0x16: {  	s3 =	sld [smem:$0x3FDB];
	s0 =	simm.s32 @p2 $0x1  }
0x17: {  	s4 =	simm.s32 $0x1BF5;
	[smem:$0x3FB0] =	sst s0  }
0x18: {  	s0 =	sld [smem:$0x3F93];
	_ =	swait.ge [sflag:s4], $0x0  }
0x19: {  	s7 =	sld [smem:$0x3F94]  }
0x1a: {  	s8 =	sadd.s32 $0xFFFFE003, lr  }
0x1b: {  	s9 =	sadd.s32 $0xFFFFFEF7, lr;
	s5 =	simm.s32 $0xFFFFFFFF;
	p2 =	slt.u32 s8, $0xFFFFF086  }
0x1c: {  	p1 =	slt.u32 s9, $0xF7A;
	s5 =	simm.s32 @!p2 $0x0  }
0x1d: {  	s5 =	simm.s32 @p1 $0x1;
	p0 =	seq.s32 s7, s2  }
0x1e: {  	s7 =	smul.u32 @!p0 $0xF7A, s2;
	p2 =	seq.s32 @!p0 s5, $0x0  }
0x1f: {  	s9 =	smul.u32 $0xF7A, s1;
	s8 =	simm.s32 @!p0 $0x1BF5;
	p2 =	por !p2, p0  }
0x20: {  	[sflag:s8] =	ssyncset.s32 @!p0 $0xFFFFF086;
	s6 =	sadd.s32 @!p0 s3, s7;
	s7 =	simm.s32 @!p0 $0x108  }
0x21: {  	s3 =	sadd.s32 s3, s9;
	s6 =	sadd.s32 @!p0 $0x88, s6;
	s7 =	simm.s32 @p2 $0x1082  }
0x22: {  	[simem:s7], [sflag:s8] =	dma.local @!p0 [hbm:s6], $0xF7A  }
0x23: {  	s9 =	sor.u32 $0xD0000000, s2;
	s6 =	simm.s32 $0x108;
	_ =	swait.ge @!p0 [sflag:s8], $0x0  }
0x24: {  	s3 =	sadd.s32 $0x88, s3;
	s6 =	simm.s32 @!p1 $0x1082;
	[sflag:s4] =	ssyncset.s32 $0xFFFFF086  }
0x25: {  	[simem:s6], [sflag:s4] =	dma.local [hbm:s3], $0xF7A  }
0x26: {  	[smem:$0x3F94] =	sst s1;
	(tag) =	ssettag s2;
	_ =	strace s9  }
0x27: {  	s1 =	sld [smem:$0x3FA4]  }
0x28: {  	s2 =	sld [smem:$0x3FA5]  }
0x29: {  	s4 =	sld [smem:$0x3FA7]  }
0x2a: {  	p0 =	seq.s32 s5, $0x0;
	s5 =	sld [smem:$0x3FA8]  }
0x2b: {  	s6 =	sld [smem:$0x3FA9]  }
0x2c: {  	s7 =	sld [smem:$0x3FAA]  }
0x2d: {  	s3 =	simm.s32 $0x108;
	s8 =	sld [smem:$0x3FAB]  }
0x2e: {  	s3 =	simm.s32 @!p0 $0x1082;
	s9 =	sld [smem:$0x3FAC]  }
0x2f: {  	lr =	sadd.s32 s0, s3;
	s0 =	sld [smem:$0x3FA3]  }
0x30: {  	s3 =	sld [smem:$0x3FA6]  }
0x31: {  	[smem:$0x3FAF] =	sst s10  }
0x32: {  	s10 =	sld [smem:$0x3FAD];
	_ =	sdelay $0x3  }
0x33: {  	p0 =	seq.s32 s10, $0x1;
	s10 =	sld [smem:$0x3FAF];
	_ =	sdelay $0x3  }
0x34: {  	[smem:$0x3FAF] =	sst s10  }
0x35: {  	s10 =	sld [smem:$0x3FAE];
	_ =	sdelay $0x3  }
0x36: {  	p1 =	seq.s32 s10, $0x1;
	s10 =	sld [smem:$0x3FAF];
	_ =	sdelay $0x3  }
0x37: {  	[smem:$0x3FAF] =	sst s10  }
0x38: {  	s10 =	sld [smem:$0x3FB0]  }
0x39: {  	_ = 	snop;
	(pc) =	sbr.ind lr, $3  }
0x3a: {  	_ = 	snop  }
0x3b: {  	_ = 	snop  }
0x3c: {  	p2 =	seq.s32 s10, $0x1;
	s10 =	sld [smem:$0x3FAF]  }
0x3d: {  	_ =	shalt  }
0x3e: {  	_ =	shalt  }
0x3f: {  	_ =	shalt  }
0x40: {  	_ =	shalt  }
0x41: {  	_ =	shalt  }
0x42: {  	_ =	shalt  }
0x43: {  	_ =	shalt  }
0x44: {  	_ =	shalt  }
0x45: {  	_ =	shalt  }
0x46: {  	_ =	shalt  }
0x47: {  	_ =	shalt  }
0x48: {  	_ =	shalt  }
0x49: {  	_ =	shalt  }
0x4a: {  	_ =	shalt  }
0x4b: {  	_ =	shalt  }
0x4c: {  	_ =	shalt  }
0x4d: {  	_ =	shalt  }
0x4e: {  	_ =	shalt  }
0x4f: {  	_ =	shalt  }
0x50: {  	_ =	shalt  }
0x51: {  	_ =	shalt  }
0x52: {  	_ =	shalt  }
0x53: {  	_ =	shalt  }
0x54: {  	_ =	shalt  }
0x55: {  	_ =	shalt  }
0x56: {  	_ =	shalt  }
0x57: {  	_ =	shalt  }
0x58: {  	_ =	shalt  }
0x59: {  	_ =	shalt  }
0x5a: {  	_ =	shalt  }
0x5b: {  	_ =	shalt  }
0x5c: {  	_ =	shalt  }
0x5d: {  	_ =	shalt  }
0x5e: {  	_ =	shalt  }
0x5f: {  	_ =	shalt  }
0x60: {  	_ =	shalt  }
0x61: {  	_ =	shalt  }
0x62: {  	_ =	shalt  }
0x63: {  	_ =	shalt  }
0x64: {  	_ =	shalt  }
0x65: {  	_ =	shalt  }
0x66: {  	_ =	shalt  }
0x67: {  	_ =	shalt  }
0x68: {  	_ =	shalt  }
0x69: {  	_ =	shalt  }
0x6a: {  	_ =	shalt  }
0x6b: {  	_ =	shalt  }
0x6c: {  	_ =	shalt  }
0x6d: {  	_ =	shalt  }
0x6e: {  	_ =	shalt  }
0x6f: {  	_ =	shalt  }
0x70: {  	_ =	shalt  }
0x71: {  	_ =	shalt  }
0x72: {  	_ =	shalt  }
0x73: {  	_ =	shalt  }
0x74: {  	_ =	shalt  }
0x75: {  	_ =	shalt  }
0x76: {  	_ =	shalt  }
0x77: {  	_ =	shalt  }
0x78: {  	_ =	shalt  }
0x79: {  	_ =	shalt  }
0x7a: {  	_ =	shalt  }
0x7b: {  	_ =	shalt  }
0x7c: {  	_ =	shalt  }
0x7d: {  	_ =	shalt  }
0x7e: {  	_ =	shalt  }
0x7f: {  	_ =	shalt  }
0x80: {  	_ =	shalt  }
0x81: {  	_ =	shalt  }
0x82: {  	_ =	shalt  }
0x83: {  	_ =	shalt  }
0x84: {  	_ =	shalt  }
0x85: {  	_ =	shalt  }
0x86: {  	_ =	shalt  }
0x87: {  	_ =	shalt  }
.Lfunc_end0:
.L_simem_size_0:
called_computation.1_lowered:
.L_overlay_start_0:
0x88: {  	s2 =	sld [smem:$0x3FD9]  }
0x89: {  	s3 =	sld [smem:$0x3FFE];
	_ =	sdelay $0x1  }
0x8a: {  	s1 =	srdreg.scid  }
0x8b: {  	s0 =	sand.u32 $0x1, s1  }
0x8c: {  	s16 =	sshll.u32 s0, $0xA;
	s2 =	sadd.s32 s3, s2  }
0x8d: {  	s2 =	sadd.s32 s2, s16  }
0x8e: {  	[smem:$0x3FBB] =	sst s2  }
0x8f: {  	_ = 	snop  }
0x90: {  	(tm) =	ssettm $0x1  }
0x91: {  	s17 =	sld [smem:$0x3FFB];
	_ =	sdelay $0x3  }
0x92: {  	_ =	strace s17  }
0x93: {  	s2 =	sld [smem:$0x3FFC];
	_ =	sdelay $0x3  }
0x94: {  	_ =	strace s2  }
0x95: {  	s2 =	sld [smem:$0x3FFD];
	_ =	sdelay $0x3  }
0x96: {  	_ =	strace s2  }
0x97: {  	_ =	strace $0x8FFFFFFF  }
0x98: {  	s18 =	sld [smem:$0x3FDB];
	_ =	sdelay $0x1  }
0x99: {  	s19 =	simm.s32 $_scs_section_size  }
0x9a: {  	s4 =	simm.s32 $_size__tile_overlayer_lowered;
	s5 =	simm.s32 $_tile_overlayer_lowered  }
0x9b: {  	s22 =	simm.s32 $0x1BFF;
	s21 =	sshll.u32 s5, $0x1;
	s2 =	sadd.s32 s19, s18  }
0x9c: {  	s6 =	simm.s32 $0x0;
	s20 =	sshll.u32 s4, $0x1;
	s4 =	sadd.s32 s21, s2  }
0x9d: {  	[timem:s6], [sflag:s22] =	dma.local [hbm:s4], s20  }
0x9e: {  	_ =	swait.ge [sflag:s22], s20  }
0x9f: {  	s3 =	ssub.s32 $0x0, s20;
	[sflag:s22] =	ssyncset.done $0x0  }
0xa0: {  	[sflag:s22] =	ssyncadd.s32 s3;
	_ =	sdelay $0x1  }
0xa1: {  	s23 =	simm.s32 $0x1B8B  }
0xa2: {  	_ =	swait.ge [sflag:s23], $0x1  }
0xa3: {  	[sflag:s23] =	ssyncset.done $0x0  }
0xa4: {  	s25 =	simm.s32 $0x1B8E;
	s24 =	sld [smem:$0x3FFE];
	[sflag:s23] =	ssyncadd.s32 $0xFFFFFFFF  }
0xa5: {  	s26 =	simm.s32 $execute0_lowered;
	[smem:$0x3FD2] =	sst s25  }
0xa6: {  	s4 =	sshll.u32 s26, $0x1;
	_ =	strace $0x80000049;
	[dreg:$0x1] =	wrdreg $0xFFFFFFFF  }
0xa7: {  	s28 =	simm.s32 $_size_execute0_lowered;
	s2 =	sadd.s32 s2, s4;
	[dreg:$0x0] =	wrdreg $0x0  }
0xa8: {  	s4 =	sshll.u32 s28, $0x1;
	[dreg:$0x2] =	wrdreg s2  }
0xa9: {  	[dreg:$0x3] =	wrdreg s4  }
0xaa: {  	[dreg:$0x4] =	wrdreg $0xC0  }
0xab: {  	_ =	task [dreg:s6], $0x5FFFF  }
0xac: {  	[dreg:$0x1] =	wrdreg $0xFFFFFFFF  }
0xad: {  	[dreg:$0x0] =	wrdreg $0x60  }
0xae: {  	[dreg:$0x2] =	wrdreg s24  }
0xaf: {  	[dreg:$0x3] =	wrdreg $0xB8000  }
0xb0: {  	[dreg:$0x4] =	wrdreg $0x9  }
0xb1: {  	_ =	task.clear_ibuf [dreg:s6], $0x5FFFF;
	_ =	strace $0x90000049  }
0xb2: {  	s29 =	simm.s32 $0x9;
	_ =	strace $0x8000004B  }
0xb3: {  	_ =	swait.ge [sflag:s29], $0x1  }
0xb4: {  	[sflag:s29] =	ssyncadd.s32 $0xFFFFFFFF  }
0xb5: {  	_ =	strace $0x9000004B  }
0xb6: {  	_ =	sfence  }
0xb7: {  	s30 =	sld [smem:$0x0];
	_ =	sdelay $0x2  }
0xb8: {  	s31 =	sshll.u32 s1, $0xD;
	s1 =	sshrl.u32 s1, $0x2  }
0xb9: {  	s3 =	sand.u32 $0x4000, s31;
	s1 =	sadd.s32 s1, s30  }
0xba: {  	s0 =	sor.u32 s3, s0;
	s1 =	sshll.u32 s1, $0x11  }
0xbb: {  	s0 =	sor.u32 s1, s0  }
0xbc: {  	s0 =	sadd.s32 $0x8F2B, s0  }
0xbd: {  	[sflag:s0] =	ssyncadd.remote.s32 $0x1  }
0xbe: {  	_ =	sfence.sel $0xFFFF  }
0xbf: {  	[dreg:$0x0] =	wrdreg $0xFFFFFFFF;
	(pc) =	sbr.abs _section_cstart, $3  }
0xc0: {  	[dreg:$0x1] =	wrdreg $0xFFFFFFFF  }
0xc1: {  	_ =	task.clear_ibuf [dreg:s6], $0x2FFFF;
	_ =	strace $0x9FFFFFFF  }
0xc2: {  	(tm) =	ssettm $0x7FFFFFFF  }
0xc3: {  	_ =	shalt  }
tec
execute0_lowered:
.L_overlay_start_1:
0x0: {  	(tag) =	ssettag $0x1  }
0x1: {  	s5 =	rddreg [dreg:$0x0]  }
0x2: {  	s2 =	rddreg [dreg:$0x1]  }
0x3: {  	s3 =	srdreg.scid;
	s0 =	stileid.u32;
	s11 =	simm.s32 $0x4  }
0x4: {  	s12 =	simm.s32 $0x2800;
	s13 =	simm.s32 $0x80;
	s14 =	simm.s32 $0x5000  }
0x5: {  	s15 =	simm.s32 $0x5800;
	s16 =	simm.s32 $0x100;
	s17 =	simm.s32 $0x6000  }
0x6: {  	s18 =	simm.s32 $0x180;
	s19 =	simm.s32 $0x6800;
	s20 =	simm.s32 $0x1  }
0x7: {  	s21 =	simm.s32 $0x7000;
	s22 =	simm.s32 $0x7800;
	s23 =	simm.s32 $0x8000  }
0x8: {  	s24 =	simm.s32 $0x8800;
	s25 =	simm.s32 $0x2;
	s26 =	simm.s32 $0x3  }
0x9: {  	s28 =	simm.s32 $0x0;
	s6 =	sand.u32 $0x1, s3;
	s7 =	smul.u32 $0x2800, s0  }
0xa: {  	s3 =	simm.s32 $0x0;
	s4 =	sshll.u32 s6, $0x4;
	s8 =	smul.u32 $0x28000, s6  }
0xb: {  	[smem:$0x7FF] =	sst s3;
	s6 =	ssub.s32 $0x2, s6;
	s4 =	sor.u32 s0, s4  }
0xc: {  	_ =	strace $0x8000004A;
	s9 =	smul.u32 $0x500, s4;
	s8 =	sadd.s32 s7, s8  }
0xd: {  	s31 =	sshrl.u32 s6, $0x1;
	s4 =	sadd.s32 $0x1000, s5;
	s8 =	sshrl.u32 s8, $0x3  }
0xe: {  	s10 =	ssub.s32 s6, s31;
	s9 =	sadd.s32 s9, s5;
	s8 =	sadd.s32 s8, s5  }
0xf: {  	s5 =	sadd.s32 s7, s2;
	s6 =	sadd.s32 $0x6000, s9;
	s7 =	sadd.s32 $0x10000, s9  }
0x10: {  	v0 =	vimm.f32 $0.0e+00;
	s8 =	sadd.s32 $0x1A000, s8;
	s9 =	smax.u32 s10, $0x1;
	s10 =	simm.s32 $0x9000  }
.LBB2_1:
0x11: {  	s29 =	simm.s32 $0x40;
	s30 =	simm.s32 $0x0  }
.LBB2_2:
0x12: {  	p0 =	sne.s32 s29, $0x9FC0;
	[tilespmem:s30+$0x9000] =	vst v0;
	s30 =	smov.u32 s29;
	s29 =	sadd.s32 $0x40, s29  }
.Ltmp0:
0x13: {  	(pc) =	sbr.rel @p0 .LBB2_2-.Ltmp0, $2  }
0x14: {  	_ =	sdelay $0x2  }
0x15: {  	s30 =	sshra.s32 s30, $0x2  }
0x16: {  	[tilespmem:s30+$0x9000] =	vst v0  }
0x17: {  	[spmem:s5] =	stream.linear.scatter [tilespmem:s10], [sflag:$0x4], $0x2800, $0x38;
	[tilespmem:$0xE000] =	vst v63  }
0x18: {  	_ =	swait.ge [sflag:s11], $0x2800  }
0x19: {  	[sflag:s11] =	ssyncset.done $0x0  }
0x1a: {  	s29 =	simm.s32 $0x0;
	[sflag:s11] =	ssyncadd.s32 $0xFFFFD800  }
0x1b: {  	[tilespmem:s29], [sflag:$0x4] =	stream.linear.gather [hbm4b:s6+s29], $0x2800, $0x38;
	[tilespmem:$0xE000] =	vst v63  }
0x1c: {  	_ =	swait.ge [sflag:s11], $0x2800  }
0x1d: {  	[sflag:s11] =	ssyncset.done $0x0  }
0x1e: {  	[sflag:s11] =	ssyncadd.s32 $0xFFFFD800  }
0x1f: {  	[tilespmem:s12], [sflag:$0x4] =	stream.linear.gather [hbm4b:s7+s29], $0x2800, $0x38;
	[tilespmem:$0xE000] =	vst v63  }
0x20: {  	_ =	swait.ge [sflag:s11], $0x2800  }
0x21: {  	[sflag:s11] =	ssyncset.done $0x0  }
0x22: {  	[sflag:s11] =	ssyncadd.s32 $0xFFFFD800  }
0x23: {  	[bflag:$0x0] =	sbarrier.arrive $0xFFFF  }
0x24: {  	[tilespmem:s14], [sflag:$0x1] =	stream.indirect.gather [hbm4b:s4+s13], $0x10, s29, s13, $0xb8;
	[tilespmem:$0xE000] =	vst v63  }
0x25: {  	_ = 	snop  }
0x26: {  	[tilespmem:s15], [sflag:$0x1] =	stream.indirect.gather [hbm4b:s4+s13], $0x10, s13, s13, $0xb8;
	[tilespmem:$0xE000] =	vst v63  }
0x27: {  	_ = 	snop  }
0x28: {  	[tilespmem:s17], [sflag:$0x1] =	stream.indirect.gather [hbm4b:s4+s13], $0x10, s16, s13, $0xb8;
	[tilespmem:$0xE000] =	vst v63  }
0x29: {  	_ = 	snop  }
0x2a: {  	[tilespmem:s19], [sflag:$0x1] =	stream.indirect.gather [hbm4b:s4+s13], $0x10, s18, s13, $0xb8;
	[tilespmem:$0xE000] =	vst v63  }
.LBB2_4:
0x2b: {  	_ =	swait.ge [sflag:s20], $0x800  }
0x2c: {  	[sflag:s20] =	ssyncset.done $0x0  }
0x2d: {  	[sflag:s20] =	ssyncadd.s32 $0xFFFFF800  }
0x2e: {  	_ =	swait.ge [sflag:s20], $0x800  }
0x2f: {  	[sflag:s20] =	ssyncset.done $0x0  }
0x30: {  	[sflag:s20] =	ssyncadd.s32 $0xFFFFF800  }
0x31: {  	_ =	swait.ge [sflag:s20], $0x800  }
0x32: {  	[sflag:s20] =	ssyncset.done $0x0  }
0x33: {  	[sflag:s20] =	ssyncadd.s32 $0xFFFFF800  }
0x34: {  	_ =	swait.ge [sflag:s20], $0x800  }
0x35: {  	s30 =	sshra.s32 s29, $0x2;
	[sflag:s20] =	ssyncset.done $0x0  }
0x36: {  	s31 =	sadd.s32 $0x2800, s30;
	[sflag:s20] =	ssyncadd.s32 $0xFFFFF800  }
0x37: {  	[spmem:s2] =	stream.indirect.scatter.add.f32 [tilespmem:s14], [sflag:$0x2], $0x10, s31, s13, $0xb8;
	[tilespmem:$0xE000] =	vst v63  }
0x38: {  	s0 =	sadd.s32 $0x2880, s30  }
0x39: {  	[spmem:s2] =	stream.indirect.scatter.add.f32 [tilespmem:s15], [sflag:$0x2], $0x10, s0, s13, $0xb8;
	[tilespmem:$0xE000] =	vst v63  }
0x3a: {  	p0 =	seq.s32 s29, $0x0;
	s1 =	sadd.s32 $0x2900, s30  }
0x3b: {  	[spmem:s2] =	stream.indirect.scatter.add.f32 [tilespmem:s17], [sflag:$0x2], $0x10, s1, s13, $0xb8;
	[tilespmem:$0xE000] =	vst v63  }
0x3c: {  	s31 =	simm.s32 @!p0 $0x3;
	s0 =	sadd.s32 $0x2980, s30  }
0x3d: {  	[spmem:s2] =	stream.indirect.scatter.add.f32 [tilespmem:s19], [sflag:$0x2], $0x10, s0, s13, $0xb8;
	[tilespmem:$0xE000] =	vst v63  }
0x3e: {  	_ =	swait.ge @!p0 [sflag:s31], $0x800  }
0x3f: {  	[sflag:s31] =	ssyncset.done @!p0 $0x0  }
0x40: {  	[sflag:s31] =	ssyncadd.s32 @!p0 $0xFFFFF800  }
0x41: {  	_ =	swait.ge @!p0 [sflag:s31], $0x800  }
0x42: {  	[sflag:s31] =	ssyncset.done @!p0 $0x0  }
0x43: {  	[sflag:s31] =	ssyncadd.s32 @!p0 $0xFFFFF800  }
0x44: {  	_ =	swait.ge @!p0 [sflag:s31], $0x800  }
0x45: {  	[sflag:s31] =	ssyncset.done @!p0 $0x0  }
0x46: {  	[sflag:s31] =	ssyncadd.s32 @!p0 $0xFFFFF800  }
0x47: {  	_ =	swait.ge @!p0 [sflag:s31], $0x800  }
0x48: {  	[sflag:s31] =	ssyncset.done @!p0 $0x0  }
0x49: {  	s1 =	sadd.s32 $0x200, s30;
	[sflag:s31] =	ssyncadd.s32 @!p0 $0xFFFFF800  }
0x4a: {  	[tilespmem:s21], [sflag:$0x1] =	stream.indirect.gather [hbm4b:s4+s13], $0x10, s1, s13, $0xb8;
	[tilespmem:$0xE000] =	vst v63  }
0x4b: {  	s0 =	sadd.s32 $0x280, s30  }
0x4c: {  	[tilespmem:s22], [sflag:$0x1] =	stream.indirect.gather [hbm4b:s4+s13], $0x10, s0, s13, $0xb8;
	[tilespmem:$0xE000] =	vst v63  }
0x4d: {  	s1 =	sadd.s32 $0x300, s30  }
0x4e: {  	[tilespmem:s23], [sflag:$0x1] =	stream.indirect.gather [hbm4b:s4+s13], $0x10, s1, s13, $0xb8;
	[tilespmem:$0xE000] =	vst v63  }
0x4f: {  	s0 =	sadd.s32 $0x380, s30  }
0x50: {  	[tilespmem:s24], [sflag:$0x1] =	stream.indirect.gather [hbm4b:s4+s13], $0x10, s0, s13, $0xb8;
	[tilespmem:$0xE000] =	vst v63  }
0x51: {  	_ =	swait.ge [sflag:s20], $0x800  }
0x52: {  	[sflag:s20] =	ssyncset.done $0x0  }
0x53: {  	[sflag:s20] =	ssyncadd.s32 $0xFFFFF800  }
0x54: {  	_ =	swait.ge [sflag:s20], $0x800  }
0x55: {  	[sflag:s20] =	ssyncset.done $0x0  }
0x56: {  	[sflag:s20] =	ssyncadd.s32 $0xFFFFF800  }
0x57: {  	_ =	swait.ge [sflag:s20], $0x800  }
0x58: {  	[sflag:s20] =	ssyncset.done $0x0  }
0x59: {  	[sflag:s20] =	ssyncadd.s32 $0xFFFFF800  }
0x5a: {  	_ =	swait.ge [sflag:s20], $0x800  }
0x5b: {  	[sflag:s20] =	ssyncset.done $0x0  }
0x5c: {  	s1 =	sadd.s32 $0x2A00, s30;
	[sflag:s20] =	ssyncadd.s32 $0xFFFFF800  }
0x5d: {  	[spmem:s2] =	stream.indirect.scatter.add.f32 [tilespmem:s21], [sflag:$0x3], $0x10, s1, s13, $0xb8;
	[tilespmem:$0xE000] =	vst v63  }
0x5e: {  	s0 =	sadd.s32 $0x2A80, s30  }
0x5f: {  	[spmem:s2] =	stream.indirect.scatter.add.f32 [tilespmem:s22], [sflag:$0x3], $0x10, s0, s13, $0xb8;
	[tilespmem:$0xE000] =	vst v63  }
0x60: {  	s1 =	sadd.s32 $0x2B00, s30  }
0x61: {  	[spmem:s2] =	stream.indirect.scatter.add.f32 [tilespmem:s23], [sflag:$0x3], $0x10, s1, s13, $0xb8;
	[tilespmem:$0xE000] =	vst v63  }
0x62: {  	s30 =	sadd.s32 $0x2B80, s30  }
0x63: {  	[spmem:s2] =	stream.indirect.scatter.add.f32 [tilespmem:s24], [sflag:$0x3], $0x10, s30, s13, $0xb8;
	[tilespmem:$0xE000] =	vst v63  }
0x64: {  	_ =	swait.ge [sflag:s25], $0x800  }
0x65: {  	[sflag:s25] =	ssyncset.done $0x0  }
0x66: {  	[sflag:s25] =	ssyncadd.s32 $0xFFFFF800  }
0x67: {  	_ =	swait.ge [sflag:s25], $0x800  }
0x68: {  	[sflag:s25] =	ssyncset.done $0x0  }
0x69: {  	[sflag:s25] =	ssyncadd.s32 $0xFFFFF800  }
0x6a: {  	_ =	swait.ge [sflag:s25], $0x800  }
0x6b: {  	[sflag:s25] =	ssyncset.done $0x0  }
0x6c: {  	[sflag:s25] =	ssyncadd.s32 $0xFFFFF800  }
0x6d: {  	p0 =	seq.s32 s29, $0x9000;
	_ =	swait.ge [sflag:s25], $0x800  }
0x6e: {  	s0 =	simm.s32 @!p0 $0x80;
	s30 =	sshra.s32 @!p0 s29, $0x2;
	[sflag:s25] =	ssyncset.done $0x0  }
0x6f: {  	s1 =	simm.s32 @!p0 $0x5000;
	s31 =	sadd.s32 @!p0 $0x400, s30;
	[sflag:s25] =	ssyncadd.s32 $0xFFFFF800  }
0x70: {  	[tilespmem:s1], [sflag:$0x1] =	stream.indirect.gather @!p0 [hbm4b:s4+s0], $0x10, s31, s0, $0xb8;
	[tilespmem:$0xE000] =	vst v63  }
0x71: {  	s1 =	sadd.s32 @!p0 $0x480, s30;
	s31 =	simm.s32 @!p0 $0x5800  }
0x72: {  	[tilespmem:s31], [sflag:$0x1] =	stream.indirect.gather @!p0 [hbm4b:s4+s0], $0x10, s1, s0, $0xb8;
	[tilespmem:$0xE000] =	vst v63  }
0x73: {  	s29 =	sadd.s32 @!p0 $0x1000, s29;
	s1 =	sadd.s32 @!p0 $0x500, s30;
	s31 =	simm.s32 @!p0 $0x6000  }
0x74: {  	[tilespmem:s31], [sflag:$0x1] =	stream.indirect.gather @!p0 [hbm4b:s4+s0], $0x10, s1, s0, $0xb8;
	[tilespmem:$0xE000] =	vst v63  }
0x75: {  	p1 =	sne.s32 @!p0 s29, $0xA000;
	s1 =	sadd.s32 @!p0 $0x580, s30;
	s30 =	simm.s32 @!p0 $0x6800  }
0x76: {  	[tilespmem:s30], [sflag:$0x1] =	stream.indirect.gather @!p0 [hbm4b:s4+s0], $0x10, s1, s0, $0xb8;
	[tilespmem:$0xE000] =	vst v63  }
0x77: {  	p0 =	por p0, !p1  }
.Ltmp1:
0x78: {  	_ = 	snop;
	(pc) =	sbr.rel @!p0 .LBB2_4-.Ltmp1, $1  }
0x79: {  	_ =	sdelay $0x3  }
0x7a: {  	_ =	swait.ge [sflag:s26], $0x800  }
0x7b: {  	[sflag:s26] =	ssyncset.done $0x0  }
0x7c: {  	[sflag:s26] =	ssyncadd.s32 $0xFFFFF800  }
0x7d: {  	_ =	swait.ge [sflag:s26], $0x800  }
0x7e: {  	[sflag:s26] =	ssyncset.done $0x0  }
0x7f: {  	[sflag:s26] =	ssyncadd.s32 $0xFFFFF800  }
0x80: {  	_ =	swait.ge [sflag:s26], $0x800  }
0x81: {  	[sflag:s26] =	ssyncset.done $0x0  }
0x82: {  	[sflag:s26] =	ssyncadd.s32 $0xFFFFF800  }
0x83: {  	_ =	swait.ge [sflag:s26], $0x800  }
0x84: {  	[sflag:s26] =	ssyncset.done $0x0  }
0x85: {  	[sflag:s26] =	ssyncadd.s32 $0xFFFFF800  }
0x86: {  	[bflag:$0x0] =	sbarrier.arrive $0xFFFF  }
0x87: {  	[tilespmem:s10], [sflag:$0x4] =	stream.linear.gather [spmem:s5], $0x2800, $0x38;
	[tilespmem:$0xE000] =	vst v63  }
0x88: {  	s28 =	sadd.s32 $0x1, s28;
	_ =	swait.ge [sflag:s11], $0x2800  }
0x89: {  	p0 =	sne.s32 s28, s9;
	[sflag:s11] =	ssyncset.done $0x0  }
.Ltmp2:
0x8a: {  	[sflag:s11] =	ssyncadd.s32 $0xFFFFD800;
	(pc) =	sbr.rel @p0 .LBB2_1-.Ltmp2, $4  }
0x8b: {  	[hbm4b:s8+s3] =	stream.linear.scatter [tilespmem:s10], [sflag:$0x4], $0x2800, $0x38;
	[tilespmem:$0xE000] =	vst v63  }
0x8c: {  	_ =	swait.ge [sflag:s11], $0x2800  }
0x8d: {  	[sflag:s11] =	ssyncset.done $0x0  }
0x8e: {  	[sflag:s11] =	ssyncadd.s32 $0xFFFFD800  }
0x8f: {  	_ =	sfence.sel $0x180000  }
0x90: {  	[bflag:$0x0] =	sbarrier.arrive $0xFFFF  }
0x91: {  	_ =	strace $0x9000004A  }
0x92: {  	s0 =	stileid.u32;
	[bflag:$0x2] =	sbarrier.arrive $0xFFFF  }
0x93: {  	p0 =	sne.s32 s0, $0x0;
	s0 =	rddreg [dreg:$0x2]  }
0x94: {  	s0 =	sadd.s32 @!p0 $0x100000, s0  }
0x95: {  	[sflag:s0] =	ssyncadd.tile.s32 @!p0 $0x1;
	_ =	shalt  }
.Lfunc_end2:
_tile_overlayer_lowered:
.L_overlay_start_2:
0x96: {  	(tag) =	ssettag $0x2  }
0x97: {  	s0 =	rddreg [dreg:$0x0];
	s2 =	stileid.u32  }
0x98: {  	s1 =	rddreg [dreg:$0x1];
	p0 =	sne.s32 s2, $0x0  }
0x99: {  	s3 =	rddreg [dreg:$0x2];
	[bflag:$0x3] =	sbarrier.arrive $0xFFFF;
	s2 =	simm.s32 @!p0 $0x1C04  }
0x9a: {  	[timem:s3], [sflag:s2] =	dma.local @!p0 [hbm:s0], s1  }
0x9b: {  	s0 =	simm.s32 @!p0 $0x4  }
0x9c: {  	_ =	swait.ge @!p0 [sflag:s0], s1  }
0x9d: {  	s1 =	ssub.s32 @!p0 $0x0, s1;
	[sflag:s0] =	ssyncset.done @!p0 $0x0  }
0x9e: {  	[sflag:s0] =	ssyncadd.s32 @!p0 s1  }
0x9f: {  	[bflag:$0x3] =	sbarrier.arrive $0xFFFF  }
0xa0: {  	_ =	shalt  }

// kernel: kernel.7.cloned.1.call-start
scs
__scs_entry_jumppad:
0x0: {  	(pc) =	sbr.rel $0x88, $3  }
0x1: {  	(tag) =	ssettag $0x0;
	lr =	simm.s32 $0x1  }
0x2: {  	[smem:$0x3F94] =	sst lr;
	_ =	strace $0xD0000000  }
0x3: {  	_ = 	snop  }
0x4: {  	_ = 	snop  }
0x5: {  	_ = 	snop  }
0x6: {  	_ = 	snop  }
0x7: {  	_ = 	snop  }
__scs_overlays_trampoline_lowered:
0x8: {  	[smem:$0x3FA3] =	sst s0  }
0x9: {  	[smem:$0x3FA4] =	sst s1  }
0xa: {  	[smem:$0x3FA5] =	sst s2  }
0xb: {  	[smem:$0x3FA6] =	sst s3  }
0xc: {  	[smem:$0x3FA7] =	sst s4  }
0xd: {  	[smem:$0x3FA8] =	sst s5  }
0xe: {  	[smem:$0x3FA9] =	sst s6  }
0xf: {  	[smem:$0x3FAA] =	sst s7  }
0x10: {  	[smem:$0x3FAB] =	sst s8  }
0x11: {  	[smem:$0x3FAC] =	sst s9;
	s0 =	simm.s32 @!p0 $0x0  }
0x12: {  	s1 =	sld [smem:$0x3F92];
	s0 =	simm.s32 @p0 $0x1  }
0x13: {  	[smem:$0x3FAD] =	sst s0;
	s0 =	simm.s32 @!p1 $0x0  }
0x14: {  	s2 =	sld [smem:$0x3F91];
	s0 =	simm.s32 @p1 $0x1  }
0x15: {  	[smem:$0x3FAE] =	sst s0;
	s0 =	simm.s32 @!p2 $0x0  }
0x16: {  	s3 =	sld [smem:$0x3FDB];
	s0 =	simm.s32 @p2 $0x1  }
0x17: {  	s4 =	simm.s32 $0x1BF5;
	[smem:$0x3FB0] =	sst s0  }
0x18: {  	s0 =	sld [smem:$0x3F93];
	_ =	swait.ge [sflag:s4], $0x0  }
0x19: {  	s7 =	sld [smem:$0x3F94]  }
0x1a: {  	s8 =	sadd.s32 $0xFFFFE003, lr  }
0x1b: {  	s9 =	sadd.s32 $0xFFFFFEF7, lr;
	s5 =	simm.s32 $0xFFFFFFFF;
	p2 =	slt.u32 s8, $0xFFFFF086  }
0x1c: {  	p1 =	slt.u32 s9, $0xF7A;
	s5 =	simm.s32 @!p2 $0x0  }
0x1d: {  	s5 =	simm.s32 @p1 $0x1;
	p0 =	seq.s32 s7, s2  }
0x1e: {  	s7 =	smul.u32 @!p0 $0xF7A, s2;
	p2 =	seq.s32 @!p0 s5, $0x0  }
0x1f: {  	s9 =	smul.u32 $0xF7A, s1;
	s8 =	simm.s32 @!p0 $0x1BF5;
	p2 =	por !p2, p0  }
0x20: {  	[sflag:s8] =	ssyncset.s32 @!p0 $0xFFFFF086;
	s6 =	sadd.s32 @!p0 s3, s7;
	s7 =	simm.s32 @!p0 $0x108  }
0x21: {  	s3 =	sadd.s32 s3, s9;
	s6 =	sadd.s32 @!p0 $0x88, s6;
	s7 =	simm.s32 @p2 $0x1082  }
0x22: {  	[simem:s7], [sflag:s8] =	dma.local @!p0 [hbm:s6], $0xF7A  }
0x23: {  	s9 =	sor.u32 $0xD0000000, s2;
	s6 =	simm.s32 $0x108;
	_ =	swait.ge @!p0 [sflag:s8], $0x0  }
0x24: {  	s3 =	sadd.s32 $0x88, s3;
	s6 =	simm.s32 @!p1 $0x1082;
	[sflag:s4] =	ssyncset.s32 $0xFFFFF086  }
0x25: {  	[simem:s6], [sflag:s4] =	dma.local [hbm:s3], $0xF7A  }
0x26: {  	[smem:$0x3F94] =	sst s1;
	(tag) =	ssettag s2;
	_ =	strace s9  }
0x27: {  	s1 =	sld [smem:$0x3FA4]  }
0x28: {  	s2 =	sld [smem:$0x3FA5]  }
0x29: {  	s4 =	sld [smem:$0x3FA7]  }
0x2a: {  	p0 =	seq.s32 s5, $0x0;
	s5 =	sld [smem:$0x3FA8]  }
0x2b: {  	s6 =	sld [smem:$0x3FA9]  }
0x2c: {  	s7 =	sld [smem:$0x3FAA]  }
0x2d: {  	s3 =	simm.s32 $0x108;
	s8 =	sld [smem:$0x3FAB]  }
0x2e: {  	s3 =	simm.s32 @!p0 $0x1082;
	s9 =	sld [smem:$0x3FAC]  }
0x2f: {  	lr =	sadd.s32 s0, s3;
	s0 =	sld [smem:$0x3FA3]  }
0x30: {  	s3 =	sld [smem:$0x3FA6]  }
0x31: {  	[smem:$0x3FAF] =	sst s10  }
0x32: {  	s10 =	sld [smem:$0x3FAD];
	_ =	sdelay $0x3  }
0x33: {  	p0 =	seq.s32 s10, $0x1;
	s10 =	sld [smem:$0x3FAF];
	_ =	sdelay $0x3  }
0x34: {  	[smem:$0x3FAF] =	sst s10  }
0x35: {  	s10 =	sld [smem:$0x3FAE];
	_ =	sdelay $0x3  }
0x36: {  	p1 =	seq.s32 s10, $0x1;
	s10 =	sld [smem:$0x3FAF];
	_ =	sdelay $0x3  }
0x37: {  	[smem:$0x3FAF] =	sst s10  }
0x38: {  	s10 =	sld [smem:$0x3FB0]  }
0x39: {  	_ = 	snop;
	(pc) =	sbr.ind lr, $3  }
0x3a: {  	_ = 	snop  }
0x3b: {  	_ = 	snop  }
0x3c: {  	p2 =	seq.s32 s10, $0x1;
	s10 =	sld [smem:$0x3FAF]  }
0x3d: {  	_ =	shalt  }
0x3e: {  	_ =	shalt  }
0x3f: {  	_ =	shalt  }
0x40: {  	_ =	shalt  }
0x41: {  	_ =	shalt  }
0x42: {  	_ =	shalt  }
0x43: {  	_ =	shalt  }
0x44: {  	_ =	shalt  }
0x45: {  	_ =	shalt  }
0x46: {  	_ =	shalt  }
0x47: {  	_ =	shalt  }
0x48: {  	_ =	shalt  }
0x49: {  	_ =	shalt  }
0x4a: {  	_ =	shalt  }
0x4b: {  	_ =	shalt  }
0x4c: {  	_ =	shalt  }
0x4d: {  	_ =	shalt  }
0x4e: {  	_ =	shalt  }
0x4f: {  	_ =	shalt  }
0x50: {  	_ =	shalt  }
0x51: {  	_ =	shalt  }
0x52: {  	_ =	shalt  }
0x53: {  	_ =	shalt  }
0x54: {  	_ =	shalt  }
0x55: {  	_ =	shalt  }
0x56: {  	_ =	shalt  }
0x57: {  	_ =	shalt  }
0x58: {  	_ =	shalt  }
0x59: {  	_ =	shalt  }
0x5a: {  	_ =	shalt  }
0x5b: {  	_ =	shalt  }
0x5c: {  	_ =	shalt  }
0x5d: {  	_ =	shalt  }
0x5e: {  	_ =	shalt  }
0x5f: {  	_ =	shalt  }
0x60: {  	_ =	shalt  }
0x61: {  	_ =	shalt  }
0x62: {  	_ =	shalt  }
0x63: {  	_ =	shalt  }
0x64: {  	_ =	shalt  }
0x65: {  	_ =	shalt  }
0x66: {  	_ =	shalt  }
0x67: {  	_ =	shalt  }
0x68: {  	_ =	shalt  }
0x69: {  	_ =	shalt  }
0x6a: {  	_ =	shalt  }
0x6b: {  	_ =	shalt  }
0x6c: {  	_ =	shalt  }
0x6d: {  	_ =	shalt  }
0x6e: {  	_ =	shalt  }
0x6f: {  	_ =	shalt  }
0x70: {  	_ =	shalt  }
0x71: {  	_ =	shalt  }
0x72: {  	_ =	shalt  }
0x73: {  	_ =	shalt  }
0x74: {  	_ =	shalt  }
0x75: {  	_ =	shalt  }
0x76: {  	_ =	shalt  }
0x77: {  	_ =	shalt  }
0x78: {  	_ =	shalt  }
0x79: {  	_ =	shalt  }
0x7a: {  	_ =	shalt  }
0x7b: {  	_ =	shalt  }
0x7c: {  	_ =	shalt  }
0x7d: {  	_ =	shalt  }
0x7e: {  	_ =	shalt  }
0x7f: {  	_ =	shalt  }
0x80: {  	_ =	shalt  }
0x81: {  	_ =	shalt  }
0x82: {  	_ =	shalt  }
0x83: {  	_ =	shalt  }
0x84: {  	_ =	shalt  }
0x85: {  	_ =	shalt  }
0x86: {  	_ =	shalt  }
0x87: {  	_ =	shalt  }
.Lfunc_end0:
.L_simem_size_0:
called_computation_lowered:
.L_overlay_start_0:
0x88: {  	s2 =	sld [smem:$0x3FD9]  }
0x89: {  	s3 =	sld [smem:$0x3FFE];
	_ =	sdelay $0x1  }
0x8a: {  	s1 =	srdreg.scid  }
0x8b: {  	s0 =	sand.u32 $0x1, s1  }
0x8c: {  	s16 =	sshll.u32 s0, $0xA;
	s2 =	sadd.s32 s3, s2  }
0x8d: {  	s2 =	sadd.s32 s2, s16  }
0x8e: {  	[smem:$0x3FBB] =	sst s2  }
0x8f: {  	_ = 	snop  }
0x90: {  	(tm) =	ssettm $0x1  }
0x91: {  	s17 =	sld [smem:$0x3FFB];
	_ =	sdelay $0x3  }
0x92: {  	_ =	strace s17  }
0x93: {  	s2 =	sld [smem:$0x3FFC];
	_ =	sdelay $0x3  }
0x94: {  	_ =	strace s2  }
0x95: {  	s2 =	sld [smem:$0x3FFD];
	_ =	sdelay $0x3  }
0x96: {  	_ =	strace s2  }
0x97: {  	_ =	strace $0x8FFFFFFF  }
0x98: {  	s18 =	sld [smem:$0x3FDB];
	_ =	sdelay $0x1  }
0x99: {  	s19 =	simm.s32 $_scs_section_size  }
0x9a: {  	s4 =	simm.s32 $_size__tile_overlayer_lowered;
	s5 =	simm.s32 $_tile_overlayer_lowered  }
0x9b: {  	s22 =	simm.s32 $0x1BFF;
	s21 =	sshll.u32 s5, $0x1;
	s2 =	sadd.s32 s19, s18  }
0x9c: {  	s6 =	simm.s32 $0x0;
	s20 =	sshll.u32 s4, $0x1;
	s4 =	sadd.s32 s21, s2  }
0x9d: {  	[timem:s6], [sflag:s22] =	dma.local [hbm:s4], s20  }
0x9e: {  	_ =	swait.ge [sflag:s22], s20  }
0x9f: {  	s3 =	ssub.s32 $0x0, s20;
	[sflag:s22] =	ssyncset.done $0x0  }
0xa0: {  	[sflag:s22] =	ssyncadd.s32 s3;
	_ =	sdelay $0x1  }
0xa1: {  	s23 =	simm.s32 $0x1B8B  }
0xa2: {  	_ =	swait.ge [sflag:s23], $0x1  }
0xa3: {  	[sflag:s23] =	ssyncset.done $0x0  }
0xa4: {  	s25 =	simm.s32 $0x1B8E;
	s24 =	sld [smem:$0x3FFE];
	[sflag:s23] =	ssyncadd.s32 $0xFFFFFFFF  }
0xa5: {  	s26 =	simm.s32 $execute0_lowered;
	[smem:$0x3FD2] =	sst s25  }
0xa6: {  	s4 =	sshll.u32 s26, $0x1;
	_ =	strace $0x80000046;
	[dreg:$0x1] =	wrdreg $0xFFFFFFFF  }
0xa7: {  	s28 =	simm.s32 $_size_execute0_lowered;
	s2 =	sadd.s32 s2, s4;
	[dreg:$0x0] =	wrdreg $0x0  }
0xa8: {  	s4 =	sshll.u32 s28, $0x1;
	[dreg:$0x2] =	wrdreg s2  }
0xa9: {  	[dreg:$0x3] =	wrdreg s4  }
0xaa: {  	[dreg:$0x4] =	wrdreg $0xC0  }
0xab: {  	_ =	task [dreg:s6], $0x5FFFF  }
0xac: {  	[dreg:$0x1] =	wrdreg $0xFFFFFFFF  }
0xad: {  	[dreg:$0x0] =	wrdreg $0x60  }
0xae: {  	[dreg:$0x2] =	wrdreg s24  }
0xaf: {  	[dreg:$0x3] =	wrdreg $0xB8000  }
0xb0: {  	[dreg:$0x4] =	wrdreg $0x9  }
0xb1: {  	_ =	task.clear_ibuf [dreg:s6], $0x5FFFF;
	_ =	strace $0x90000046  }
0xb2: {  	s29 =	simm.s32 $0x9;
	_ =	strace $0x80000048  }
0xb3: {  	_ =	swait.ge [sflag:s29], $0x1  }
0xb4: {  	[sflag:s29] =	ssyncadd.s32 $0xFFFFFFFF  }
0xb5: {  	_ =	strace $0x90000048  }
0xb6: {  	_ =	sfence  }
0xb7: {  	s30 =	sld [smem:$0x0];
	_ =	sdelay $0x2  }
0xb8: {  	s31 =	sshll.u32 s1, $0xD;
	s1 =	sshrl.u32 s1, $0x2  }
0xb9: {  	s3 =	sand.u32 $0x4000, s31;
	s1 =	sadd.s32 s1, s30  }
0xba: {  	s0 =	sor.u32 s3, s0;
	s1 =	sshll.u32 s1, $0x11  }
0xbb: {  	s0 =	sor.u32 s1, s0  }
0xbc: {  	s0 =	sadd.s32 $0x8F2B, s0  }
0xbd: {  	[sflag:s0] =	ssyncadd.remote.s32 $0x1  }
0xbe: {  	_ =	sfence.sel $0xFFFF  }
0xbf: {  	[dreg:$0x0] =	wrdreg $0xFFFFFFFF;
	(pc) =	sbr.abs _section_cstart, $3  }
0xc0: {  	[dreg:$0x1] =	wrdreg $0xFFFFFFFF  }
0xc1: {  	_ =	task.clear_ibuf [dreg:s6], $0x2FFFF;
	_ =	strace $0x9FFFFFFF  }
0xc2: {  	(tm) =	ssettm $0x7FFFFFFF  }
0xc3: {  	_ =	shalt  }
tec
execute0_lowered:
.L_overlay_start_1:
0x0: {  	(tag) =	ssettag $0x1  }
0x1: {  	s5 =	rddreg [dreg:$0x0]  }
0x2: {  	s2 =	rddreg [dreg:$0x1]  }
0x3: {  	s3 =	srdreg.scid;
	s0 =	stileid.u32;
	s11 =	simm.s32 $0x4  }
0x4: {  	s12 =	simm.s32 $0x2800;
	s13 =	simm.s32 $0x80;
	s14 =	simm.s32 $0x5000  }
0x5: {  	s15 =	simm.s32 $0x5800;
	s16 =	simm.s32 $0x100;
	s17 =	simm.s32 $0x6000  }
0x6: {  	s18 =	simm.s32 $0x180;
	s19 =	simm.s32 $0x6800;
	s20 =	simm.s32 $0x1  }
0x7: {  	s21 =	simm.s32 $0x7000;
	s22 =	simm.s32 $0x7800;
	s23 =	simm.s32 $0x8000  }
0x8: {  	s24 =	simm.s32 $0x8800;
	s25 =	simm.s32 $0x2;
	s26 =	simm.s32 $0x3  }
0x9: {  	s28 =	simm.s32 $0x0;
	s6 =	sand.u32 $0x1, s3;
	s7 =	smul.u32 $0x2800, s0  }
0xa: {  	s3 =	simm.s32 $0x0;
	s4 =	sshll.u32 s6, $0x4;
	s8 =	smul.u32 $0x28000, s6  }
0xb: {  	[smem:$0x7FF] =	sst s3;
	s6 =	ssub.s32 $0x2, s6;
	s4 =	sor.u32 s0, s4  }
0xc: {  	_ =	strace $0x80000047;
	s9 =	smul.u32 $0x500, s4;
	s8 =	sadd.s32 s7, s8  }
0xd: {  	s31 =	sshrl.u32 s6, $0x1;
	s4 =	sadd.s32 $0x1000, s5;
	s8 =	sshrl.u32 s8, $0x3  }
0xe: {  	s10 =	ssub.s32 s6, s31;
	s9 =	sadd.s32 s9, s5;
	s8 =	sadd.s32 s8, s5  }
0xf: {  	s5 =	sadd.s32 s7, s2;
	s6 =	sadd.s32 $0x6000, s9;
	s7 =	sadd.s32 $0x10000, s9  }
0x10: {  	v0 =	vimm.f32 $0.0e+00;
	s8 =	sadd.s32 $0x1A000, s8;
	s9 =	smax.u32 s10, $0x1;
	s10 =	simm.s32 $0x9000  }
.LBB2_1:
0x11: {  	s29 =	simm.s32 $0x40;
	s30 =	simm.s32 $0x0  }
.LBB2_2:
0x12: {  	p0 =	sne.s32 s29, $0x9FC0;
	[tilespmem:s30+$0x9000] =	vst v0;
	s30 =	smov.u32 s29;
	s29 =	sadd.s32 $0x40, s29  }
.Ltmp0:
0x13: {  	(pc) =	sbr.rel @p0 .LBB2_2-.Ltmp0, $2  }
0x14: {  	_ =	sdelay $0x2  }
0x15: {  	s30 =	sshra.s32 s30, $0x2  }
0x16: {  	[tilespmem:s30+$0x9000] =	vst v0  }
0x17: {  	[spmem:s5] =	stream.linear.scatter [tilespmem:s10], [sflag:$0x4], $0x2800, $0x38;
	[tilespmem:$0xE000] =	vst v63  }
0x18: {  	_ =	swait.ge [sflag:s11], $0x2800  }
0x19: {  	[sflag:s11] =	ssyncset.done $0x0  }
0x1a: {  	s29 =	simm.s32 $0x0;
	[sflag:s11] =	ssyncadd.s32 $0xFFFFD800  }
0x1b: {  	[tilespmem:s29], [sflag:$0x4] =	stream.linear.gather [hbm4b:s6+s29], $0x2800, $0x38;
	[tilespmem:$0xE000] =	vst v63  }
0x1c: {  	_ =	swait.ge [sflag:s11], $0x2800  }
0x1d: {  	[sflag:s11] =	ssyncset.done $0x0  }
0x1e: {  	[sflag:s11] =	ssyncadd.s32 $0xFFFFD800  }
0x1f: {  	[tilespmem:s12], [sflag:$0x4] =	stream.linear.gather [hbm4b:s7+s29], $0x2800, $0x38;
	[tilespmem:$0xE000] =	vst v63  }
0x20: {  	_ =	swait.ge [sflag:s11], $0x2800  }
0x21: {  	[sflag:s11] =	ssyncset.done $0x0  }
0x22: {  	[sflag:s11] =	ssyncadd.s32 $0xFFFFD800  }
0x23: {  	[bflag:$0x0] =	sbarrier.arrive $0xFFFF  }
0x24: {  	[tilespmem:s14], [sflag:$0x1] =	stream.indirect.gather [hbm4b:s4+s13], $0x10, s29, s13, $0xb8;
	[tilespmem:$0xE000] =	vst v63  }
0x25: {  	_ = 	snop  }
0x26: {  	[tilespmem:s15], [sflag:$0x1] =	stream.indirect.gather [hbm4b:s4+s13], $0x10, s13, s13, $0xb8;
	[tilespmem:$0xE000] =	vst v63  }
0x27: {  	_ = 	snop  }
0x28: {  	[tilespmem:s17], [sflag:$0x1] =	stream.indirect.gather [hbm4b:s4+s13], $0x10, s16, s13, $0xb8;
	[tilespmem:$0xE000] =	vst v63  }
0x29: {  	_ = 	snop  }
0x2a: {  	[tilespmem:s19], [sflag:$0x1] =	stream.indirect.gather [hbm4b:s4+s13], $0x10, s18, s13, $0xb8;
	[tilespmem:$0xE000] =	vst v63  }
.LBB2_4:
0x2b: {  	_ =	swait.ge [sflag:s20], $0x800  }
0x2c: {  	[sflag:s20] =	ssyncset.done $0x0  }
0x2d: {  	[sflag:s20] =	ssyncadd.s32 $0xFFFFF800  }
0x2e: {  	_ =	swait.ge [sflag:s20], $0x800  }
0x2f: {  	[sflag:s20] =	ssyncset.done $0x0  }
0x30: {  	[sflag:s20] =	ssyncadd.s32 $0xFFFFF800  }
0x31: {  	_ =	swait.ge [sflag:s20], $0x800  }
0x32: {  	[sflag:s20] =	ssyncset.done $0x0  }
0x33: {  	[sflag:s20] =	ssyncadd.s32 $0xFFFFF800  }
0x34: {  	_ =	swait.ge [sflag:s20], $0x800  }
0x35: {  	s30 =	sshra.s32 s29, $0x2;
	[sflag:s20] =	ssyncset.done $0x0  }
0x36: {  	s31 =	sadd.s32 $0x2800, s30;
	[sflag:s20] =	ssyncadd.s32 $0xFFFFF800  }
0x37: {  	[spmem:s2] =	stream.indirect.scatter.add.f32 [tilespmem:s14], [sflag:$0x2], $0x10, s31, s13, $0xb8;
	[tilespmem:$0xE000] =	vst v63  }
0x38: {  	s0 =	sadd.s32 $0x2880, s30  }
0x39: {  	[spmem:s2] =	stream.indirect.scatter.add.f32 [tilespmem:s15], [sflag:$0x2], $0x10, s0, s13, $0xb8;
	[tilespmem:$0xE000] =	vst v63  }
0x3a: {  	p0 =	seq.s32 s29, $0x0;
	s1 =	sadd.s32 $0x2900, s30  }
0x3b: {  	[spmem:s2] =	stream.indirect.scatter.add.f32 [tilespmem:s17], [sflag:$0x2], $0x10, s1, s13, $0xb8;
	[tilespmem:$0xE000] =	vst v63  }
0x3c: {  	s31 =	simm.s32 @!p0 $0x3;
	s0 =	sadd.s32 $0x2980, s30  }
0x3d: {  	[spmem:s2] =	stream.indirect.scatter.add.f32 [tilespmem:s19], [sflag:$0x2], $0x10, s0, s13, $0xb8;
	[tilespmem:$0xE000] =	vst v63  }
0x3e: {  	_ =	swait.ge @!p0 [sflag:s31], $0x800  }
0x3f: {  	[sflag:s31] =	ssyncset.done @!p0 $0x0  }
0x40: {  	[sflag:s31] =	ssyncadd.s32 @!p0 $0xFFFFF800  }
0x41: {  	_ =	swait.ge @!p0 [sflag:s31], $0x800  }
0x42: {  	[sflag:s31] =	ssyncset.done @!p0 $0x0  }
0x43: {  	[sflag:s31] =	ssyncadd.s32 @!p0 $0xFFFFF800  }
0x44: {  	_ =	swait.ge @!p0 [sflag:s31], $0x800  }
0x45: {  	[sflag:s31] =	ssyncset.done @!p0 $0x0  }
0x46: {  	[sflag:s31] =	ssyncadd.s32 @!p0 $0xFFFFF800  }
0x47: {  	_ =	swait.ge @!p0 [sflag:s31], $0x800  }
0x48: {  	[sflag:s31] =	ssyncset.done @!p0 $0x0  }
0x49: {  	s1 =	sadd.s32 $0x200, s30;
	[sflag:s31] =	ssyncadd.s32 @!p0 $0xFFFFF800  }
0x4a: {  	[tilespmem:s21], [sflag:$0x1] =	stream.indirect.gather [hbm4b:s4+s13], $0x10, s1, s13, $0xb8;
	[tilespmem:$0xE000] =	vst v63  }
0x4b: {  	s0 =	sadd.s32 $0x280, s30  }
0x4c: {  	[tilespmem:s22], [sflag:$0x1] =	stream.indirect.gather [hbm4b:s4+s13], $0x10, s0, s13, $0xb8;
	[tilespmem:$0xE000] =	vst v63  }
0x4d: {  	s1 =	sadd.s32 $0x300, s30  }
0x4e: {  	[tilespmem:s23], [sflag:$0x1] =	stream.indirect.gather [hbm4b:s4+s13], $0x10, s1, s13, $0xb8;
	[tilespmem:$0xE000] =	vst v63  }
0x4f: {  	s0 =	sadd.s32 $0x380, s30  }
0x50: {  	[tilespmem:s24], [sflag:$0x1] =	stream.indirect.gather [hbm4b:s4+s13], $0x10, s0, s13, $0xb8;
	[tilespmem:$0xE000] =	vst v63  }
0x51: {  	_ =	swait.ge [sflag:s20], $0x800  }
0x52: {  	[sflag:s20] =	ssyncset.done $0x0  }
0x53: {  	[sflag:s20] =	ssyncadd.s32 $0xFFFFF800  }
0x54: {  	_ =	swait.ge [sflag:s20], $0x800  }
0x55: {  	[sflag:s20] =	ssyncset.done $0x0  }
0x56: {  	[sflag:s20] =	ssyncadd.s32 $0xFFFFF800  }
0x57: {  	_ =	swait.ge [sflag:s20], $0x800  }
0x58: {  	[sflag:s20] =	ssyncset.done $0x0  }
0x59: {  	[sflag:s20] =	ssyncadd.s32 $0xFFFFF800  }
0x5a: {  	_ =	swait.ge [sflag:s20], $0x800  }
0x5b: {  	[sflag:s20] =	ssyncset.done $0x0  }
0x5c: {  	s1 =	sadd.s32 $0x2A00, s30;
	[sflag:s20] =	ssyncadd.s32 $0xFFFFF800  }
0x5d: {  	[spmem:s2] =	stream.indirect.scatter.add.f32 [tilespmem:s21], [sflag:$0x3], $0x10, s1, s13, $0xb8;
	[tilespmem:$0xE000] =	vst v63  }
0x5e: {  	s0 =	sadd.s32 $0x2A80, s30  }
0x5f: {  	[spmem:s2] =	stream.indirect.scatter.add.f32 [tilespmem:s22], [sflag:$0x3], $0x10, s0, s13, $0xb8;
	[tilespmem:$0xE000] =	vst v63  }
0x60: {  	s1 =	sadd.s32 $0x2B00, s30  }
0x61: {  	[spmem:s2] =	stream.indirect.scatter.add.f32 [tilespmem:s23], [sflag:$0x3], $0x10, s1, s13, $0xb8;
	[tilespmem:$0xE000] =	vst v63  }
0x62: {  	s30 =	sadd.s32 $0x2B80, s30  }
0x63: {  	[spmem:s2] =	stream.indirect.scatter.add.f32 [tilespmem:s24], [sflag:$0x3], $0x10, s30, s13, $0xb8;
	[tilespmem:$0xE000] =	vst v63  }
0x64: {  	_ =	swait.ge [sflag:s25], $0x800  }
0x65: {  	[sflag:s25] =	ssyncset.done $0x0  }
0x66: {  	[sflag:s25] =	ssyncadd.s32 $0xFFFFF800  }
0x67: {  	_ =	swait.ge [sflag:s25], $0x800  }
0x68: {  	[sflag:s25] =	ssyncset.done $0x0  }
0x69: {  	[sflag:s25] =	ssyncadd.s32 $0xFFFFF800  }
0x6a: {  	_ =	swait.ge [sflag:s25], $0x800  }
0x6b: {  	[sflag:s25] =	ssyncset.done $0x0  }
0x6c: {  	[sflag:s25] =	ssyncadd.s32 $0xFFFFF800  }
0x6d: {  	p0 =	seq.s32 s29, $0x9000;
	_ =	swait.ge [sflag:s25], $0x800  }
0x6e: {  	s0 =	simm.s32 @!p0 $0x80;
	s30 =	sshra.s32 @!p0 s29, $0x2;
	[sflag:s25] =	ssyncset.done $0x0  }
0x6f: {  	s1 =	simm.s32 @!p0 $0x5000;
	s31 =	sadd.s32 @!p0 $0x400, s30;
	[sflag:s25] =	ssyncadd.s32 $0xFFFFF800  }
0x70: {  	[tilespmem:s1], [sflag:$0x1] =	stream.indirect.gather @!p0 [hbm4b:s4+s0], $0x10, s31, s0, $0xb8;
	[tilespmem:$0xE000] =	vst v63  }
0x71: {  	s1 =	sadd.s32 @!p0 $0x480, s30;
	s31 =	simm.s32 @!p0 $0x5800  }
0x72: {  	[tilespmem:s31], [sflag:$0x1] =	stream.indirect.gather @!p0 [hbm4b:s4+s0], $0x10, s1, s0, $0xb8;
	[tilespmem:$0xE000] =	vst v63  }
0x73: {  	s29 =	sadd.s32 @!p0 $0x1000, s29;
	s1 =	sadd.s32 @!p0 $0x500, s30;
	s31 =	simm.s32 @!p0 $0x6000  }
0x74: {  	[tilespmem:s31], [sflag:$0x1] =	stream.indirect.gather @!p0 [hbm4b:s4+s0], $0x10, s1, s0, $0xb8;
	[tilespmem:$0xE000] =	vst v63  }
0x75: {  	p1 =	sne.s32 @!p0 s29, $0xA000;
	s1 =	sadd.s32 @!p0 $0x580, s30;
	s30 =	simm.s32 @!p0 $0x6800  }
0x76: {  	[tilespmem:s30], [sflag:$0x1] =	stream.indirect.gather @!p0 [hbm4b:s4+s0], $0x10, s1, s0, $0xb8;
	[tilespmem:$0xE000] =	vst v63  }
0x77: {  	p0 =	por p0, !p1  }
.Ltmp1:
0x78: {  	_ = 	snop;
	(pc) =	sbr.rel @!p0 .LBB2_4-.Ltmp1, $1  }
0x79: {  	_ =	sdelay $0x3  }
0x7a: {  	_ =	swait.ge [sflag:s26], $0x800  }
0x7b: {  	[sflag:s26] =	ssyncset.done $0x0  }
0x7c: {  	[sflag:s26] =	ssyncadd.s32 $0xFFFFF800  }
0x7d: {  	_ =	swait.ge [sflag:s26], $0x800  }
0x7e: {  	[sflag:s26] =	ssyncset.done $0x0  }
0x7f: {  	[sflag:s26] =	ssyncadd.s32 $0xFFFFF800  }
0x80: {  	_ =	swait.ge [sflag:s26], $0x800  }
0x81: {  	[sflag:s26] =	ssyncset.done $0x0  }
0x82: {  	[sflag:s26] =	ssyncadd.s32 $0xFFFFF800  }
0x83: {  	_ =	swait.ge [sflag:s26], $0x800  }
0x84: {  	[sflag:s26] =	ssyncset.done $0x0  }
0x85: {  	[sflag:s26] =	ssyncadd.s32 $0xFFFFF800  }
0x86: {  	[bflag:$0x0] =	sbarrier.arrive $0xFFFF  }
0x87: {  	[tilespmem:s10], [sflag:$0x4] =	stream.linear.gather [spmem:s5], $0x2800, $0x38;
	[tilespmem:$0xE000] =	vst v63  }
0x88: {  	s28 =	sadd.s32 $0x1, s28;
	_ =	swait.ge [sflag:s11], $0x2800  }
0x89: {  	p0 =	sne.s32 s28, s9;
	[sflag:s11] =	ssyncset.done $0x0  }
.Ltmp2:
0x8a: {  	[sflag:s11] =	ssyncadd.s32 $0xFFFFD800;
	(pc) =	sbr.rel @p0 .LBB2_1-.Ltmp2, $4  }
0x8b: {  	[hbm4b:s8+s3] =	stream.linear.scatter [tilespmem:s10], [sflag:$0x4], $0x2800, $0x38;
	[tilespmem:$0xE000] =	vst v63  }
0x8c: {  	_ =	swait.ge [sflag:s11], $0x2800  }
0x8d: {  	[sflag:s11] =	ssyncset.done $0x0  }
0x8e: {  	[sflag:s11] =	ssyncadd.s32 $0xFFFFD800  }
0x8f: {  	_ =	sfence.sel $0x180000  }
0x90: {  	[bflag:$0x0] =	sbarrier.arrive $0xFFFF  }
0x91: {  	_ =	strace $0x90000047  }
0x92: {  	s0 =	stileid.u32;
	[bflag:$0x2] =	sbarrier.arrive $0xFFFF  }
0x93: {  	p0 =	sne.s32 s0, $0x0;
	s0 =	rddreg [dreg:$0x2]  }
0x94: {  	s0 =	sadd.s32 @!p0 $0x100000, s0  }
0x95: {  	[sflag:s0] =	ssyncadd.tile.s32 @!p0 $0x1;
	_ =	shalt  }
.Lfunc_end2:
_tile_overlayer_lowered:
.L_overlay_start_2:
0x96: {  	(tag) =	ssettag $0x2  }
0x97: {  	s0 =	rddreg [dreg:$0x0];
	s2 =	stileid.u32  }
0x98: {  	s1 =	rddreg [dreg:$0x1];
	p0 =	sne.s32 s2, $0x0  }
0x99: {  	s3 =	rddreg [dreg:$0x2];
	[bflag:$0x3] =	sbarrier.arrive $0xFFFF;
	s2 =	simm.s32 @!p0 $0x1C04  }
0x9a: {  	[timem:s3], [sflag:s2] =	dma.local @!p0 [hbm:s0], s1  }
0x9b: {  	s0 =	simm.s32 @!p0 $0x4  }
0x9c: {  	_ =	swait.ge @!p0 [sflag:s0], s1  }
0x9d: {  	s1 =	ssub.s32 @!p0 $0x0, s1;
	[sflag:s0] =	ssyncset.done @!p0 $0x0  }
0x9e: {  	[sflag:s0] =	ssyncadd.s32 @!p0 s1  }
0x9f: {  	[bflag:$0x3] =	sbarrier.arrive $0xFFFF  }
0xa0: {  	_ =	shalt  }

</sc_bundles>
